<compile_context>
chip_gen: v7x
topology: tpu7x:2x2x1
jax: 0.10.2.dev20260603
libtpu: 0.0.44.dev20260713+nightly
codegen_flags: <defaults>
</compile_context>

<pallas_src>
import jax
import jax.numpy as jnp
from jax import lax
from jax.experimental import pallas as pl
from jax.experimental.pallas import tpu as pltpu
from jax.experimental.pallas import tpu_sc as plsc

_CH = 16
_BS_SC = 16
_CPW = _BS_SC * 16 // 32


def _qpool_sc_body(rho_hbm, out_hbm,
                   rbuf0, rbuf1, cdbuf0, cdbuf1, obuf0, obuf1,
                   semr0, semr1, semc0, semc1, semo0, semo1):
    cid = lax.axis_index("c")
    sid = lax.axis_index("s")
    wid = sid * 2 + cid
    g0 = wid * _CPW
    lanes = lax.iota(jnp.int32, 16)

    ins = [(rbuf0, cdbuf0, semr0, semc0), (rbuf1, cdbuf1, semr1, semc1)]
    obufs = [(obuf0, semo0), (obuf1, semo1)]

    def issue(g, p):
        rbuf, cdbuf, semr, semc = ins[p]
        bat = g >> 4
        r0 = 64 * (g & 15)
        pltpu.async_copy(rho_hbm.at[bat, pl.ds(r0, 32)], rbuf, semr)
        pltpu.async_copy(
            rho_hbm.at[bat, pl.ds(r0 + 32, 32),
                       pl.ds((r0 + 32) // 128 * 128, 128)],
            cdbuf, semc)

    def wait_in(p):
        rbuf, cdbuf, semr, semc = ins[p]
        pltpu.make_async_copy(rho_hbm.at[0, pl.ds(0, 32)],
                              rbuf, semr).wait()
        pltpu.make_async_copy(rho_hbm.at[0, pl.ds(0, 32), pl.ds(0, 128)],
                              cdbuf, semc).wait()

    def compute(g, p, first):
        rbuf, cdbuf, _, _ = ins[p]
        obuf, semo = obufs[p]
        if not first:
            pltpu.make_async_copy(obuf, out_hbm.at[0, pl.ds(0, _CH)],
                                  semo).wait()
        bat = g >> 4
        i0 = g & 15
        base16 = 16 * i0
        off = (64 * i0 + 32) % 128

        def row_body(t, carry2):
            tf = jnp.full((16,), t, jnp.int32)
            te = 2 * tf
            to = te + 1

            for lp in range(16):
                av = plsc.load_gather(rbuf, [te, 64 * lp + 2 * lanes])
                obuf[t, pl.ds(16 * lp, 16)] = av

            bv = plsc.load_gather(rbuf, [to, 64 * lanes + 2 * t + 1])
            plsc.addupdate_scatter(obuf, [tf, 16 * lanes + t], bv)

            cv = plsc.load_gather(cdbuf, [te, off + 2 * lanes])
            dv = plsc.load_gather(cdbuf, [to, jnp.full((16,), off,
                                                       jnp.int32) + 2 * t + 1])
            cd = cv + jnp.where(lanes == t, dv, jnp.float32(0))
            plsc.addupdate_scatter(obuf, [tf, base16 + lanes], cd)
            return carry2
        lax.fori_loop(0, _CH, row_body, 0)

        pltpu.async_copy(obuf, out_hbm.at[bat, pl.ds(base16, _CH)], semo)

    issue(g0, 0)
    issue(g0 + 1, 1)
    for p in range(2):
        g = g0 + p
        wait_in(p)
        compute(g, p, first=True)
        issue(g + 2, p)

    def pair_body(kk, carry):
        for p in range(2):
            g = g0 + 2 * kk + p
            wait_in(p)
            compute(g, p, first=False)

            @pl.when(kk < (_CPW // 2) - 1)
            def _():
                issue(g + 2, p)
        return carry
    lax.fori_loop(1, _CPW // 2, pair_body, 0)

    for p in range(2):
        obuf, semo = obufs[p]
        pltpu.make_async_copy(obuf, out_hbm.at[0, pl.ds(0, _CH)],
                              semo).wait()


def _qpool_sc(rho):
    return pl.kernel(
        _qpool_sc_body,
        out_type=jax.ShapeDtypeStruct((_BS_SC, 256, 256), jnp.float32),
        mesh=plsc.VectorSubcoreMesh(core_axis_name="c", subcore_axis_name="s"),
        scratch_types=(
            [pltpu.VMEM((32, 1024), jnp.float32)] * 2
            + [pltpu.VMEM((32, 128), jnp.float32)] * 2
            + [pltpu.VMEM((_CH, 256), jnp.float32)] * 2
            + [pltpu.SemaphoreType.DMA] * 6
        ),
        compiler_params=pltpu.CompilerParams(use_tc_tiling_on_sc=True,
                                             needs_layout_passes=False),
    )(rho)


def kernel(rho, mask_x, mask_y, new_x, new_y):
    return _qpool_sc(rho)

# --- scband reference (transcript-rebuilt; emitter-appended) ---
"""Pipeline reference for scband-qpooling-14302241096056 (READ-ONLY COPY).

The authoritative reference and input builder live on the scoring server;
editing this copy changes nothing except your own understanding.
"""

import jax, jax.numpy as jnp
import numpy as np

D = 32
K = 2
ND = D // K
B = 16

def _build_indices(d, k):
    nd = d // k
    x = np.arange(d * d)
    y = np.arange(d * d)
    f = x // (d * d)
    h = y // (d * d)
    i = (x % (d * d)) // d
    j = (x % (d * d)) % d
    l = (y % (d * d)) // d
    m = (y % (d * d)) % d
    f_g, h_g = np.meshgrid(f, h, indexing='ij')
    i_g, l_g = np.meshgrid(i, l, indexing='ij')
    j_g, m_g = np.meshgrid(j, m, indexing='ij')
    match_odd1 = ((i_g % k != 0) & (i_g == l_g)) | (i_g % k == 0)
    match_odd2 = ((j_g % k != 0) & (j_g == m_g)) | (j_g % k == 0)
    inject = ((i_g % k) == (l_g % k)) & ((j_g % k) == (m_g % k))
    mask = inject & match_odd1 & match_odd2
    coords = np.argwhere(mask)
    mx = coords[:, 0].astype(np.int32)
    my = coords[:, 1].astype(np.int32)
    new_x = ((i_g[mask] // k) * nd + (j_g[mask] // k) + f_g[mask] * nd * nd).astype(np.int32)
    new_y = ((l_g[mask] // k) * nd + (m_g[mask] // k) + h_g[mask] * nd * nd).astype(np.int32)
    return mx, my, new_x, new_y

def setup_inputs(seed: int = 0):
    key = jax.random.key(seed)
    rho = jax.random.normal(key, (B, D * D, D * D), dtype=jnp.float32)
    mx, my, nx, ny = _build_indices(D, K)
    return {
        'rho': rho,
        'mask_x': jnp.asarray(mx),
        'mask_y': jnp.asarray(my),
        'new_x': jnp.asarray(nx),
        'new_y': jnp.asarray(ny),
    }

def reference(rho, mask_x, mask_y, new_x, new_y):
    b = rho.shape[0]
    nd2 = ND * ND
    # gather the masked density-matrix entries: [b, L]
    values = rho[:, mask_x, mask_y]
    # scatter-add (partial trace) into pooled density matrix
    new_rho = jnp.zeros((b, nd2, nd2), dtype=rho.dtype)
    new_rho = new_rho.at[:, new_x, new_y].add(values)
    return new_rho

if __name__ == "__main__":
    import jax
    _d = setup_inputs()
    print(jax.jit(kernel)(*tuple(_d.values())))

</pallas_src>

<mosaic_0001>
#map = affine_map<(d0, d1) -> (0, 0, 0)>
module attributes {stable_mosaic.version = 14 : i64} {
  func.func @_qpool_sc_body(%arg0: i32, %arg1: i32, %arg2: memref<16x1024x1024xf32, #tpu.memory_space<hbm>>, %arg3: memref<16x256x256xf32, #tpu.memory_space<hbm>>, %arg4: memref<32x1024xf32, #tpu.memory_space<vmem>>, %arg5: memref<32x1024xf32, #tpu.memory_space<vmem>>, %arg6: memref<32x128xf32, #tpu.memory_space<vmem>>, %arg7: memref<32x128xf32, #tpu.memory_space<vmem>>, %arg8: memref<16x256xf32, #tpu.memory_space<vmem>>, %arg9: memref<16x256xf32, #tpu.memory_space<vmem>>, %arg10: memref<!tpu.dma_semaphore, #tpu.memory_space<semaphore_mem>>, %arg11: memref<!tpu.dma_semaphore, #tpu.memory_space<semaphore_mem>>, %arg12: memref<!tpu.dma_semaphore, #tpu.memory_space<semaphore_mem>>, %arg13: memref<!tpu.dma_semaphore, #tpu.memory_space<semaphore_mem>>, %arg14: memref<!tpu.dma_semaphore, #tpu.memory_space<semaphore_mem>>, %arg15: memref<!tpu.dma_semaphore, #tpu.memory_space<semaphore_mem>>) attributes {dimension_semantics = [#tpu.dimension_semantics<core_parallel>, #tpu.dimension_semantics<subcore_parallel>], iteration_bounds = array<i64: 2, 16>, scalar_prefetch = 0 : i64, scratch_operands = 12 : i64, tpu.core_type = #tpu.core_type<sc_vector_subcore>, window_params = [{transform_indices = #map}, {transform_indices = #map}]} {
    %mul3A = arith.constant 2 : i32
    %mul3A_0 = arith.muli %arg1, %mul3A : i32
    %add3A = arith.addi %mul3A_0, %arg0 : i32
    %mul3A_1 = arith.constant 8 : i32
    %mul3A_2 = arith.muli %add3A, %mul3A_1 : i32
    %iota3A = tpu.iota {dimensions = array<i32: 0>} : vector<16xi32>
    %shift_right_arithmetic3A = arith.constant 4 : i32
    %shift_right_arithmetic3A_3 = arith.shrsi %mul3A_2, %shift_right_arithmetic3A : i32
    %and3A = arith.constant 15 : i32
    %and3A_4 = arith.andi %mul3A_2, %and3A : i32
    %mul3A_5 = arith.constant 64 : i32
    %mul3A_6 = arith.muli %mul3A_5, %and3A_4 : i32
    %dma_start3A = arith.constant 0 : i32
    %dma_start3A_7 = tpu.memref_slice %arg2[%shift_right_arithmetic3A_3, %mul3A_6, %dma_start3A] : memref<16x1024x1024xf32, #tpu.memory_space<hbm>> -> memref<1x32x1024xf32, #tpu.memory_space<hbm>>
    %dma_start3A_8 = tpu.memref_squeeze %dma_start3A_7 : memref<1x32x1024xf32, #tpu.memory_space<hbm>> -> memref<32x1024xf32, #tpu.memory_space<hbm>>
    %dma_start3A_9 = arith.constant 0 : i32
    %dma_start3A_10 = tpu.memref_slice %arg2[%shift_right_arithmetic3A_3, %mul3A_6, %dma_start3A_9] : memref<16x1024x1024xf32, #tpu.memory_space<hbm>> -> memref<1x32x1024xf32, #tpu.memory_space<hbm>>
    %dma_start3A_11 = tpu.memref_squeeze %dma_start3A_10 : memref<1x32x1024xf32, #tpu.memory_space<hbm>> -> memref<32x1024xf32, #tpu.memory_space<hbm>>
    tpu.enqueue_dma source(%dma_start3A_11 : memref<32x1024xf32, #tpu.memory_space<hbm>>) target(%arg4 : memref<32x1024xf32, #tpu.memory_space<vmem>>) target_semaphore(%arg10 : memref<!tpu.dma_semaphore, #tpu.memory_space<semaphore_mem>>)
    %add3A_12 = arith.constant 32 : i32
    %add3A_13 = arith.addi %mul3A_6, %add3A_12 : i32
    %add3A_14 = arith.constant 32 : i32
    %add3A_15 = arith.addi %mul3A_6, %add3A_14 : i32
    %jit3A = arith.constant 128 : i32
    %div3A = arith.divsi %add3A_15, %jit3A : i32
    %sign3A = arith.constant 0 : i32
    %sign3A_16 = arith.cmpi sgt, %add3A_15, %sign3A : i32
    %sign3A_17 = arith.extui %sign3A_16 : i1 to i32
    %sign3A_18 = arith.constant 0 : i32
    %sign3A_19 = arith.cmpi slt, %add3A_15, %sign3A_18 : i32
    %sign3A_20 = arith.extui %sign3A_19 : i1 to i32
    %sign3A_21 = arith.subi %sign3A_17, %sign3A_20 : i32
    %sign3A_22 = arith.constant 0 : i32
    %sign3A_23 = arith.cmpi sgt, %jit3A, %sign3A_22 : i32
    %sign3A_24 = arith.extui %sign3A_23 : i1 to i32
    %sign3A_25 = arith.constant 0 : i32
    %sign3A_26 = arith.cmpi slt, %jit3A, %sign3A_25 : i32
    %sign3A_27 = arith.extui %sign3A_26 : i1 to i32
    %sign3A_28 = arith.subi %sign3A_24, %sign3A_27 : i32
    %ne3A = arith.cmpi ne, %sign3A_21, %sign3A_28 : i32
    %rem3A = arith.remsi %add3A_15, %jit3A : i32
    %ne3A_29 = arith.constant 0 : i32
    %ne3A_30 = arith.cmpi ne, %rem3A, %ne3A_29 : i32
    %and3A_31 = arith.andi %ne3A, %ne3A_30 : i1
    %sub3A = arith.constant 1 : i32
    %sub3A_32 = arith.subi %div3A, %sub3A : i32
    %select_n3A = arith.select %and3A_31, %sub3A_32, %div3A : i32
    %mul3A_33 = arith.constant 128 : i32
    %mul3A_34 = arith.muli %select_n3A, %mul3A_33 : i32
    %dma_start3A_35 = tpu.memref_slice %arg2[%shift_right_arithmetic3A_3, %add3A_13, %mul3A_34] : memref<16x1024x1024xf32, #tpu.memory_space<hbm>> -> memref<1x32x128xf32, #tpu.memory_space<hbm>>
    %dma_start3A_36 = tpu.memref_squeeze %dma_start3A_35 : memref<1x32x128xf32, #tpu.memory_space<hbm>> -> memref<32x128xf32, #tpu.memory_space<hbm>>
    %dma_start3A_37 = tpu.memref_slice %arg2[%shift_right_arithmetic3A_3, %add3A_13, %mul3A_34] : memref<16x1024x1024xf32, #tpu.memory_space<hbm>> -> memref<1x32x128xf32, #tpu.memory_space<hbm>>
    %dma_start3A_38 = tpu.memref_squeeze %dma_start3A_37 : memref<1x32x128xf32, #tpu.memory_space<hbm>> -> memref<32x128xf32, #tpu.memory_space<hbm>>
    tpu.enqueue_dma source(%dma_start3A_38 : memref<32x128xf32, #tpu.memory_space<hbm>>) target(%arg6 : memref<32x128xf32, #tpu.memory_space<vmem>>) target_semaphore(%arg12 : memref<!tpu.dma_semaphore, #tpu.memory_space<semaphore_mem>>)
    %add3A_39 = arith.constant 1 : i32
    %add3A_40 = arith.addi %mul3A_2, %add3A_39 : i32
    %shift_right_arithmetic3A_41 = arith.constant 4 : i32
    %shift_right_arithmetic3A_42 = arith.shrsi %add3A_40, %shift_right_arithmetic3A_41 : i32
    %and3A_43 = arith.constant 15 : i32
    %and3A_44 = arith.andi %add3A_40, %and3A_43 : i32
    %mul3A_45 = arith.constant 64 : i32
    %mul3A_46 = arith.muli %mul3A_45, %and3A_44 : i32
    %dma_start3A_47 = arith.constant 0 : i32
    %dma_start3A_48 = tpu.memref_slice %arg2[%shift_right_arithmetic3A_42, %mul3A_46, %dma_start3A_47] : memref<16x1024x1024xf32, #tpu.memory_space<hbm>> -> memref<1x32x1024xf32, #tpu.memory_space<hbm>>
    %dma_start3A_49 = tpu.memref_squeeze %dma_start3A_48 : memref<1x32x1024xf32, #tpu.memory_space<hbm>> -> memref<32x1024xf32, #tpu.memory_space<hbm>>
    %dma_start3A_50 = arith.constant 0 : i32
    %dma_start3A_51 = tpu.memref_slice %arg2[%shift_right_arithmetic3A_42, %mul3A_46, %dma_start3A_50] : memref<16x1024x1024xf32, #tpu.memory_space<hbm>> -> memref<1x32x1024xf32, #tpu.memory_space<hbm>>
    %dma_start3A_52 = tpu.memref_squeeze %dma_start3A_51 : memref<1x32x1024xf32, #tpu.memory_space<hbm>> -> memref<32x1024xf32, #tpu.memory_space<hbm>>
    tpu.enqueue_dma source(%dma_start3A_52 : memref<32x1024xf32, #tpu.memory_space<hbm>>) target(%arg5 : memref<32x1024xf32, #tpu.memory_space<vmem>>) target_semaphore(%arg11 : memref<!tpu.dma_semaphore, #tpu.memory_space<semaphore_mem>>)
    %add3A_53 = arith.constant 32 : i32
    %add3A_54 = arith.addi %mul3A_46, %add3A_53 : i32
    %add3A_55 = arith.constant 32 : i32
    %add3A_56 = arith.addi %mul3A_46, %add3A_55 : i32
    %jit3A_57 = arith.constant 128 : i32
    %div3A_58 = arith.divsi %add3A_56, %jit3A_57 : i32
    %sign3A_59 = arith.constant 0 : i32
    %sign3A_60 = arith.cmpi sgt, %add3A_56, %sign3A_59 : i32
    %sign3A_61 = arith.extui %sign3A_60 : i1 to i32
    %sign3A_62 = arith.constant 0 : i32
    %sign3A_63 = arith.cmpi slt, %add3A_56, %sign3A_62 : i32
    %sign3A_64 = arith.extui %sign3A_63 : i1 to i32
    %sign3A_65 = arith.subi %sign3A_61, %sign3A_64 : i32
    %sign3A_66 = arith.constant 0 : i32
    %sign3A_67 = arith.cmpi sgt, %jit3A_57, %sign3A_66 : i32
    %sign3A_68 = arith.extui %sign3A_67 : i1 to i32
    %sign3A_69 = arith.constant 0 : i32
    %sign3A_70 = arith.cmpi slt, %jit3A_57, %sign3A_69 : i32
    %sign3A_71 = arith.extui %sign3A_70 : i1 to i32
    %sign3A_72 = arith.subi %sign3A_68, %sign3A_71 : i32
    %ne3A_73 = arith.cmpi ne, %sign3A_65, %sign3A_72 : i32
    %rem3A_74 = arith.remsi %add3A_56, %jit3A_57 : i32
    %ne3A_75 = arith.constant 0 : i32
    %ne3A_76 = arith.cmpi ne, %rem3A_74, %ne3A_75 : i32
    %and3A_77 = arith.andi %ne3A_73, %ne3A_76 : i1
    %sub3A_78 = arith.constant 1 : i32
    %sub3A_79 = arith.subi %div3A_58, %sub3A_78 : i32
    %select_n3A_80 = arith.select %and3A_77, %sub3A_79, %div3A_58 : i32
    %mul3A_81 = arith.constant 128 : i32
    %mul3A_82 = arith.muli %select_n3A_80, %mul3A_81 : i32
    %dma_start3A_83 = tpu.memref_slice %arg2[%shift_right_arithmetic3A_42, %add3A_54, %mul3A_82] : memref<16x1024x1024xf32, #tpu.memory_space<hbm>> -> memref<1x32x128xf32, #tpu.memory_space<hbm>>
    %dma_start3A_84 = tpu.memref_squeeze %dma_start3A_83 : memref<1x32x128xf32, #tpu.memory_space<hbm>> -> memref<32x128xf32, #tpu.memory_space<hbm>>
    %dma_start3A_85 = tpu.memref_slice %arg2[%shift_right_arithmetic3A_42, %add3A_54, %mul3A_82] : memref<16x1024x1024xf32, #tpu.memory_space<hbm>> -> memref<1x32x128xf32, #tpu.memory_space<hbm>>
    %dma_start3A_86 = tpu.memref_squeeze %dma_start3A_85 : memref<1x32x128xf32, #tpu.memory_space<hbm>> -> memref<32x128xf32, #tpu.memory_space<hbm>>
    tpu.enqueue_dma source(%dma_start3A_86 : memref<32x128xf32, #tpu.memory_space<hbm>>) target(%arg7 : memref<32x128xf32, #tpu.memory_space<vmem>>) target_semaphore(%arg13 : memref<!tpu.dma_semaphore, #tpu.memory_space<semaphore_mem>>)
    %add3A_87 = arith.constant 0 : i32
    %add3A_88 = arith.addi %mul3A_2, %add3A_87 : i32
    %dma_wait3A = arith.constant 0 : i32
    %dma_wait3A_89 = arith.constant 0 : i32
    %dma_wait3A_90 = arith.constant 0 : i32
    %dma_wait3A_91 = tpu.memref_slice %arg2[%dma_wait3A, %dma_wait3A_89, %dma_wait3A_90] : memref<16x1024x1024xf32, #tpu.memory_space<hbm>> -> memref<1x32x1024xf32, #tpu.memory_space<hbm>>
    %dma_wait3A_92 = tpu.memref_squeeze %dma_wait3A_91 : memref<1x32x1024xf32, #tpu.memory_space<hbm>> -> memref<32x1024xf32, #tpu.memory_space<hbm>>
    %dma_wait3A_93 = arith.constant 0 : i32
    %dma_wait3A_94 = arith.constant 0 : i32
    %dma_wait3A_95 = tpu.memref_slice %arg2[%dma_wait3A, %dma_wait3A_93, %dma_wait3A_94] : memref<16x1024x1024xf32, #tpu.memory_space<hbm>> -> memref<1x32x1024xf32, #tpu.memory_space<hbm>>
    %dma_wait3A_96 = tpu.memref_squeeze %dma_wait3A_95 : memref<1x32x1024xf32, #tpu.memory_space<hbm>> -> memref<32x1024xf32, #tpu.memory_space<hbm>>
    tpu.wait_dma2 semaphore(%arg10 : memref<!tpu.dma_semaphore, #tpu.memory_space<semaphore_mem>>) src(%dma_wait3A_96 : memref<32x1024xf32, #tpu.memory_space<hbm>>) dst(%arg4 : memref<32x1024xf32, #tpu.memory_space<vmem>>)
    %dma_wait3A_97 = arith.constant 0 : i32
    %dma_wait3A_98 = arith.constant 0 : i32
    %dma_wait3A_99 = arith.constant 0 : i32
    %dma_wait3A_100 = tpu.memref_slice %arg2[%dma_wait3A_97, %dma_wait3A_98, %dma_wait3A_99] : memref<16x1024x1024xf32, #tpu.memory_space<hbm>> -> memref<1x32x128xf32, #tpu.memory_space<hbm>>
    %dma_wait3A_101 = tpu.memref_squeeze %dma_wait3A_100 : memref<1x32x128xf32, #tpu.memory_space<hbm>> -> memref<32x128xf32, #tpu.memory_space<hbm>>
    %dma_wait3A_102 = arith.constant 0 : i32
    %dma_wait3A_103 = arith.constant 0 : i32
    %dma_wait3A_104 = tpu.memref_slice %arg2[%dma_wait3A_97, %dma_wait3A_102, %dma_wait3A_103] : memref<16x1024x1024xf32, #tpu.memory_space<hbm>> -> memref<1x32x128xf32, #tpu.memory_space<hbm>>
    %dma_wait3A_105 = tpu.memref_squeeze %dma_wait3A_104 : memref<1x32x128xf32, #tpu.memory_space<hbm>> -> memref<32x128xf32, #tpu.memory_space<hbm>>
    tpu.wait_dma2 semaphore(%arg12 : memref<!tpu.dma_semaphore, #tpu.memory_space<semaphore_mem>>) src(%dma_wait3A_105 : memref<32x128xf32, #tpu.memory_space<hbm>>) dst(%arg6 : memref<32x128xf32, #tpu.memory_space<vmem>>)
    %shift_right_arithmetic3A_106 = arith.constant 4 : i32
    %shift_right_arithmetic3A_107 = arith.shrsi %add3A_88, %shift_right_arithmetic3A_106 : i32
    %and3A_108 = arith.constant 15 : i32
    %and3A_109 = arith.andi %add3A_88, %and3A_108 : i32
    %mul3A_110 = arith.constant 16 : i32
    %mul3A_111 = arith.muli %mul3A_110, %and3A_109 : i32
    %mul3A_112 = arith.constant 64 : i32
    %mul3A_113 = arith.muli %mul3A_112, %and3A_109 : i32
    %add3A_114 = arith.constant 32 : i32
    %add3A_115 = arith.addi %mul3A_113, %add3A_114 : i32
    %jit3A_116 = arith.constant 128 : i32
    %eq3A = arith.constant 0 : i32
    %eq3A_117 = arith.cmpi eq, %jit3A_116, %eq3A : i32
    %jit3A_118 = arith.constant 1 : i32
    %select_n3A_119 = arith.select %eq3A_117, %jit3A_118, %jit3A_116 : i32
    %rem3A_120 = arith.remsi %add3A_115, %select_n3A_119 : i32
    %ne3A_121 = arith.constant 0 : i32
    %ne3A_122 = arith.cmpi ne, %rem3A_120, %ne3A_121 : i32
    %lt3A = arith.constant 0 : i32
    %lt3A_123 = arith.cmpi slt, %rem3A_120, %lt3A : i32
    %lt3A_124 = arith.constant 0 : i32
    %lt3A_125 = arith.cmpi slt, %select_n3A_119, %lt3A_124 : i32
    %ne3A_126 = arith.xori %lt3A_123, %lt3A_125 : i1
    %and3A_127 = arith.andi %ne3A_126, %ne3A_122 : i1
    %add3A_128 = arith.addi %rem3A_120, %select_n3A_119 : i32
    %select_n3A_129 = arith.select %and3A_127, %add3A_128, %rem3A_120 : i32
    %scan3A = arith.constant 0 : i32
    %scan3A_130 = arith.constant 0 : i32
    %scan3A_131 = arith.constant 16 : i32
    %scan3A_132 = arith.addi %scan3A_130, %scan3A_131 : i32
    %scan3A_133 = arith.constant 1 : i32
    scf.for %scan3A_319 = %scan3A_130 to %scan3A_132 step %scan3A_133  : i32 {
      %broadcast_in_dim3A = vector.broadcast %scan3A_319 : i32 to vector<16xi32>
      %mul3A_320 = arith.constant 2 : i32
      %mul3A_321 = vector.broadcast %mul3A_320 : i32 to vector<16xi32>
      %mul3A_322 = arith.muli %mul3A_321, %broadcast_in_dim3A : vector<16xi32>
      %add3A_323 = arith.constant 1 : i32
      %add3A_324 = vector.broadcast %add3A_323 : i32 to vector<16xi32>
      %add3A_325 = arith.addi %mul3A_322, %add3A_324 : vector<16xi32>
      %mul3A_326 = arith.constant 2 : i32
      %mul3A_327 = vector.broadcast %mul3A_326 : i32 to vector<16xi32>
      %mul3A_328 = arith.muli %mul3A_327, %iota3A : vector<16xi32>
      %add3A_329 = arith.constant 0 : i32
      %add3A_330 = vector.broadcast %add3A_329 : i32 to vector<16xi32>
      %add3A_331 = arith.addi %add3A_330, %mul3A_328 : vector<16xi32>
      %gather3A = tpu.vector_load_idx %arg4[%mul3A_322, %add3A_331] : memref<32x1024xf32, #tpu.memory_space<vmem>>[vector<16xi32>, vector<16xi32>], vector<16xf32>,
      %swap3A = arith.index_cast %scan3A_319 : i32 to index
      %swap3A_332 = arith.constant 0 : index
      %swap3A_333 = tpu.vector_load %arg8[%swap3A, %swap3A_332] {strides = array<i32>} : memref<16x256xf32, #tpu.memory_space<vmem>>, vector<16xf32>,
      tpu.vector_store %arg8[%swap3A, %swap3A_332], %gather3A {strides = array<i32>} : memref<16x256xf32, #tpu.memory_space<vmem>>, vector<16xf32>,
      %mul3A_334 = arith.constant 2 : i32
      %mul3A_335 = vector.broadcast %mul3A_334 : i32 to vector<16xi32>
      %mul3A_336 = arith.muli %mul3A_335, %iota3A : vector<16xi32>
      %add3A_337 = arith.constant 64 : i32
      %add3A_338 = vector.broadcast %add3A_337 : i32 to vector<16xi32>
      %add3A_339 = arith.addi %add3A_338, %mul3A_336 : vector<16xi32>
      %gather3A_340 = tpu.vector_load_idx %arg4[%mul3A_322, %add3A_339] : memref<32x1024xf32, #tpu.memory_space<vmem>>[vector<16xi32>, vector<16xi32>], vector<16xf32>,
      %swap3A_341 = arith.index_cast %scan3A_319 : i32 to index
      %swap3A_342 = arith.constant 16 : index
      %swap3A_343 = tpu.vector_load %arg8[%swap3A_341, %swap3A_342] {strides = array<i32>} : memref<16x256xf32, #tpu.memory_space<vmem>>, vector<16xf32>,
      tpu.vector_store %arg8[%swap3A_341, %swap3A_342], %gather3A_340 {strides = array<i32>} : memref<16x256xf32, #tpu.memory_space<vmem>>, vector<16xf32>,
      %mul3A_344 = arith.constant 2 : i32
      %mul3A_345 = vector.broadcast %mul3A_344 : i32 to vector<16xi32>
      %mul3A_346 = arith.muli %mul3A_345, %iota3A : vector<16xi32>
      %add3A_347 = arith.constant 128 : i32
      %add3A_348 = vector.broadcast %add3A_347 : i32 to vector<16xi32>
      %add3A_349 = arith.addi %add3A_348, %mul3A_346 : vector<16xi32>
      %gather3A_350 = tpu.vector_load_idx %arg4[%mul3A_322, %add3A_349] : memref<32x1024xf32, #tpu.memory_space<vmem>>[vector<16xi32>, vector<16xi32>], vector<16xf32>,
      %swap3A_351 = arith.index_cast %scan3A_319 : i32 to index
      %swap3A_352 = arith.constant 32 : index
      %swap3A_353 = tpu.vector_load %arg8[%swap3A_351, %swap3A_352] {strides = array<i32>} : memref<16x256xf32, #tpu.memory_space<vmem>>, vector<16xf32>,
      tpu.vector_store %arg8[%swap3A_351, %swap3A_352], %gather3A_350 {strides = array<i32>} : memref<16x256xf32, #tpu.memory_space<vmem>>, vector<16xf32>,
      %mul3A_354 = arith.constant 2 : i32
      %mul3A_355 = vector.broadcast %mul3A_354 : i32 to vector<16xi32>
      %mul3A_356 = arith.muli %mul3A_355, %iota3A : vector<16xi32>
      %add3A_357 = arith.constant 192 : i32
      %add3A_358 = vector.broadcast %add3A_357 : i32 to vector<16xi32>
      %add3A_359 = arith.addi %add3A_358, %mul3A_356 : vector<16xi32>
      %gather3A_360 = tpu.vector_load_idx %arg4[%mul3A_322, %add3A_359] : memref<32x1024xf32, #tpu.memory_space<vmem>>[vector<16xi32>, vector<16xi32>], vector<16xf32>,
      %swap3A_361 = arith.index_cast %scan3A_319 : i32 to index
      %swap3A_362 = arith.constant 48 : index
      %swap3A_363 = tpu.vector_load %arg8[%swap3A_361, %swap3A_362] {strides = array<i32>} : memref<16x256xf32, #tpu.memory_space<vmem>>, vector<16xf32>,
      tpu.vector_store %arg8[%swap3A_361, %swap3A_362], %gather3A_360 {strides = array<i32>} : memref<16x256xf32, #tpu.memory_space<vmem>>, vector<16xf32>,
      %mul3A_364 = arith.constant 2 : i32
      %mul3A_365 = vector.broadcast %mul3A_364 : i32 to vector<16xi32>
      %mul3A_366 = arith.muli %mul3A_365, %iota3A : vector<16xi32>
      %add3A_367 = arith.constant 256 : i32
      %add3A_368 = vector.broadcast %add3A_367 : i32 to vector<16xi32>
      %add3A_369 = arith.addi %add3A_368, %mul3A_366 : vector<16xi32>
      %gather3A_370 = tpu.vector_load_idx %arg4[%mul3A_322, %add3A_369] : memref<32x1024xf32, #tpu.memory_space<vmem>>[vector<16xi32>, vector<16xi32>], vector<16xf32>,
      %swap3A_371 = arith.index_cast %scan3A_319 : i32 to index
      %swap3A_372 = arith.constant 64 : index
      %swap3A_373 = tpu.vector_load %arg8[%swap3A_371, %swap3A_372] {strides = array<i32>} : memref<16x256xf32, #tpu.memory_space<vmem>>, vector<16xf32>,
      tpu.vector_store %arg8[%swap3A_371, %swap3A_372], %gather3A_370 {strides = array<i32>} : memref<16x256xf32, #tpu.memory_space<vmem>>, vector<16xf32>,
      %mul3A_374 = arith.constant 2 : i32
      %mul3A_375 = vector.broadcast %mul3A_374 : i32 to vector<16xi32>
      %mul3A_376 = arith.muli %mul3A_375, %iota3A : vector<16xi32>
      %add3A_377 = arith.constant 320 : i32
      %add3A_378 = vector.broadcast %add3A_377 : i32 to vector<16xi32>
      %add3A_379 = arith.addi %add3A_378, %mul3A_376 : vector<16xi32>
      %gather3A_380 = tpu.vector_load_idx %arg4[%mul3A_322, %add3A_379] : memref<32x1024xf32, #tpu.memory_space<vmem>>[vector<16xi32>, vector<16xi32>], vector<16xf32>,
      %swap3A_381 = arith.index_cast %scan3A_319 : i32 to index
      %swap3A_382 = arith.constant 80 : index
      %swap3A_383 = tpu.vector_load %arg8[%swap3A_381, %swap3A_382] {strides = array<i32>} : memref<16x256xf32, #tpu.memory_space<vmem>>, vector<16xf32>,
      tpu.vector_store %arg8[%swap3A_381, %swap3A_382], %gather3A_380 {strides = array<i32>} : memref<16x256xf32, #tpu.memory_space<vmem>>, vector<16xf32>,
      %mul3A_384 = arith.constant 2 : i32
      %mul3A_385 = vector.broadcast %mul3A_384 : i32 to vector<16xi32>
      %mul3A_386 = arith.muli %mul3A_385, %iota3A : vector<16xi32>
      %add3A_387 = arith.constant 384 : i32
      %add3A_388 = vector.broadcast %add3A_387 : i32 to vector<16xi32>
      %add3A_389 = arith.addi %add3A_388, %mul3A_386 : vector<16xi32>
      %gather3A_390 = tpu.vector_load_idx %arg4[%mul3A_322, %add3A_389] : memref<32x1024xf32, #tpu.memory_space<vmem>>[vector<16xi32>, vector<16xi32>], vector<16xf32>,
      %swap3A_391 = arith.index_cast %scan3A_319 : i32 to index
      %swap3A_392 = arith.constant 96 : index
      %swap3A_393 = tpu.vector_load %arg8[%swap3A_391, %swap3A_392] {strides = array<i32>} : memref<16x256xf32, #tpu.memory_space<vmem>>, vector<16xf32>,
      tpu.vector_store %arg8[%swap3A_391, %swap3A_392], %gather3A_390 {strides = array<i32>} : memref<16x256xf32, #tpu.memory_space<vmem>>, vector<16xf32>,
      %mul3A_394 = arith.constant 2 : i32
      %mul3A_395 = vector.broadcast %mul3A_394 : i32 to vector<16xi32>
      %mul3A_396 = arith.muli %mul3A_395, %iota3A : vector<16xi32>
      %add3A_397 = arith.constant 448 : i32
      %add3A_398 = vector.broadcast %add3A_397 : i32 to vector<16xi32>
      %add3A_399 = arith.addi %add3A_398, %mul3A_396 : vector<16xi32>
      %gather3A_400 = tpu.vector_load_idx %arg4[%mul3A_322, %add3A_399] : memref<32x1024xf32, #tpu.memory_space<vmem>>[vector<16xi32>, vector<16xi32>], vector<16xf32>,
      %swap3A_401 = arith.index_cast %scan3A_319 : i32 to index
      %swap3A_402 = arith.constant 112 : index
      %swap3A_403 = tpu.vector_load %arg8[%swap3A_401, %swap3A_402] {strides = array<i32>} : memref<16x256xf32, #tpu.memory_space<vmem>>, vector<16xf32>,
      tpu.vector_store %arg8[%swap3A_401, %swap3A_402], %gather3A_400 {strides = array<i32>} : memref<16x256xf32, #tpu.memory_space<vmem>>, vector<16xf32>,
      %mul3A_404 = arith.constant 2 : i32
      %mul3A_405 = vector.broadcast %mul3A_404 : i32 to vector<16xi32>
      %mul3A_406 = arith.muli %mul3A_405, %iota3A : vector<16xi32>
      %add3A_407 = arith.constant 512 : i32
      %add3A_408 = vector.broadcast %add3A_407 : i32 to vector<16xi32>
      %add3A_409 = arith.addi %add3A_408, %mul3A_406 : vector<16xi32>
      %gather3A_410 = tpu.vector_load_idx %arg4[%mul3A_322, %add3A_409] : memref<32x1024xf32, #tpu.memory_space<vmem>>[vector<16xi32>, vector<16xi32>], vector<16xf32>,
      %swap3A_411 = arith.index_cast %scan3A_319 : i32 to index
      %swap3A_412 = arith.constant 128 : index
      %swap3A_413 = tpu.vector_load %arg8[%swap3A_411, %swap3A_412] {strides = array<i32>} : memref<16x256xf32, #tpu.memory_space<vmem>>, vector<16xf32>,
      tpu.vector_store %arg8[%swap3A_411, %swap3A_412], %gather3A_410 {strides = array<i32>} : memref<16x256xf32, #tpu.memory_space<vmem>>, vector<16xf32>,
      %mul3A_414 = arith.constant 2 : i32
      %mul3A_415 = vector.broadcast %mul3A_414 : i32 to vector<16xi32>
      %mul3A_416 = arith.muli %mul3A_415, %iota3A : vector<16xi32>
      %add3A_417 = arith.constant 576 : i32
      %add3A_418 = vector.broadcast %add3A_417 : i32 to vector<16xi32>
      %add3A_419 = arith.addi %add3A_418, %mul3A_416 : vector<16xi32>
      %gather3A_420 = tpu.vector_load_idx %arg4[%mul3A_322, %add3A_419] : memref<32x1024xf32, #tpu.memory_space<vmem>>[vector<16xi32>, vector<16xi32>], vector<16xf32>,
      %swap3A_421 = arith.index_cast %scan3A_319 : i32 to index
      %swap3A_422 = arith.constant 144 : index
      %swap3A_423 = tpu.vector_load %arg8[%swap3A_421, %swap3A_422] {strides = array<i32>} : memref<16x256xf32, #tpu.memory_space<vmem>>, vector<16xf32>,
      tpu.vector_store %arg8[%swap3A_421, %swap3A_422], %gather3A_420 {strides = array<i32>} : memref<16x256xf32, #tpu.memory_space<vmem>>, vector<16xf32>,
      %mul3A_424 = arith.constant 2 : i32
      %mul3A_425 = vector.broadcast %mul3A_424 : i32 to vector<16xi32>
      %mul3A_426 = arith.muli %mul3A_425, %iota3A : vector<16xi32>
      %add3A_427 = arith.constant 640 : i32
      %add3A_428 = vector.broadcast %add3A_427 : i32 to vector<16xi32>
      %add3A_429 = arith.addi %add3A_428, %mul3A_426 : vector<16xi32>
      %gather3A_430 = tpu.vector_load_idx %arg4[%mul3A_322, %add3A_429] : memref<32x1024xf32, #tpu.memory_space<vmem>>[vector<16xi32>, vector<16xi32>], vector<16xf32>,
      %swap3A_431 = arith.index_cast %scan3A_319 : i32 to index
      %swap3A_432 = arith.constant 160 : index
      %swap3A_433 = tpu.vector_load %arg8[%swap3A_431, %swap3A_432] {strides = array<i32>} : memref<16x256xf32, #tpu.memory_space<vmem>>, vector<16xf32>,
      tpu.vector_store %arg8[%swap3A_431, %swap3A_432], %gather3A_430 {strides = array<i32>} : memref<16x256xf32, #tpu.memory_space<vmem>>, vector<16xf32>,
      %mul3A_434 = arith.constant 2 : i32
      %mul3A_435 = vector.broadcast %mul3A_434 : i32 to vector<16xi32>
      %mul3A_436 = arith.muli %mul3A_435, %iota3A : vector<16xi32>
      %add3A_437 = arith.constant 704 : i32
      %add3A_438 = vector.broadcast %add3A_437 : i32 to vector<16xi32>
      %add3A_439 = arith.addi %add3A_438, %mul3A_436 : vector<16xi32>
      %gather3A_440 = tpu.vector_load_idx %arg4[%mul3A_322, %add3A_439] : memref<32x1024xf32, #tpu.memory_space<vmem>>[vector<16xi32>, vector<16xi32>], vector<16xf32>,
      %swap3A_441 = arith.index_cast %scan3A_319 : i32 to index
      %swap3A_442 = arith.constant 176 : index
      %swap3A_443 = tpu.vector_load %arg8[%swap3A_441, %swap3A_442] {strides = array<i32>} : memref<16x256xf32, #tpu.memory_space<vmem>>, vector<16xf32>,
      tpu.vector_store %arg8[%swap3A_441, %swap3A_442], %gather3A_440 {strides = array<i32>} : memref<16x256xf32, #tpu.memory_space<vmem>>, vector<16xf32>,
      %mul3A_444 = arith.constant 2 : i32
      %mul3A_445 = vector.broadcast %mul3A_444 : i32 to vector<16xi32>
      %mul3A_446 = arith.muli %mul3A_445, %iota3A : vector<16xi32>
      %add3A_447 = arith.constant 768 : i32
      %add3A_448 = vector.broadcast %add3A_447 : i32 to vector<16xi32>
      %add3A_449 = arith.addi %add3A_448, %mul3A_446 : vector<16xi32>
      %gather3A_450 = tpu.vector_load_idx %arg4[%mul3A_322, %add3A_449] : memref<32x1024xf32, #tpu.memory_space<vmem>>[vector<16xi32>, vector<16xi32>], vector<16xf32>,
      %swap3A_451 = arith.index_cast %scan3A_319 : i32 to index
      %swap3A_452 = arith.constant 192 : index
      %swap3A_453 = tpu.vector_load %arg8[%swap3A_451, %swap3A_452] {strides = array<i32>} : memref<16x256xf32, #tpu.memory_space<vmem>>, vector<16xf32>,
      tpu.vector_store %arg8[%swap3A_451, %swap3A_452], %gather3A_450 {strides = array<i32>} : memref<16x256xf32, #tpu.memory_space<vmem>>, vector<16xf32>,
      %mul3A_454 = arith.constant 2 : i32
      %mul3A_455 = vector.broadcast %mul3A_454 : i32 to vector<16xi32>
      %mul3A_456 = arith.muli %mul3A_455, %iota3A : vector<16xi32>
      %add3A_457 = arith.constant 832 : i32
      %add3A_458 = vector.broadcast %add3A_457 : i32 to vector<16xi32>
      %add3A_459 = arith.addi %add3A_458, %mul3A_456 : vector<16xi32>
      %gather3A_460 = tpu.vector_load_idx %arg4[%mul3A_322, %add3A_459] : memref<32x1024xf32, #tpu.memory_space<vmem>>[vector<16xi32>, vector<16xi32>], vector<16xf32>,
      %swap3A_461 = arith.index_cast %scan3A_319 : i32 to index
      %swap3A_462 = arith.constant 208 : index
      %swap3A_463 = tpu.vector_load %arg8[%swap3A_461, %swap3A_462] {strides = array<i32>} : memref<16x256xf32, #tpu.memory_space<vmem>>, vector<16xf32>,
      tpu.vector_store %arg8[%swap3A_461, %swap3A_462], %gather3A_460 {strides = array<i32>} : memref<16x256xf32, #tpu.memory_space<vmem>>, vector<16xf32>,
      %mul3A_464 = arith.constant 2 : i32
      %mul3A_465 = vector.broadcast %mul3A_464 : i32 to vector<16xi32>
      %mul3A_466 = arith.muli %mul3A_465, %iota3A : vector<16xi32>
      %add3A_467 = arith.constant 896 : i32
      %add3A_468 = vector.broadcast %add3A_467 : i32 to vector<16xi32>
      %add3A_469 = arith.addi %add3A_468, %mul3A_466 : vector<16xi32>
      %gather3A_470 = tpu.vector_load_idx %arg4[%mul3A_322, %add3A_469] : memref<32x1024xf32, #tpu.memory_space<vmem>>[vector<16xi32>, vector<16xi32>], vector<16xf32>,
      %swap3A_471 = arith.index_cast %scan3A_319 : i32 to index
      %swap3A_472 = arith.constant 224 : index
      %swap3A_473 = tpu.vector_load %arg8[%swap3A_471, %swap3A_472] {strides = array<i32>} : memref<16x256xf32, #tpu.memory_space<vmem>>, vector<16xf32>,
      tpu.vector_store %arg8[%swap3A_471, %swap3A_472], %gather3A_470 {strides = array<i32>} : memref<16x256xf32, #tpu.memory_space<vmem>>, vector<16xf32>,
      %mul3A_474 = arith.constant 2 : i32
      %mul3A_475 = vector.broadcast %mul3A_474 : i32 to vector<16xi32>
      %mul3A_476 = arith.muli %mul3A_475, %iota3A : vector<16xi32>
      %add3A_477 = arith.constant 960 : i32
      %add3A_478 = vector.broadcast %add3A_477 : i32 to vector<16xi32>
      %add3A_479 = arith.addi %add3A_478, %mul3A_476 : vector<16xi32>
      %gather3A_480 = tpu.vector_load_idx %arg4[%mul3A_322, %add3A_479] : memref<32x1024xf32, #tpu.memory_space<vmem>>[vector<16xi32>, vector<16xi32>], vector<16xf32>,
      %swap3A_481 = arith.index_cast %scan3A_319 : i32 to index
      %swap3A_482 = arith.constant 240 : index
      %swap3A_483 = tpu.vector_load %arg8[%swap3A_481, %swap3A_482] {strides = array<i32>} : memref<16x256xf32, #tpu.memory_space<vmem>>, vector<16xf32>,
      tpu.vector_store %arg8[%swap3A_481, %swap3A_482], %gather3A_480 {strides = array<i32>} : memref<16x256xf32, #tpu.memory_space<vmem>>, vector<16xf32>,
      %mul3A_484 = arith.constant 64 : i32
      %mul3A_485 = vector.broadcast %mul3A_484 : i32 to vector<16xi32>
      %mul3A_486 = arith.muli %mul3A_485, %iota3A : vector<16xi32>
      %mul3A_487 = arith.constant 2 : i32
      %mul3A_488 = arith.muli %mul3A_487, %scan3A_319 : i32
      %add3A_489 = vector.broadcast %mul3A_488 : i32 to vector<16xi32>
      %add3A_490 = arith.addi %mul3A_486, %add3A_489 : vector<16xi32>
      %add3A_491 = arith.constant 1 : i32
      %add3A_492 = vector.broadcast %add3A_491 : i32 to vector<16xi32>
      %add3A_493 = arith.addi %add3A_490, %add3A_492 : vector<16xi32>
      %gather3A_494 = tpu.vector_load_idx %arg4[%add3A_325, %add3A_493] : memref<32x1024xf32, #tpu.memory_space<vmem>>[vector<16xi32>, vector<16xi32>], vector<16xf32>,
      %mul3A_495 = arith.constant 16 : i32
      %mul3A_496 = vector.broadcast %mul3A_495 : i32 to vector<16xi32>
      %mul3A_497 = arith.muli %mul3A_496, %iota3A : vector<16xi32>
      %add3A_498 = vector.broadcast %scan3A_319 : i32 to vector<16xi32>
      %add3A_499 = arith.addi %mul3A_497, %add3A_498 : vector<16xi32>
      tpu.vector_store_idx %arg8[%broadcast_in_dim3A, %add3A_499], %gather3A_494 {add = true} : memref<16x256xf32, #tpu.memory_space<vmem>>[vector<16xi32>, vector<16xi32>], vector<16xf32>,
      %mul3A_500 = arith.constant 2 : i32
      %mul3A_501 = vector.broadcast %mul3A_500 : i32 to vector<16xi32>
      %mul3A_502 = arith.muli %mul3A_501, %iota3A : vector<16xi32>
      %add3A_503 = vector.broadcast %select_n3A_129 : i32 to vector<16xi32>
      %add3A_504 = arith.addi %add3A_503, %mul3A_502 : vector<16xi32>
      %gather3A_505 = tpu.vector_load_idx %arg6[%mul3A_322, %add3A_504] : memref<32x128xf32, #tpu.memory_space<vmem>>[vector<16xi32>, vector<16xi32>], vector<16xf32>,
      %broadcast_in_dim3A_506 = vector.broadcast %select_n3A_129 : i32 to vector<16xi32>
      %mul3A_507 = arith.constant 2 : i32
      %mul3A_508 = arith.muli %mul3A_507, %scan3A_319 : i32
      %add3A_509 = vector.broadcast %mul3A_508 : i32 to vector<16xi32>
      %add3A_510 = arith.addi %broadcast_in_dim3A_506, %add3A_509 : vector<16xi32>
      %add3A_511 = arith.constant 1 : i32
      %add3A_512 = vector.broadcast %add3A_511 : i32 to vector<16xi32>
      %add3A_513 = arith.addi %add3A_510, %add3A_512 : vector<16xi32>
      %gather3A_514 = tpu.vector_load_idx %arg6[%add3A_325, %add3A_513] : memref<32x128xf32, #tpu.memory_space<vmem>>[vector<16xi32>, vector<16xi32>], vector<16xf32>,
      %eq3A_515 = vector.broadcast %scan3A_319 : i32 to vector<16xi32>
      %eq3A_516 = arith.cmpi eq, %iota3A, %eq3A_515 : vector<16xi32>
      %jit3A_517 = arith.constant 0.000000e+00 : f32
      %broadcast_in_dim3A_518 = vector.broadcast %jit3A_517 : f32 to vector<16xf32>
      %select_n3A_519 = arith.select %eq3A_516, %gather3A_514, %broadcast_in_dim3A_518 : vector<16xi1>, vector<16xf32>
      %add3A_520 = arith.addf %gather3A_505, %select_n3A_519 : vector<16xf32>
      %add3A_521 = vector.broadcast %mul3A_111 : i32 to vector<16xi32>
      %add3A_522 = arith.addi %add3A_521, %iota3A : vector<16xi32>
      tpu.vector_store_idx %arg8[%broadcast_in_dim3A, %add3A_522], %add3A_520 {add = true} : memref<16x256xf32, #tpu.memory_space<vmem>>[vector<16xi32>, vector<16xi32>], vector<16xf32>,
    }
    %scan3A_134 = arith.constant 16 : i32
    %dma_start3A_135 = arith.constant 0 : i32
    %dma_start3A_136 = tpu.memref_slice %arg3[%shift_right_arithmetic3A_107, %mul3A_111, %dma_start3A_135] : memref<16x256x256xf32, #tpu.memory_space<hbm>> -> memref<1x16x256xf32, #tpu.memory_space<hbm>>
    %dma_start3A_137 = tpu.memref_squeeze %dma_start3A_136 : memref<1x16x256xf32, #tpu.memory_space<hbm>> -> memref<16x256xf32, #tpu.memory_space<hbm>>
    %dma_start3A_138 = arith.constant 0 : i32
    %dma_start3A_139 = tpu.memref_slice %arg3[%shift_right_arithmetic3A_107, %mul3A_111, %dma_start3A_138] : memref<16x256x256xf32, #tpu.memory_space<hbm>> -> memref<1x16x256xf32, #tpu.memory_space<hbm>>
    %dma_start3A_140 = tpu.memref_squeeze %dma_start3A_139 : memref<1x16x256xf32, #tpu.memory_space<hbm>> -> memref<16x256xf32, #tpu.memory_space<hbm>>
    tpu.enqueue_dma source(%arg8 : memref<16x256xf32, #tpu.memory_space<vmem>>) target(%dma_start3A_140 : memref<16x256xf32, #tpu.memory_space<hbm>>) target_semaphore(%arg14 : memref<!tpu.dma_semaphore, #tpu.memory_space<semaphore_mem>>)
    %add3A_141 = arith.constant 2 : i32
    %add3A_142 = arith.addi %add3A_88, %add3A_141 : i32
    %shift_right_arithmetic3A_143 = arith.constant 4 : i32
    %shift_right_arithmetic3A_144 = arith.shrsi %add3A_142, %shift_right_arithmetic3A_143 : i32
    %and3A_145 = arith.constant 15 : i32
    %and3A_146 = arith.andi %add3A_142, %and3A_145 : i32
    %mul3A_147 = arith.constant 64 : i32
    %mul3A_148 = arith.muli %mul3A_147, %and3A_146 : i32
    %dma_start3A_149 = arith.constant 0 : i32
    %dma_start3A_150 = tpu.memref_slice %arg2[%shift_right_arithmetic3A_144, %mul3A_148, %dma_start3A_149] : memref<16x1024x1024xf32, #tpu.memory_space<hbm>> -> memref<1x32x1024xf32, #tpu.memory_space<hbm>>
    %dma_start3A_151 = tpu.memref_squeeze %dma_start3A_150 : memref<1x32x1024xf32, #tpu.memory_space<hbm>> -> memref<32x1024xf32, #tpu.memory_space<hbm>>
    %dma_start3A_152 = arith.constant 0 : i32
    %dma_start3A_153 = tpu.memref_slice %arg2[%shift_right_arithmetic3A_144, %mul3A_148, %dma_start3A_152] : memref<16x1024x1024xf32, #tpu.memory_space<hbm>> -> memref<1x32x1024xf32, #tpu.memory_space<hbm>>
    %dma_start3A_154 = tpu.memref_squeeze %dma_start3A_153 : memref<1x32x1024xf32, #tpu.memory_space<hbm>> -> memref<32x1024xf32, #tpu.memory_space<hbm>>
    tpu.enqueue_dma source(%dma_start3A_154 : memref<32x1024xf32, #tpu.memory_space<hbm>>) target(%arg4 : memref<32x1024xf32, #tpu.memory_space<vmem>>) target_semaphore(%arg10 : memref<!tpu.dma_semaphore, #tpu.memory_space<semaphore_mem>>)
    %add3A_155 = arith.constant 32 : i32
    %add3A_156 = arith.addi %mul3A_148, %add3A_155 : i32
    %add3A_157 = arith.constant 32 : i32
    %add3A_158 = arith.addi %mul3A_148, %add3A_157 : i32
    %jit3A_159 = arith.constant 128 : i32
    %div3A_160 = arith.divsi %add3A_158, %jit3A_159 : i32
    %sign3A_161 = arith.constant 0 : i32
    %sign3A_162 = arith.cmpi sgt, %add3A_158, %sign3A_161 : i32
    %sign3A_163 = arith.extui %sign3A_162 : i1 to i32
    %sign3A_164 = arith.constant 0 : i32
    %sign3A_165 = arith.cmpi slt, %add3A_158, %sign3A_164 : i32
    %sign3A_166 = arith.extui %sign3A_165 : i1 to i32
    %sign3A_167 = arith.subi %sign3A_163, %sign3A_166 : i32
    %sign3A_168 = arith.constant 0 : i32
    %sign3A_169 = arith.cmpi sgt, %jit3A_159, %sign3A_168 : i32
    %sign3A_170 = arith.extui %sign3A_169 : i1 to i32
    %sign3A_171 = arith.constant 0 : i32
    %sign3A_172 = arith.cmpi slt, %jit3A_159, %sign3A_171 : i32
    %sign3A_173 = arith.extui %sign3A_172 : i1 to i32
    %sign3A_174 = arith.subi %sign3A_170, %sign3A_173 : i32
    %ne3A_175 = arith.cmpi ne, %sign3A_167, %sign3A_174 : i32
    %rem3A_176 = arith.remsi %add3A_158, %jit3A_159 : i32
    %ne3A_177 = arith.constant 0 : i32
    %ne3A_178 = arith.cmpi ne, %rem3A_176, %ne3A_177 : i32
    %and3A_179 = arith.andi %ne3A_175, %ne3A_178 : i1
    %sub3A_180 = arith.constant 1 : i32
    %sub3A_181 = arith.subi %div3A_160, %sub3A_180 : i32
    %select_n3A_182 = arith.select %and3A_179, %sub3A_181, %div3A_160 : i32
    %mul3A_183 = arith.constant 128 : i32
    %mul3A_184 = arith.muli %select_n3A_182, %mul3A_183 : i32
    %dma_start3A_185 = tpu.memref_slice %arg2[%shift_right_arithmetic3A_144, %add3A_156, %mul3A_184] : memref<16x1024x1024xf32, #tpu.memory_space<hbm>> -> memref<1x32x128xf32, #tpu.memory_space<hbm>>
    %dma_start3A_186 = tpu.memref_squeeze %dma_start3A_185 : memref<1x32x128xf32, #tpu.memory_space<hbm>> -> memref<32x128xf32, #tpu.memory_space<hbm>>
    %dma_start3A_187 = tpu.memref_slice %arg2[%shift_right_arithmetic3A_144, %add3A_156, %mul3A_184] : memref<16x1024x1024xf32, #tpu.memory_space<hbm>> -> memref<1x32x128xf32, #tpu.memory_space<hbm>>
    %dma_start3A_188 = tpu.memref_squeeze %dma_start3A_187 : memref<1x32x128xf32, #tpu.memory_space<hbm>> -> memref<32x128xf32, #tpu.memory_space<hbm>>
    tpu.enqueue_dma source(%dma_start3A_188 : memref<32x128xf32, #tpu.memory_space<hbm>>) target(%arg6 : memref<32x128xf32, #tpu.memory_space<vmem>>) target_semaphore(%arg12 : memref<!tpu.dma_semaphore, #tpu.memory_space<semaphore_mem>>)
    %add3A_189 = arith.constant 1 : i32
    %add3A_190 = arith.addi %mul3A_2, %add3A_189 : i32
    %dma_wait3A_191 = arith.constant 0 : i32
    %dma_wait3A_192 = arith.constant 0 : i32
    %dma_wait3A_193 = arith.constant 0 : i32
    %dma_wait3A_194 = tpu.memref_slice %arg2[%dma_wait3A_191, %dma_wait3A_192, %dma_wait3A_193] : memref<16x1024x1024xf32, #tpu.memory_space<hbm>> -> memref<1x32x1024xf32, #tpu.memory_space<hbm>>
    %dma_wait3A_195 = tpu.memref_squeeze %dma_wait3A_194 : memref<1x32x1024xf32, #tpu.memory_space<hbm>> -> memref<32x1024xf32, #tpu.memory_space<hbm>>
    %dma_wait3A_196 = arith.constant 0 : i32
    %dma_wait3A_197 = arith.constant 0 : i32
    %dma_wait3A_198 = tpu.memref_slice %arg2[%dma_wait3A_191, %dma_wait3A_196, %dma_wait3A_197] : memref<16x1024x1024xf32, #tpu.memory_space<hbm>> -> memref<1x32x1024xf32, #tpu.memory_space<hbm>>
    %dma_wait3A_199 = tpu.memref_squeeze %dma_wait3A_198 : memref<1x32x1024xf32, #tpu.memory_space<hbm>> -> memref<32x1024xf32, #tpu.memory_space<hbm>>
    tpu.wait_dma2 semaphore(%arg11 : memref<!tpu.dma_semaphore, #tpu.memory_space<semaphore_mem>>) src(%dma_wait3A_199 : memref<32x1024xf32, #tpu.memory_space<hbm>>) dst(%arg5 : memref<32x1024xf32, #tpu.memory_space<vmem>>)
    %dma_wait3A_200 = arith.constant 0 : i32
    %dma_wait3A_201 = arith.constant 0 : i32
    %dma_wait3A_202 = arith.constant 0 : i32
    %dma_wait3A_203 = tpu.memref_slice %arg2[%dma_wait3A_200, %dma_wait3A_201, %dma_wait3A_202] : memref<16x1024x1024xf32, #tpu.memory_space<hbm>> -> memref<1x32x128xf32, #tpu.memory_space<hbm>>
    %dma_wait3A_204 = tpu.memref_squeeze %dma_wait3A_203 : memref<1x32x128xf32, #tpu.memory_space<hbm>> -> memref<32x128xf32, #tpu.memory_space<hbm>>
    %dma_wait3A_205 = arith.constant 0 : i32
    %dma_wait3A_206 = arith.constant 0 : i32
    %dma_wait3A_207 = tpu.memref_slice %arg2[%dma_wait3A_200, %dma_wait3A_205, %dma_wait3A_206] : memref<16x1024x1024xf32, #tpu.memory_space<hbm>> -> memref<1x32x128xf32, #tpu.memory_space<hbm>>
    %dma_wait3A_208 = tpu.memref_squeeze %dma_wait3A_207 : memref<1x32x128xf32, #tpu.memory_space<hbm>> -> memref<32x128xf32, #tpu.memory_space<hbm>>
    tpu.wait_dma2 semaphore(%arg13 : memref<!tpu.dma_semaphore, #tpu.memory_space<semaphore_mem>>) src(%dma_wait3A_208 : memref<32x128xf32, #tpu.memory_space<hbm>>) dst(%arg7 : memref<32x128xf32, #tpu.memory_space<vmem>>)
    %shift_right_arithmetic3A_209 = arith.constant 4 : i32
    %shift_right_arithmetic3A_210 = arith.shrsi %add3A_190, %shift_right_arithmetic3A_209 : i32
    %and3A_211 = arith.constant 15 : i32
    %and3A_212 = arith.andi %add3A_190, %and3A_211 : i32
    %mul3A_213 = arith.constant 16 : i32
    %mul3A_214 = arith.muli %mul3A_213, %and3A_212 : i32
    %mul3A_215 = arith.constant 64 : i32
    %mul3A_216 = arith.muli %mul3A_215, %and3A_212 : i32
    %add3A_217 = arith.constant 32 : i32
    %add3A_218 = arith.addi %mul3A_216, %add3A_217 : i32
    %jit3A_219 = arith.constant 128 : i32
    %eq3A_220 = arith.constant 0 : i32
    %eq3A_221 = arith.cmpi eq, %jit3A_219, %eq3A_220 : i32
    %jit3A_222 = arith.constant 1 : i32
    %select_n3A_223 = arith.select %eq3A_221, %jit3A_222, %jit3A_219 : i32
    %rem3A_224 = arith.remsi %add3A_218, %select_n3A_223 : i32
    %ne3A_225 = arith.constant 0 : i32
    %ne3A_226 = arith.cmpi ne, %rem3A_224, %ne3A_225 : i32
    %lt3A_227 = arith.constant 0 : i32
    %lt3A_228 = arith.cmpi slt, %rem3A_224, %lt3A_227 : i32
    %lt3A_229 = arith.constant 0 : i32
    %lt3A_230 = arith.cmpi slt, %select_n3A_223, %lt3A_229 : i32
    %ne3A_231 = arith.xori %lt3A_228, %lt3A_230 : i1
    %and3A_232 = arith.andi %ne3A_231, %ne3A_226 : i1
    %add3A_233 = arith.addi %rem3A_224, %select_n3A_223 : i32
    %select_n3A_234 = arith.select %and3A_232, %add3A_233, %rem3A_224 : i32
    %scan3A_235 = arith.constant 0 : i32
    %scan3A_236 = arith.constant 0 : i32
    %scan3A_237 = arith.constant 16 : i32
    %scan3A_238 = arith.addi %scan3A_236, %scan3A_237 : i32
    %scan3A_239 = arith.constant 1 : i32
    scf.for %scan3A_319 = %scan3A_236 to %scan3A_238 step %scan3A_239  : i32 {
      %broadcast_in_dim3A = vector.broadcast %scan3A_319 : i32 to vector<16xi32>
      %mul3A_320 = arith.constant 2 : i32
      %mul3A_321 = vector.broadcast %mul3A_320 : i32 to vector<16xi32>
      %mul3A_322 = arith.muli %mul3A_321, %broadcast_in_dim3A : vector<16xi32>
      %add3A_323 = arith.constant 1 : i32
      %add3A_324 = vector.broadcast %add3A_323 : i32 to vector<16xi32>
      %add3A_325 = arith.addi %mul3A_322, %add3A_324 : vector<16xi32>
      %mul3A_326 = arith.constant 2 : i32
      %mul3A_327 = vector.broadcast %mul3A_326 : i32 to vector<16xi32>
      %mul3A_328 = arith.muli %mul3A_327, %iota3A : vector<16xi32>
      %add3A_329 = arith.constant 0 : i32
      %add3A_330 = vector.broadcast %add3A_329 : i32 to vector<16xi32>
      %add3A_331 = arith.addi %add3A_330, %mul3A_328 : vector<16xi32>
      %gather3A = tpu.vector_load_idx %arg5[%mul3A_322, %add3A_331] : memref<32x1024xf32, #tpu.memory_space<vmem>>[vector<16xi32>, vector<16xi32>], vector<16xf32>,
      %swap3A = arith.index_cast %scan3A_319 : i32 to index
      %swap3A_332 = arith.constant 0 : index
      %swap3A_333 = tpu.vector_load %arg9[%swap3A, %swap3A_332] {strides = array<i32>} : memref<16x256xf32, #tpu.memory_space<vmem>>, vector<16xf32>,
      tpu.vector_store %arg9[%swap3A, %swap3A_332], %gather3A {strides = array<i32>} : memref<16x256xf32, #tpu.memory_space<vmem>>, vector<16xf32>,
      %mul3A_334 = arith.constant 2 : i32
      %mul3A_335 = vector.broadcast %mul3A_334 : i32 to vector<16xi32>
      %mul3A_336 = arith.muli %mul3A_335, %iota3A : vector<16xi32>
      %add3A_337 = arith.constant 64 : i32
      %add3A_338 = vector.broadcast %add3A_337 : i32 to vector<16xi32>
      %add3A_339 = arith.addi %add3A_338, %mul3A_336 : vector<16xi32>
      %gather3A_340 = tpu.vector_load_idx %arg5[%mul3A_322, %add3A_339] : memref<32x1024xf32, #tpu.memory_space<vmem>>[vector<16xi32>, vector<16xi32>], vector<16xf32>,
      %swap3A_341 = arith.index_cast %scan3A_319 : i32 to index
      %swap3A_342 = arith.constant 16 : index
      %swap3A_343 = tpu.vector_load %arg9[%swap3A_341, %swap3A_342] {strides = array<i32>} : memref<16x256xf32, #tpu.memory_space<vmem>>, vector<16xf32>,
      tpu.vector_store %arg9[%swap3A_341, %swap3A_342], %gather3A_340 {strides = array<i32>} : memref<16x256xf32, #tpu.memory_space<vmem>>, vector<16xf32>,
      %mul3A_344 = arith.constant 2 : i32
      %mul3A_345 = vector.broadcast %mul3A_344 : i32 to vector<16xi32>
      %mul3A_346 = arith.muli %mul3A_345, %iota3A : vector<16xi32>
      %add3A_347 = arith.constant 128 : i32
      %add3A_348 = vector.broadcast %add3A_347 : i32 to vector<16xi32>
      %add3A_349 = arith.addi %add3A_348, %mul3A_346 : vector<16xi32>
      %gather3A_350 = tpu.vector_load_idx %arg5[%mul3A_322, %add3A_349] : memref<32x1024xf32, #tpu.memory_space<vmem>>[vector<16xi32>, vector<16xi32>], vector<16xf32>,
      %swap3A_351 = arith.index_cast %scan3A_319 : i32 to index
      %swap3A_352 = arith.constant 32 : index
      %swap3A_353 = tpu.vector_load %arg9[%swap3A_351, %swap3A_352] {strides = array<i32>} : memref<16x256xf32, #tpu.memory_space<vmem>>, vector<16xf32>,
      tpu.vector_store %arg9[%swap3A_351, %swap3A_352], %gather3A_350 {strides = array<i32>} : memref<16x256xf32, #tpu.memory_space<vmem>>, vector<16xf32>,
      %mul3A_354 = arith.constant 2 : i32
      %mul3A_355 = vector.broadcast %mul3A_354 : i32 to vector<16xi32>
      %mul3A_356 = arith.muli %mul3A_355, %iota3A : vector<16xi32>
      %add3A_357 = arith.constant 192 : i32
      %add3A_358 = vector.broadcast %add3A_357 : i32 to vector<16xi32>
      %add3A_359 = arith.addi %add3A_358, %mul3A_356 : vector<16xi32>
      %gather3A_360 = tpu.vector_load_idx %arg5[%mul3A_322, %add3A_359] : memref<32x1024xf32, #tpu.memory_space<vmem>>[vector<16xi32>, vector<16xi32>], vector<16xf32>,
      %swap3A_361 = arith.index_cast %scan3A_319 : i32 to index
      %swap3A_362 = arith.constant 48 : index
      %swap3A_363 = tpu.vector_load %arg9[%swap3A_361, %swap3A_362] {strides = array<i32>} : memref<16x256xf32, #tpu.memory_space<vmem>>, vector<16xf32>,
      tpu.vector_store %arg9[%swap3A_361, %swap3A_362], %gather3A_360 {strides = array<i32>} : memref<16x256xf32, #tpu.memory_space<vmem>>, vector<16xf32>,
      %mul3A_364 = arith.constant 2 : i32
      %mul3A_365 = vector.broadcast %mul3A_364 : i32 to vector<16xi32>
      %mul3A_366 = arith.muli %mul3A_365, %iota3A : vector<16xi32>
      %add3A_367 = arith.constant 256 : i32
      %add3A_368 = vector.broadcast %add3A_367 : i32 to vector<16xi32>
      %add3A_369 = arith.addi %add3A_368, %mul3A_366 : vector<16xi32>
      %gather3A_370 = tpu.vector_load_idx %arg5[%mul3A_322, %add3A_369] : memref<32x1024xf32, #tpu.memory_space<vmem>>[vector<16xi32>, vector<16xi32>], vector<16xf32>,
      %swap3A_371 = arith.index_cast %scan3A_319 : i32 to index
      %swap3A_372 = arith.constant 64 : index
      %swap3A_373 = tpu.vector_load %arg9[%swap3A_371, %swap3A_372] {strides = array<i32>} : memref<16x256xf32, #tpu.memory_space<vmem>>, vector<16xf32>,
      tpu.vector_store %arg9[%swap3A_371, %swap3A_372], %gather3A_370 {strides = array<i32>} : memref<16x256xf32, #tpu.memory_space<vmem>>, vector<16xf32>,
      %mul3A_374 = arith.constant 2 : i32
      %mul3A_375 = vector.broadcast %mul3A_374 : i32 to vector<16xi32>
      %mul3A_376 = arith.muli %mul3A_375, %iota3A : vector<16xi32>
      %add3A_377 = arith.constant 320 : i32
      %add3A_378 = vector.broadcast %add3A_377 : i32 to vector<16xi32>
      %add3A_379 = arith.addi %add3A_378, %mul3A_376 : vector<16xi32>
      %gather3A_380 = tpu.vector_load_idx %arg5[%mul3A_322, %add3A_379] : memref<32x1024xf32, #tpu.memory_space<vmem>>[vector<16xi32>, vector<16xi32>], vector<16xf32>,
      %swap3A_381 = arith.index_cast %scan3A_319 : i32 to index
      %swap3A_382 = arith.constant 80 : index
      %swap3A_383 = tpu.vector_load %arg9[%swap3A_381, %swap3A_382] {strides = array<i32>} : memref<16x256xf32, #tpu.memory_space<vmem>>, vector<16xf32>,
      tpu.vector_store %arg9[%swap3A_381, %swap3A_382], %gather3A_380 {strides = array<i32>} : memref<16x256xf32, #tpu.memory_space<vmem>>, vector<16xf32>,
      %mul3A_384 = arith.constant 2 : i32
      %mul3A_385 = vector.broadcast %mul3A_384 : i32 to vector<16xi32>
      %mul3A_386 = arith.muli %mul3A_385, %iota3A : vector<16xi32>
      %add3A_387 = arith.constant 384 : i32
      %add3A_388 = vector.broadcast %add3A_387 : i32 to vector<16xi32>
      %add3A_389 = arith.addi %add3A_388, %mul3A_386 : vector<16xi32>
      %gather3A_390 = tpu.vector_load_idx %arg5[%mul3A_322, %add3A_389] : memref<32x1024xf32, #tpu.memory_space<vmem>>[vector<16xi32>, vector<16xi32>], vector<16xf32>,
      %swap3A_391 = arith.index_cast %scan3A_319 : i32 to index
      %swap3A_392 = arith.constant 96 : index
      %swap3A_393 = tpu.vector_load %arg9[%swap3A_391, %swap3A_392] {strides = array<i32>} : memref<16x256xf32, #tpu.memory_space<vmem>>, vector<16xf32>,
      tpu.vector_store %arg9[%swap3A_391, %swap3A_392], %gather3A_390 {strides = array<i32>} : memref<16x256xf32, #tpu.memory_space<vmem>>, vector<16xf32>,
      %mul3A_394 = arith.constant 2 : i32
      %mul3A_395 = vector.broadcast %mul3A_394 : i32 to vector<16xi32>
      %mul3A_396 = arith.muli %mul3A_395, %iota3A : vector<16xi32>
      %add3A_397 = arith.constant 448 : i32
      %add3A_398 = vector.broadcast %add3A_397 : i32 to vector<16xi32>
      %add3A_399 = arith.addi %add3A_398, %mul3A_396 : vector<16xi32>
      %gather3A_400 = tpu.vector_load_idx %arg5[%mul3A_322, %add3A_399] : memref<32x1024xf32, #tpu.memory_space<vmem>>[vector<16xi32>, vector<16xi32>], vector<16xf32>,
      %swap3A_401 = arith.index_cast %scan3A_319 : i32 to index
      %swap3A_402 = arith.constant 112 : index
      %swap3A_403 = tpu.vector_load %arg9[%swap3A_401, %swap3A_402] {strides = array<i32>} : memref<16x256xf32, #tpu.memory_space<vmem>>, vector<16xf32>,
      tpu.vector_store %arg9[%swap3A_401, %swap3A_402], %gather3A_400 {strides = array<i32>} : memref<16x256xf32, #tpu.memory_space<vmem>>, vector<16xf32>,
      %mul3A_404 = arith.constant 2 : i32
      %mul3A_405 = vector.broadcast %mul3A_404 : i32 to vector<16xi32>
      %mul3A_406 = arith.muli %mul3A_405, %iota3A : vector<16xi32>
      %add3A_407 = arith.constant 512 : i32
      %add3A_408 = vector.broadcast %add3A_407 : i32 to vector<16xi32>
      %add3A_409 = arith.addi %add3A_408, %mul3A_406 : vector<16xi32>
      %gather3A_410 = tpu.vector_load_idx %arg5[%mul3A_322, %add3A_409] : memref<32x1024xf32, #tpu.memory_space<vmem>>[vector<16xi32>, vector<16xi32>], vector<16xf32>,
      %swap3A_411 = arith.index_cast %scan3A_319 : i32 to index
      %swap3A_412 = arith.constant 128 : index
      %swap3A_413 = tpu.vector_load %arg9[%swap3A_411, %swap3A_412] {strides = array<i32>} : memref<16x256xf32, #tpu.memory_space<vmem>>, vector<16xf32>,
      tpu.vector_store %arg9[%swap3A_411, %swap3A_412], %gather3A_410 {strides = array<i32>} : memref<16x256xf32, #tpu.memory_space<vmem>>, vector<16xf32>,
      %mul3A_414 = arith.constant 2 : i32
      %mul3A_415 = vector.broadcast %mul3A_414 : i32 to vector<16xi32>
      %mul3A_416 = arith.muli %mul3A_415, %iota3A : vector<16xi32>
      %add3A_417 = arith.constant 576 : i32
      %add3A_418 = vector.broadcast %add3A_417 : i32 to vector<16xi32>
      %add3A_419 = arith.addi %add3A_418, %mul3A_416 : vector<16xi32>
      %gather3A_420 = tpu.vector_load_idx %arg5[%mul3A_322, %add3A_419] : memref<32x1024xf32, #tpu.memory_space<vmem>>[vector<16xi32>, vector<16xi32>], vector<16xf32>,
      %swap3A_421 = arith.index_cast %scan3A_319 : i32 to index
      %swap3A_422 = arith.constant 144 : index
      %swap3A_423 = tpu.vector_load %arg9[%swap3A_421, %swap3A_422] {strides = array<i32>} : memref<16x256xf32, #tpu.memory_space<vmem>>, vector<16xf32>,
      tpu.vector_store %arg9[%swap3A_421, %swap3A_422], %gather3A_420 {strides = array<i32>} : memref<16x256xf32, #tpu.memory_space<vmem>>, vector<16xf32>,
      %mul3A_424 = arith.constant 2 : i32
      %mul3A_425 = vector.broadcast %mul3A_424 : i32 to vector<16xi32>
      %mul3A_426 = arith.muli %mul3A_425, %iota3A : vector<16xi32>
      %add3A_427 = arith.constant 640 : i32
      %add3A_428 = vector.broadcast %add3A_427 : i32 to vector<16xi32>
      %add3A_429 = arith.addi %add3A_428, %mul3A_426 : vector<16xi32>
      %gather3A_430 = tpu.vector_load_idx %arg5[%mul3A_322, %add3A_429] : memref<32x1024xf32, #tpu.memory_space<vmem>>[vector<16xi32>, vector<16xi32>], vector<16xf32>,
      %swap3A_431 = arith.index_cast %scan3A_319 : i32 to index
      %swap3A_432 = arith.constant 160 : index
      %swap3A_433 = tpu.vector_load %arg9[%swap3A_431, %swap3A_432] {strides = array<i32>} : memref<16x256xf32, #tpu.memory_space<vmem>>, vector<16xf32>,
      tpu.vector_store %arg9[%swap3A_431, %swap3A_432], %gather3A_430 {strides = array<i32>} : memref<16x256xf32, #tpu.memory_space<vmem>>, vector<16xf32>,
      %mul3A_434 = arith.constant 2 : i32
      %mul3A_435 = vector.broadcast %mul3A_434 : i32 to vector<16xi32>
      %mul3A_436 = arith.muli %mul3A_435, %iota3A : vector<16xi32>
      %add3A_437 = arith.constant 704 : i32
      %add3A_438 = vector.broadcast %add3A_437 : i32 to vector<16xi32>
      %add3A_439 = arith.addi %add3A_438, %mul3A_436 : vector<16xi32>
      %gather3A_440 = tpu.vector_load_idx %arg5[%mul3A_322, %add3A_439] : memref<32x1024xf32, #tpu.memory_space<vmem>>[vector<16xi32>, vector<16xi32>], vector<16xf32>,
      %swap3A_441 = arith.index_cast %scan3A_319 : i32 to index
      %swap3A_442 = arith.constant 176 : index
      %swap3A_443 = tpu.vector_load %arg9[%swap3A_441, %swap3A_442] {strides = array<i32>} : memref<16x256xf32, #tpu.memory_space<vmem>>, vector<16xf32>,
      tpu.vector_store %arg9[%swap3A_441, %swap3A_442], %gather3A_440 {strides = array<i32>} : memref<16x256xf32, #tpu.memory_space<vmem>>, vector<16xf32>,
      %mul3A_444 = arith.constant 2 : i32
      %mul3A_445 = vector.broadcast %mul3A_444 : i32 to vector<16xi32>
      %mul3A_446 = arith.muli %mul3A_445, %iota3A : vector<16xi32>
      %add3A_447 = arith.constant 768 : i32
      %add3A_448 = vector.broadcast %add3A_447 : i32 to vector<16xi32>
      %add3A_449 = arith.addi %add3A_448, %mul3A_446 : vector<16xi32>
      %gather3A_450 = tpu.vector_load_idx %arg5[%mul3A_322, %add3A_449] : memref<32x1024xf32, #tpu.memory_space<vmem>>[vector<16xi32>, vector<16xi32>], vector<16xf32>,
      %swap3A_451 = arith.index_cast %scan3A_319 : i32 to index
      %swap3A_452 = arith.constant 192 : index
      %swap3A_453 = tpu.vector_load %arg9[%swap3A_451, %swap3A_452] {strides = array<i32>} : memref<16x256xf32, #tpu.memory_space<vmem>>, vector<16xf32>,
      tpu.vector_store %arg9[%swap3A_451, %swap3A_452], %gather3A_450 {strides = array<i32>} : memref<16x256xf32, #tpu.memory_space<vmem>>, vector<16xf32>,
      %mul3A_454 = arith.constant 2 : i32
      %mul3A_455 = vector.broadcast %mul3A_454 : i32 to vector<16xi32>
      %mul3A_456 = arith.muli %mul3A_455, %iota3A : vector<16xi32>
      %add3A_457 = arith.constant 832 : i32
      %add3A_458 = vector.broadcast %add3A_457 : i32 to vector<16xi32>
      %add3A_459 = arith.addi %add3A_458, %mul3A_456 : vector<16xi32>
      %gather3A_460 = tpu.vector_load_idx %arg5[%mul3A_322, %add3A_459] : memref<32x1024xf32, #tpu.memory_space<vmem>>[vector<16xi32>, vector<16xi32>], vector<16xf32>,
      %swap3A_461 = arith.index_cast %scan3A_319 : i32 to index
      %swap3A_462 = arith.constant 208 : index
      %swap3A_463 = tpu.vector_load %arg9[%swap3A_461, %swap3A_462] {strides = array<i32>} : memref<16x256xf32, #tpu.memory_space<vmem>>, vector<16xf32>,
      tpu.vector_store %arg9[%swap3A_461, %swap3A_462], %gather3A_460 {strides = array<i32>} : memref<16x256xf32, #tpu.memory_space<vmem>>, vector<16xf32>,
      %mul3A_464 = arith.constant 2 : i32
      %mul3A_465 = vector.broadcast %mul3A_464 : i32 to vector<16xi32>
      %mul3A_466 = arith.muli %mul3A_465, %iota3A : vector<16xi32>
      %add3A_467 = arith.constant 896 : i32
      %add3A_468 = vector.broadcast %add3A_467 : i32 to vector<16xi32>
      %add3A_469 = arith.addi %add3A_468, %mul3A_466 : vector<16xi32>
      %gather3A_470 = tpu.vector_load_idx %arg5[%mul3A_322, %add3A_469] : memref<32x1024xf32, #tpu.memory_space<vmem>>[vector<16xi32>, vector<16xi32>], vector<16xf32>,
      %swap3A_471 = arith.index_cast %scan3A_319 : i32 to index
      %swap3A_472 = arith.constant 224 : index
      %swap3A_473 = tpu.vector_load %arg9[%swap3A_471, %swap3A_472] {strides = array<i32>} : memref<16x256xf32, #tpu.memory_space<vmem>>, vector<16xf32>,
      tpu.vector_store %arg9[%swap3A_471, %swap3A_472], %gather3A_470 {strides = array<i32>} : memref<16x256xf32, #tpu.memory_space<vmem>>, vector<16xf32>,
      %mul3A_474 = arith.constant 2 : i32
      %mul3A_475 = vector.broadcast %mul3A_474 : i32 to vector<16xi32>
      %mul3A_476 = arith.muli %mul3A_475, %iota3A : vector<16xi32>
      %add3A_477 = arith.constant 960 : i32
      %add3A_478 = vector.broadcast %add3A_477 : i32 to vector<16xi32>
      %add3A_479 = arith.addi %add3A_478, %mul3A_476 : vector<16xi32>
      %gather3A_480 = tpu.vector_load_idx %arg5[%mul3A_322, %add3A_479] : memref<32x1024xf32, #tpu.memory_space<vmem>>[vector<16xi32>, vector<16xi32>], vector<16xf32>,
      %swap3A_481 = arith.index_cast %scan3A_319 : i32 to index
      %swap3A_482 = arith.constant 240 : index
      %swap3A_483 = tpu.vector_load %arg9[%swap3A_481, %swap3A_482] {strides = array<i32>} : memref<16x256xf32, #tpu.memory_space<vmem>>, vector<16xf32>,
      tpu.vector_store %arg9[%swap3A_481, %swap3A_482], %gather3A_480 {strides = array<i32>} : memref<16x256xf32, #tpu.memory_space<vmem>>, vector<16xf32>,
      %mul3A_484 = arith.constant 64 : i32
      %mul3A_485 = vector.broadcast %mul3A_484 : i32 to vector<16xi32>
      %mul3A_486 = arith.muli %mul3A_485, %iota3A : vector<16xi32>
      %mul3A_487 = arith.constant 2 : i32
      %mul3A_488 = arith.muli %mul3A_487, %scan3A_319 : i32
      %add3A_489 = vector.broadcast %mul3A_488 : i32 to vector<16xi32>
      %add3A_490 = arith.addi %mul3A_486, %add3A_489 : vector<16xi32>
      %add3A_491 = arith.constant 1 : i32
      %add3A_492 = vector.broadcast %add3A_491 : i32 to vector<16xi32>
      %add3A_493 = arith.addi %add3A_490, %add3A_492 : vector<16xi32>
      %gather3A_494 = tpu.vector_load_idx %arg5[%add3A_325, %add3A_493] : memref<32x1024xf32, #tpu.memory_space<vmem>>[vector<16xi32>, vector<16xi32>], vector<16xf32>,
      %mul3A_495 = arith.constant 16 : i32
      %mul3A_496 = vector.broadcast %mul3A_495 : i32 to vector<16xi32>
      %mul3A_497 = arith.muli %mul3A_496, %iota3A : vector<16xi32>
      %add3A_498 = vector.broadcast %scan3A_319 : i32 to vector<16xi32>
      %add3A_499 = arith.addi %mul3A_497, %add3A_498 : vector<16xi32>
      tpu.vector_store_idx %arg9[%broadcast_in_dim3A, %add3A_499], %gather3A_494 {add = true} : memref<16x256xf32, #tpu.memory_space<vmem>>[vector<16xi32>, vector<16xi32>], vector<16xf32>,
      %mul3A_500 = arith.constant 2 : i32
      %mul3A_501 = vector.broadcast %mul3A_500 : i32 to vector<16xi32>
      %mul3A_502 = arith.muli %mul3A_501, %iota3A : vector<16xi32>
      %add3A_503 = vector.broadcast %select_n3A_234 : i32 to vector<16xi32>
      %add3A_504 = arith.addi %add3A_503, %mul3A_502 : vector<16xi32>
      %gather3A_505 = tpu.vector_load_idx %arg7[%mul3A_322, %add3A_504] : memref<32x128xf32, #tpu.memory_space<vmem>>[vector<16xi32>, vector<16xi32>], vector<16xf32>,
      %broadcast_in_dim3A_506 = vector.broadcast %select_n3A_234 : i32 to vector<16xi32>
      %mul3A_507 = arith.constant 2 : i32
      %mul3A_508 = arith.muli %mul3A_507, %scan3A_319 : i32
      %add3A_509 = vector.broadcast %mul3A_508 : i32 to vector<16xi32>
      %add3A_510 = arith.addi %broadcast_in_dim3A_506, %add3A_509 : vector<16xi32>
      %add3A_511 = arith.constant 1 : i32
      %add3A_512 = vector.broadcast %add3A_511 : i32 to vector<16xi32>
      %add3A_513 = arith.addi %add3A_510, %add3A_512 : vector<16xi32>
      %gather3A_514 = tpu.vector_load_idx %arg7[%add3A_325, %add3A_513] : memref<32x128xf32, #tpu.memory_space<vmem>>[vector<16xi32>, vector<16xi32>], vector<16xf32>,
      %eq3A_515 = vector.broadcast %scan3A_319 : i32 to vector<16xi32>
      %eq3A_516 = arith.cmpi eq, %iota3A, %eq3A_515 : vector<16xi32>
      %jit3A_517 = arith.constant 0.000000e+00 : f32
      %broadcast_in_dim3A_518 = vector.broadcast %jit3A_517 : f32 to vector<16xf32>
      %select_n3A_519 = arith.select %eq3A_516, %gather3A_514, %broadcast_in_dim3A_518 : vector<16xi1>, vector<16xf32>
      %add3A_520 = arith.addf %gather3A_505, %select_n3A_519 : vector<16xf32>
      %add3A_521 = vector.broadcast %mul3A_214 : i32 to vector<16xi32>
      %add3A_522 = arith.addi %add3A_521, %iota3A : vector<16xi32>
      tpu.vector_store_idx %arg9[%broadcast_in_dim3A, %add3A_522], %add3A_520 {add = true} : memref<16x256xf32, #tpu.memory_space<vmem>>[vector<16xi32>, vector<16xi32>], vector<16xf32>,
    }
    %scan3A_240 = arith.constant 16 : i32
    %dma_start3A_241 = arith.constant 0 : i32
    %dma_start3A_242 = tpu.memref_slice %arg3[%shift_right_arithmetic3A_210, %mul3A_214, %dma_start3A_241] : memref<16x256x256xf32, #tpu.memory_space<hbm>> -> memref<1x16x256xf32, #tpu.memory_space<hbm>>
    %dma_start3A_243 = tpu.memref_squeeze %dma_start3A_242 : memref<1x16x256xf32, #tpu.memory_space<hbm>> -> memref<16x256xf32, #tpu.memory_space<hbm>>
    %dma_start3A_244 = arith.constant 0 : i32
    %dma_start3A_245 = tpu.memref_slice %arg3[%shift_right_arithmetic3A_210, %mul3A_214, %dma_start3A_244] : memref<16x256x256xf32, #tpu.memory_space<hbm>> -> memref<1x16x256xf32, #tpu.memory_space<hbm>>
    %dma_start3A_246 = tpu.memref_squeeze %dma_start3A_245 : memref<1x16x256xf32, #tpu.memory_space<hbm>> -> memref<16x256xf32, #tpu.memory_space<hbm>>
    tpu.enqueue_dma source(%arg9 : memref<16x256xf32, #tpu.memory_space<vmem>>) target(%dma_start3A_246 : memref<16x256xf32, #tpu.memory_space<hbm>>) target_semaphore(%arg15 : memref<!tpu.dma_semaphore, #tpu.memory_space<semaphore_mem>>)
    %add3A_247 = arith.constant 2 : i32
    %add3A_248 = arith.addi %add3A_190, %add3A_247 : i32
    %shift_right_arithmetic3A_249 = arith.constant 4 : i32
    %shift_right_arithmetic3A_250 = arith.shrsi %add3A_248, %shift_right_arithmetic3A_249 : i32
    %and3A_251 = arith.constant 15 : i32
    %and3A_252 = arith.andi %add3A_248, %and3A_251 : i32
    %mul3A_253 = arith.constant 64 : i32
    %mul3A_254 = arith.muli %mul3A_253, %and3A_252 : i32
    %dma_start3A_255 = arith.constant 0 : i32
    %dma_start3A_256 = tpu.memref_slice %arg2[%shift_right_arithmetic3A_250, %mul3A_254, %dma_start3A_255] : memref<16x1024x1024xf32, #tpu.memory_space<hbm>> -> memref<1x32x1024xf32, #tpu.memory_space<hbm>>
    %dma_start3A_257 = tpu.memref_squeeze %dma_start3A_256 : memref<1x32x1024xf32, #tpu.memory_space<hbm>> -> memref<32x1024xf32, #tpu.memory_space<hbm>>
    %dma_start3A_258 = arith.constant 0 : i32
    %dma_start3A_259 = tpu.memref_slice %arg2[%shift_right_arithmetic3A_250, %mul3A_254, %dma_start3A_258] : memref<16x1024x1024xf32, #tpu.memory_space<hbm>> -> memref<1x32x1024xf32, #tpu.memory_space<hbm>>
    %dma_start3A_260 = tpu.memref_squeeze %dma_start3A_259 : memref<1x32x1024xf32, #tpu.memory_space<hbm>> -> memref<32x1024xf32, #tpu.memory_space<hbm>>
    tpu.enqueue_dma source(%dma_start3A_260 : memref<32x1024xf32, #tpu.memory_space<hbm>>) target(%arg5 : memref<32x1024xf32, #tpu.memory_space<vmem>>) target_semaphore(%arg11 : memref<!tpu.dma_semaphore, #tpu.memory_space<semaphore_mem>>)
    %add3A_261 = arith.constant 32 : i32
    %add3A_262 = arith.addi %mul3A_254, %add3A_261 : i32
    %add3A_263 = arith.constant 32 : i32
    %add3A_264 = arith.addi %mul3A_254, %add3A_263 : i32
    %jit3A_265 = arith.constant 128 : i32
    %div3A_266 = arith.divsi %add3A_264, %jit3A_265 : i32
    %sign3A_267 = arith.constant 0 : i32
    %sign3A_268 = arith.cmpi sgt, %add3A_264, %sign3A_267 : i32
    %sign3A_269 = arith.extui %sign3A_268 : i1 to i32
    %sign3A_270 = arith.constant 0 : i32
    %sign3A_271 = arith.cmpi slt, %add3A_264, %sign3A_270 : i32
    %sign3A_272 = arith.extui %sign3A_271 : i1 to i32
    %sign3A_273 = arith.subi %sign3A_269, %sign3A_272 : i32
    %sign3A_274 = arith.constant 0 : i32
    %sign3A_275 = arith.cmpi sgt, %jit3A_265, %sign3A_274 : i32
    %sign3A_276 = arith.extui %sign3A_275 : i1 to i32
    %sign3A_277 = arith.constant 0 : i32
    %sign3A_278 = arith.cmpi slt, %jit3A_265, %sign3A_277 : i32
    %sign3A_279 = arith.extui %sign3A_278 : i1 to i32
    %sign3A_280 = arith.subi %sign3A_276, %sign3A_279 : i32
    %ne3A_281 = arith.cmpi ne, %sign3A_273, %sign3A_280 : i32
    %rem3A_282 = arith.remsi %add3A_264, %jit3A_265 : i32
    %ne3A_283 = arith.constant 0 : i32
    %ne3A_284 = arith.cmpi ne, %rem3A_282, %ne3A_283 : i32
    %and3A_285 = arith.andi %ne3A_281, %ne3A_284 : i1
    %sub3A_286 = arith.constant 1 : i32
    %sub3A_287 = arith.subi %div3A_266, %sub3A_286 : i32
    %select_n3A_288 = arith.select %and3A_285, %sub3A_287, %div3A_266 : i32
    %mul3A_289 = arith.constant 128 : i32
    %mul3A_290 = arith.muli %select_n3A_288, %mul3A_289 : i32
    %dma_start3A_291 = tpu.memref_slice %arg2[%shift_right_arithmetic3A_250, %add3A_262, %mul3A_290] : memref<16x1024x1024xf32, #tpu.memory_space<hbm>> -> memref<1x32x128xf32, #tpu.memory_space<hbm>>
    %dma_start3A_292 = tpu.memref_squeeze %dma_start3A_291 : memref<1x32x128xf32, #tpu.memory_space<hbm>> -> memref<32x128xf32, #tpu.memory_space<hbm>>
    %dma_start3A_293 = tpu.memref_slice %arg2[%shift_right_arithmetic3A_250, %add3A_262, %mul3A_290] : memref<16x1024x1024xf32, #tpu.memory_space<hbm>> -> memref<1x32x128xf32, #tpu.memory_space<hbm>>
    %dma_start3A_294 = tpu.memref_squeeze %dma_start3A_293 : memref<1x32x128xf32, #tpu.memory_space<hbm>> -> memref<32x128xf32, #tpu.memory_space<hbm>>
    tpu.enqueue_dma source(%dma_start3A_294 : memref<32x128xf32, #tpu.memory_space<hbm>>) target(%arg7 : memref<32x128xf32, #tpu.memory_space<vmem>>) target_semaphore(%arg13 : memref<!tpu.dma_semaphore, #tpu.memory_space<semaphore_mem>>)
    %scan3A_295 = arith.constant 0 : i32
    %scan3A_296 = arith.constant 1 : i32
    %scan3A_297 = arith.constant 3 : i32
    %scan3A_298 = arith.addi %scan3A_296, %scan3A_297 : i32
    %scan3A_299 = arith.constant 1 : i32
    scf.for %scan3A_319 = %scan3A_296 to %scan3A_298 step %scan3A_299  : i32 {
      %mul3A_320 = arith.constant 2 : i32
      %mul3A_321 = arith.muli %mul3A_320, %scan3A_319 : i32
      %add3A_322 = arith.addi %mul3A_2, %mul3A_321 : i32
      %add3A_323 = arith.constant 0 : i32
      %add3A_324 = arith.addi %add3A_322, %add3A_323 : i32
      %dma_wait3A_325 = arith.constant 0 : i32
      %dma_wait3A_326 = arith.constant 0 : i32
      %dma_wait3A_327 = arith.constant 0 : i32
      %dma_wait3A_328 = tpu.memref_slice %arg2[%dma_wait3A_325, %dma_wait3A_326, %dma_wait3A_327] : memref<16x1024x1024xf32, #tpu.memory_space<hbm>> -> memref<1x32x1024xf32, #tpu.memory_space<hbm>>
      %dma_wait3A_329 = tpu.memref_squeeze %dma_wait3A_328 : memref<1x32x1024xf32, #tpu.memory_space<hbm>> -> memref<32x1024xf32, #tpu.memory_space<hbm>>
      %dma_wait3A_330 = arith.constant 0 : i32
      %dma_wait3A_331 = arith.constant 0 : i32
      %dma_wait3A_332 = tpu.memref_slice %arg2[%dma_wait3A_325, %dma_wait3A_330, %dma_wait3A_331] : memref<16x1024x1024xf32, #tpu.memory_space<hbm>> -> memref<1x32x1024xf32, #tpu.memory_space<hbm>>
      %dma_wait3A_333 = tpu.memref_squeeze %dma_wait3A_332 : memref<1x32x1024xf32, #tpu.memory_space<hbm>> -> memref<32x1024xf32, #tpu.memory_space<hbm>>
      tpu.wait_dma2 semaphore(%arg10 : memref<!tpu.dma_semaphore, #tpu.memory_space<semaphore_mem>>) src(%dma_wait3A_333 : memref<32x1024xf32, #tpu.memory_space<hbm>>) dst(%arg4 : memref<32x1024xf32, #tpu.memory_space<vmem>>)
      %dma_wait3A_334 = arith.constant 0 : i32
      %dma_wait3A_335 = arith.constant 0 : i32
      %dma_wait3A_336 = arith.constant 0 : i32
      %dma_wait3A_337 = tpu.memref_slice %arg2[%dma_wait3A_334, %dma_wait3A_335, %dma_wait3A_336] : memref<16x1024x1024xf32, #tpu.memory_space<hbm>> -> memref<1x32x128xf32, #tpu.memory_space<hbm>>
      %dma_wait3A_338 = tpu.memref_squeeze %dma_wait3A_337 : memref<1x32x128xf32, #tpu.memory_space<hbm>> -> memref<32x128xf32, #tpu.memory_space<hbm>>
      %dma_wait3A_339 = arith.constant 0 : i32
      %dma_wait3A_340 = arith.constant 0 : i32
      %dma_wait3A_341 = tpu.memref_slice %arg2[%dma_wait3A_334, %dma_wait3A_339, %dma_wait3A_340] : memref<16x1024x1024xf32, #tpu.memory_space<hbm>> -> memref<1x32x128xf32, #tpu.memory_space<hbm>>
      %dma_wait3A_342 = tpu.memref_squeeze %dma_wait3A_341 : memref<1x32x128xf32, #tpu.memory_space<hbm>> -> memref<32x128xf32, #tpu.memory_space<hbm>>
      tpu.wait_dma2 semaphore(%arg12 : memref<!tpu.dma_semaphore, #tpu.memory_space<semaphore_mem>>) src(%dma_wait3A_342 : memref<32x128xf32, #tpu.memory_space<hbm>>) dst(%arg6 : memref<32x128xf32, #tpu.memory_space<vmem>>)
      %dma_wait3A_343 = arith.constant 0 : i32
      %dma_wait3A_344 = arith.constant 0 : i32
      %dma_wait3A_345 = arith.constant 0 : i32
      %dma_wait3A_346 = tpu.memref_slice %arg3[%dma_wait3A_343, %dma_wait3A_344, %dma_wait3A_345] : memref<16x256x256xf32, #tpu.memory_space<hbm>> -> memref<1x16x256xf32, #tpu.memory_space<hbm>>
      %dma_wait3A_347 = tpu.memref_squeeze %dma_wait3A_346 : memref<1x16x256xf32, #tpu.memory_space<hbm>> -> memref<16x256xf32, #tpu.memory_space<hbm>>
      %dma_wait3A_348 = arith.constant 0 : i32
      %dma_wait3A_349 = arith.constant 0 : i32
      %dma_wait3A_350 = tpu.memref_slice %arg3[%dma_wait3A_343, %dma_wait3A_348, %dma_wait3A_349] : memref<16x256x256xf32, #tpu.memory_space<hbm>> -> memref<1x16x256xf32, #tpu.memory_space<hbm>>
      %dma_wait3A_351 = tpu.memref_squeeze %dma_wait3A_350 : memref<1x16x256xf32, #tpu.memory_space<hbm>> -> memref<16x256xf32, #tpu.memory_space<hbm>>
      tpu.wait_dma2 semaphore(%arg14 : memref<!tpu.dma_semaphore, #tpu.memory_space<semaphore_mem>>) src(%arg8 : memref<16x256xf32, #tpu.memory_space<vmem>>) dst(%dma_wait3A_351 : memref<16x256xf32, #tpu.memory_space<hbm>>)
      %shift_right_arithmetic3A_352 = arith.constant 4 : i32
      %shift_right_arithmetic3A_353 = arith.shrsi %add3A_324, %shift_right_arithmetic3A_352 : i32
      %and3A_354 = arith.constant 15 : i32
      %and3A_355 = arith.andi %add3A_324, %and3A_354 : i32
      %mul3A_356 = arith.constant 16 : i32
      %mul3A_357 = arith.muli %mul3A_356, %and3A_355 : i32
      %mul3A_358 = arith.constant 64 : i32
      %mul3A_359 = arith.muli %mul3A_358, %and3A_355 : i32
      %add3A_360 = arith.constant 32 : i32
      %add3A_361 = arith.addi %mul3A_359, %add3A_360 : i32
      %jit3A_362 = arith.constant 128 : i32
      %eq3A_363 = arith.constant 0 : i32
      %eq3A_364 = arith.cmpi eq, %jit3A_362, %eq3A_363 : i32
      %jit3A_365 = arith.constant 1 : i32
      %select_n3A_366 = arith.select %eq3A_364, %jit3A_365, %jit3A_362 : i32
      %rem3A_367 = arith.remsi %add3A_361, %select_n3A_366 : i32
      %ne3A_368 = arith.constant 0 : i32
      %ne3A_369 = arith.cmpi ne, %rem3A_367, %ne3A_368 : i32
      %lt3A_370 = arith.constant 0 : i32
      %lt3A_371 = arith.cmpi slt, %rem3A_367, %lt3A_370 : i32
      %lt3A_372 = arith.constant 0 : i32
      %lt3A_373 = arith.cmpi slt, %select_n3A_366, %lt3A_372 : i32
      %ne3A_374 = arith.xori %lt3A_371, %lt3A_373 : i1
      %and3A_375 = arith.andi %ne3A_374, %ne3A_369 : i1
      %add3A_376 = arith.addi %rem3A_367, %select_n3A_366 : i32
      %select_n3A_377 = arith.select %and3A_375, %add3A_376, %rem3A_367 : i32
      %scan3A_378 = arith.constant 0 : i32
      %scan3A_379 = arith.constant 0 : i32
      %scan3A_380 = arith.constant 16 : i32
      %scan3A_381 = arith.addi %scan3A_379, %scan3A_380 : i32
      %scan3A_382 = arith.constant 1 : i32
      scf.for %scan3A_468 = %scan3A_379 to %scan3A_381 step %scan3A_382  : i32 {
        %broadcast_in_dim3A = vector.broadcast %scan3A_468 : i32 to vector<16xi32>
        %mul3A_469 = arith.constant 2 : i32
        %mul3A_470 = vector.broadcast %mul3A_469 : i32 to vector<16xi32>
        %mul3A_471 = arith.muli %mul3A_470, %broadcast_in_dim3A : vector<16xi32>
        %add3A_472 = arith.constant 1 : i32
        %add3A_473 = vector.broadcast %add3A_472 : i32 to vector<16xi32>
        %add3A_474 = arith.addi %mul3A_471, %add3A_473 : vector<16xi32>
        %mul3A_475 = arith.constant 2 : i32
        %mul3A_476 = vector.broadcast %mul3A_475 : i32 to vector<16xi32>
        %mul3A_477 = arith.muli %mul3A_476, %iota3A : vector<16xi32>
        %add3A_478 = arith.constant 0 : i32
        %add3A_479 = vector.broadcast %add3A_478 : i32 to vector<16xi32>
        %add3A_480 = arith.addi %add3A_479, %mul3A_477 : vector<16xi32>
        %gather3A = tpu.vector_load_idx %arg4[%mul3A_471, %add3A_480] : memref<32x1024xf32, #tpu.memory_space<vmem>>[vector<16xi32>, vector<16xi32>], vector<16xf32>,
        %swap3A = arith.index_cast %scan3A_468 : i32 to index
        %swap3A_481 = arith.constant 0 : index
        %swap3A_482 = tpu.vector_load %arg8[%swap3A, %swap3A_481] {strides = array<i32>} : memref<16x256xf32, #tpu.memory_space<vmem>>, vector<16xf32>,
        tpu.vector_store %arg8[%swap3A, %swap3A_481], %gather3A {strides = array<i32>} : memref<16x256xf32, #tpu.memory_space<vmem>>, vector<16xf32>,
        %mul3A_483 = arith.constant 2 : i32
        %mul3A_484 = vector.broadcast %mul3A_483 : i32 to vector<16xi32>
        %mul3A_485 = arith.muli %mul3A_484, %iota3A : vector<16xi32>
        %add3A_486 = arith.constant 64 : i32
        %add3A_487 = vector.broadcast %add3A_486 : i32 to vector<16xi32>
        %add3A_488 = arith.addi %add3A_487, %mul3A_485 : vector<16xi32>
        %gather3A_489 = tpu.vector_load_idx %arg4[%mul3A_471, %add3A_488] : memref<32x1024xf32, #tpu.memory_space<vmem>>[vector<16xi32>, vector<16xi32>], vector<16xf32>,
        %swap3A_490 = arith.index_cast %scan3A_468 : i32 to index
        %swap3A_491 = arith.constant 16 : index
        %swap3A_492 = tpu.vector_load %arg8[%swap3A_490, %swap3A_491] {strides = array<i32>} : memref<16x256xf32, #tpu.memory_space<vmem>>, vector<16xf32>,
        tpu.vector_store %arg8[%swap3A_490, %swap3A_491], %gather3A_489 {strides = array<i32>} : memref<16x256xf32, #tpu.memory_space<vmem>>, vector<16xf32>,
        %mul3A_493 = arith.constant 2 : i32
        %mul3A_494 = vector.broadcast %mul3A_493 : i32 to vector<16xi32>
        %mul3A_495 = arith.muli %mul3A_494, %iota3A : vector<16xi32>
        %add3A_496 = arith.constant 128 : i32
        %add3A_497 = vector.broadcast %add3A_496 : i32 to vector<16xi32>
        %add3A_498 = arith.addi %add3A_497, %mul3A_495 : vector<16xi32>
        %gather3A_499 = tpu.vector_load_idx %arg4[%mul3A_471, %add3A_498] : memref<32x1024xf32, #tpu.memory_space<vmem>>[vector<16xi32>, vector<16xi32>], vector<16xf32>,
        %swap3A_500 = arith.index_cast %scan3A_468 : i32 to index
        %swap3A_501 = arith.constant 32 : index
        %swap3A_502 = tpu.vector_load %arg8[%swap3A_500, %swap3A_501] {strides = array<i32>} : memref<16x256xf32, #tpu.memory_space<vmem>>, vector<16xf32>,
        tpu.vector_store %arg8[%swap3A_500, %swap3A_501], %gather3A_499 {strides = array<i32>} : memref<16x256xf32, #tpu.memory_space<vmem>>, vector<16xf32>,
        %mul3A_503 = arith.constant 2 : i32
        %mul3A_504 = vector.broadcast %mul3A_503 : i32 to vector<16xi32>
        %mul3A_505 = arith.muli %mul3A_504, %iota3A : vector<16xi32>
        %add3A_506 = arith.constant 192 : i32
        %add3A_507 = vector.broadcast %add3A_506 : i32 to vector<16xi32>
        %add3A_508 = arith.addi %add3A_507, %mul3A_505 : vector<16xi32>
        %gather3A_509 = tpu.vector_load_idx %arg4[%mul3A_471, %add3A_508] : memref<32x1024xf32, #tpu.memory_space<vmem>>[vector<16xi32>, vector<16xi32>], vector<16xf32>,
        %swap3A_510 = arith.index_cast %scan3A_468 : i32 to index
        %swap3A_511 = arith.constant 48 : index
        %swap3A_512 = tpu.vector_load %arg8[%swap3A_510, %swap3A_511] {strides = array<i32>} : memref<16x256xf32, #tpu.memory_space<vmem>>, vector<16xf32>,
        tpu.vector_store %arg8[%swap3A_510, %swap3A_511], %gather3A_509 {strides = array<i32>} : memref<16x256xf32, #tpu.memory_space<vmem>>, vector<16xf32>,
        %mul3A_513 = arith.constant 2 : i32
        %mul3A_514 = vector.broadcast %mul3A_513 : i32 to vector<16xi32>
        %mul3A_515 = arith.muli %mul3A_514, %iota3A : vector<16xi32>
        %add3A_516 = arith.constant 256 : i32
        %add3A_517 = vector.broadcast %add3A_516 : i32 to vector<16xi32>
        %add3A_518 = arith.addi %add3A_517, %mul3A_515 : vector<16xi32>
        %gather3A_519 = tpu.vector_load_idx %arg4[%mul3A_471, %add3A_518] : memref<32x1024xf32, #tpu.memory_space<vmem>>[vector<16xi32>, vector<16xi32>], vector<16xf32>,
        %swap3A_520 = arith.index_cast %scan3A_468 : i32 to index
        %swap3A_521 = arith.constant 64 : index
        %swap3A_522 = tpu.vector_load %arg8[%swap3A_520, %swap3A_521] {strides = array<i32>} : memref<16x256xf32, #tpu.memory_space<vmem>>, vector<16xf32>,
        tpu.vector_store %arg8[%swap3A_520, %swap3A_521], %gather3A_519 {strides = array<i32>} : memref<16x256xf32, #tpu.memory_space<vmem>>, vector<16xf32>,
        %mul3A_523 = arith.constant 2 : i32
        %mul3A_524 = vector.broadcast %mul3A_523 : i32 to vector<16xi32>
        %mul3A_525 = arith.muli %mul3A_524, %iota3A : vector<16xi32>
        %add3A_526 = arith.constant 320 : i32
        %add3A_527 = vector.broadcast %add3A_526 : i32 to vector<16xi32>
        %add3A_528 = arith.addi %add3A_527, %mul3A_525 : vector<16xi32>
        %gather3A_529 = tpu.vector_load_idx %arg4[%mul3A_471, %add3A_528] : memref<32x1024xf32, #tpu.memory_space<vmem>>[vector<16xi32>, vector<16xi32>], vector<16xf32>,
        %swap3A_530 = arith.index_cast %scan3A_468 : i32 to index
        %swap3A_531 = arith.constant 80 : index
        %swap3A_532 = tpu.vector_load %arg8[%swap3A_530, %swap3A_531] {strides = array<i32>} : memref<16x256xf32, #tpu.memory_space<vmem>>, vector<16xf32>,
        tpu.vector_store %arg8[%swap3A_530, %swap3A_531], %gather3A_529 {strides = array<i32>} : memref<16x256xf32, #tpu.memory_space<vmem>>, vector<16xf32>,
        %mul3A_533 = arith.constant 2 : i32
        %mul3A_534 = vector.broadcast %mul3A_533 : i32 to vector<16xi32>
        %mul3A_535 = arith.muli %mul3A_534, %iota3A : vector<16xi32>
        %add3A_536 = arith.constant 384 : i32
        %add3A_537 = vector.broadcast %add3A_536 : i32 to vector<16xi32>
        %add3A_538 = arith.addi %add3A_537, %mul3A_535 : vector<16xi32>
        %gather3A_539 = tpu.vector_load_idx %arg4[%mul3A_471, %add3A_538] : memref<32x1024xf32, #tpu.memory_space<vmem>>[vector<16xi32>, vector<16xi32>], vector<16xf32>,
        %swap3A_540 = arith.index_cast %scan3A_468 : i32 to index
        %swap3A_541 = arith.constant 96 : index
        %swap3A_542 = tpu.vector_load %arg8[%swap3A_540, %swap3A_541] {strides = array<i32>} : memref<16x256xf32, #tpu.memory_space<vmem>>, vector<16xf32>,
        tpu.vector_store %arg8[%swap3A_540, %swap3A_541], %gather3A_539 {strides = array<i32>} : memref<16x256xf32, #tpu.memory_space<vmem>>, vector<16xf32>,
        %mul3A_543 = arith.constant 2 : i32
        %mul3A_544 = vector.broadcast %mul3A_543 : i32 to vector<16xi32>
        %mul3A_545 = arith.muli %mul3A_544, %iota3A : vector<16xi32>
        %add3A_546 = arith.constant 448 : i32
        %add3A_547 = vector.broadcast %add3A_546 : i32 to vector<16xi32>
        %add3A_548 = arith.addi %add3A_547, %mul3A_545 : vector<16xi32>
        %gather3A_549 = tpu.vector_load_idx %arg4[%mul3A_471, %add3A_548] : memref<32x1024xf32, #tpu.memory_space<vmem>>[vector<16xi32>, vector<16xi32>], vector<16xf32>,
        %swap3A_550 = arith.index_cast %scan3A_468 : i32 to index
        %swap3A_551 = arith.constant 112 : index
        %swap3A_552 = tpu.vector_load %arg8[%swap3A_550, %swap3A_551] {strides = array<i32>} : memref<16x256xf32, #tpu.memory_space<vmem>>, vector<16xf32>,
        tpu.vector_store %arg8[%swap3A_550, %swap3A_551], %gather3A_549 {strides = array<i32>} : memref<16x256xf32, #tpu.memory_space<vmem>>, vector<16xf32>,
        %mul3A_553 = arith.constant 2 : i32
        %mul3A_554 = vector.broadcast %mul3A_553 : i32 to vector<16xi32>
        %mul3A_555 = arith.muli %mul3A_554, %iota3A : vector<16xi32>
        %add3A_556 = arith.constant 512 : i32
        %add3A_557 = vector.broadcast %add3A_556 : i32 to vector<16xi32>
        %add3A_558 = arith.addi %add3A_557, %mul3A_555 : vector<16xi32>
        %gather3A_559 = tpu.vector_load_idx %arg4[%mul3A_471, %add3A_558] : memref<32x1024xf32, #tpu.memory_space<vmem>>[vector<16xi32>, vector<16xi32>], vector<16xf32>,
        %swap3A_560 = arith.index_cast %scan3A_468 : i32 to index
        %swap3A_561 = arith.constant 128 : index
        %swap3A_562 = tpu.vector_load %arg8[%swap3A_560, %swap3A_561] {strides = array<i32>} : memref<16x256xf32, #tpu.memory_space<vmem>>, vector<16xf32>,
        tpu.vector_store %arg8[%swap3A_560, %swap3A_561], %gather3A_559 {strides = array<i32>} : memref<16x256xf32, #tpu.memory_space<vmem>>, vector<16xf32>,
        %mul3A_563 = arith.constant 2 : i32
        %mul3A_564 = vector.broadcast %mul3A_563 : i32 to vector<16xi32>
        %mul3A_565 = arith.muli %mul3A_564, %iota3A : vector<16xi32>
        %add3A_566 = arith.constant 576 : i32
        %add3A_567 = vector.broadcast %add3A_566 : i32 to vector<16xi32>
        %add3A_568 = arith.addi %add3A_567, %mul3A_565 : vector<16xi32>
        %gather3A_569 = tpu.vector_load_idx %arg4[%mul3A_471, %add3A_568] : memref<32x1024xf32, #tpu.memory_space<vmem>>[vector<16xi32>, vector<16xi32>], vector<16xf32>,
        %swap3A_570 = arith.index_cast %scan3A_468 : i32 to index
        %swap3A_571 = arith.constant 144 : index
        %swap3A_572 = tpu.vector_load %arg8[%swap3A_570, %swap3A_571] {strides = array<i32>} : memref<16x256xf32, #tpu.memory_space<vmem>>, vector<16xf32>,
        tpu.vector_store %arg8[%swap3A_570, %swap3A_571], %gather3A_569 {strides = array<i32>} : memref<16x256xf32, #tpu.memory_space<vmem>>, vector<16xf32>,
        %mul3A_573 = arith.constant 2 : i32
        %mul3A_574 = vector.broadcast %mul3A_573 : i32 to vector<16xi32>
        %mul3A_575 = arith.muli %mul3A_574, %iota3A : vector<16xi32>
        %add3A_576 = arith.constant 640 : i32
        %add3A_577 = vector.broadcast %add3A_576 : i32 to vector<16xi32>
        %add3A_578 = arith.addi %add3A_577, %mul3A_575 : vector<16xi32>
        %gather3A_579 = tpu.vector_load_idx %arg4[%mul3A_471, %add3A_578] : memref<32x1024xf32, #tpu.memory_space<vmem>>[vector<16xi32>, vector<16xi32>], vector<16xf32>,
        %swap3A_580 = arith.index_cast %scan3A_468 : i32 to index
        %swap3A_581 = arith.constant 160 : index
        %swap3A_582 = tpu.vector_load %arg8[%swap3A_580, %swap3A_581] {strides = array<i32>} : memref<16x256xf32, #tpu.memory_space<vmem>>, vector<16xf32>,
        tpu.vector_store %arg8[%swap3A_580, %swap3A_581], %gather3A_579 {strides = array<i32>} : memref<16x256xf32, #tpu.memory_space<vmem>>, vector<16xf32>,
        %mul3A_583 = arith.constant 2 : i32
        %mul3A_584 = vector.broadcast %mul3A_583 : i32 to vector<16xi32>
        %mul3A_585 = arith.muli %mul3A_584, %iota3A : vector<16xi32>
        %add3A_586 = arith.constant 704 : i32
        %add3A_587 = vector.broadcast %add3A_586 : i32 to vector<16xi32>
        %add3A_588 = arith.addi %add3A_587, %mul3A_585 : vector<16xi32>
        %gather3A_589 = tpu.vector_load_idx %arg4[%mul3A_471, %add3A_588] : memref<32x1024xf32, #tpu.memory_space<vmem>>[vector<16xi32>, vector<16xi32>], vector<16xf32>,
        %swap3A_590 = arith.index_cast %scan3A_468 : i32 to index
        %swap3A_591 = arith.constant 176 : index
        %swap3A_592 = tpu.vector_load %arg8[%swap3A_590, %swap3A_591] {strides = array<i32>} : memref<16x256xf32, #tpu.memory_space<vmem>>, vector<16xf32>,
        tpu.vector_store %arg8[%swap3A_590, %swap3A_591], %gather3A_589 {strides = array<i32>} : memref<16x256xf32, #tpu.memory_space<vmem>>, vector<16xf32>,
        %mul3A_593 = arith.constant 2 : i32
        %mul3A_594 = vector.broadcast %mul3A_593 : i32 to vector<16xi32>
        %mul3A_595 = arith.muli %mul3A_594, %iota3A : vector<16xi32>
        %add3A_596 = arith.constant 768 : i32
        %add3A_597 = vector.broadcast %add3A_596 : i32 to vector<16xi32>
        %add3A_598 = arith.addi %add3A_597, %mul3A_595 : vector<16xi32>
        %gather3A_599 = tpu.vector_load_idx %arg4[%mul3A_471, %add3A_598] : memref<32x1024xf32, #tpu.memory_space<vmem>>[vector<16xi32>, vector<16xi32>], vector<16xf32>,
        %swap3A_600 = arith.index_cast %scan3A_468 : i32 to index
        %swap3A_601 = arith.constant 192 : index
        %swap3A_602 = tpu.vector_load %arg8[%swap3A_600, %swap3A_601] {strides = array<i32>} : memref<16x256xf32, #tpu.memory_space<vmem>>, vector<16xf32>,
        tpu.vector_store %arg8[%swap3A_600, %swap3A_601], %gather3A_599 {strides = array<i32>} : memref<16x256xf32, #tpu.memory_space<vmem>>, vector<16xf32>,
        %mul3A_603 = arith.constant 2 : i32
        %mul3A_604 = vector.broadcast %mul3A_603 : i32 to vector<16xi32>
        %mul3A_605 = arith.muli %mul3A_604, %iota3A : vector<16xi32>
        %add3A_606 = arith.constant 832 : i32
        %add3A_607 = vector.broadcast %add3A_606 : i32 to vector<16xi32>
        %add3A_608 = arith.addi %add3A_607, %mul3A_605 : vector<16xi32>
        %gather3A_609 = tpu.vector_load_idx %arg4[%mul3A_471, %add3A_608] : memref<32x1024xf32, #tpu.memory_space<vmem>>[vector<16xi32>, vector<16xi32>], vector<16xf32>,
        %swap3A_610 = arith.index_cast %scan3A_468 : i32 to index
        %swap3A_611 = arith.constant 208 : index
        %swap3A_612 = tpu.vector_load %arg8[%swap3A_610, %swap3A_611] {strides = array<i32>} : memref<16x256xf32, #tpu.memory_space<vmem>>, vector<16xf32>,
        tpu.vector_store %arg8[%swap3A_610, %swap3A_611], %gather3A_609 {strides = array<i32>} : memref<16x256xf32, #tpu.memory_space<vmem>>, vector<16xf32>,
        %mul3A_613 = arith.constant 2 : i32
        %mul3A_614 = vector.broadcast %mul3A_613 : i32 to vector<16xi32>
        %mul3A_615 = arith.muli %mul3A_614, %iota3A : vector<16xi32>
        %add3A_616 = arith.constant 896 : i32
        %add3A_617 = vector.broadcast %add3A_616 : i32 to vector<16xi32>
        %add3A_618 = arith.addi %add3A_617, %mul3A_615 : vector<16xi32>
        %gather3A_619 = tpu.vector_load_idx %arg4[%mul3A_471, %add3A_618] : memref<32x1024xf32, #tpu.memory_space<vmem>>[vector<16xi32>, vector<16xi32>], vector<16xf32>,
        %swap3A_620 = arith.index_cast %scan3A_468 : i32 to index
        %swap3A_621 = arith.constant 224 : index
        %swap3A_622 = tpu.vector_load %arg8[%swap3A_620, %swap3A_621] {strides = array<i32>} : memref<16x256xf32, #tpu.memory_space<vmem>>, vector<16xf32>,
        tpu.vector_store %arg8[%swap3A_620, %swap3A_621], %gather3A_619 {strides = array<i32>} : memref<16x256xf32, #tpu.memory_space<vmem>>, vector<16xf32>,
        %mul3A_623 = arith.constant 2 : i32
        %mul3A_624 = vector.broadcast %mul3A_623 : i32 to vector<16xi32>
        %mul3A_625 = arith.muli %mul3A_624, %iota3A : vector<16xi32>
        %add3A_626 = arith.constant 960 : i32
        %add3A_627 = vector.broadcast %add3A_626 : i32 to vector<16xi32>
        %add3A_628 = arith.addi %add3A_627, %mul3A_625 : vector<16xi32>
        %gather3A_629 = tpu.vector_load_idx %arg4[%mul3A_471, %add3A_628] : memref<32x1024xf32, #tpu.memory_space<vmem>>[vector<16xi32>, vector<16xi32>], vector<16xf32>,
        %swap3A_630 = arith.index_cast %scan3A_468 : i32 to index
        %swap3A_631 = arith.constant 240 : index
        %swap3A_632 = tpu.vector_load %arg8[%swap3A_630, %swap3A_631] {strides = array<i32>} : memref<16x256xf32, #tpu.memory_space<vmem>>, vector<16xf32>,
        tpu.vector_store %arg8[%swap3A_630, %swap3A_631], %gather3A_629 {strides = array<i32>} : memref<16x256xf32, #tpu.memory_space<vmem>>, vector<16xf32>,
        %mul3A_633 = arith.constant 64 : i32
        %mul3A_634 = vector.broadcast %mul3A_633 : i32 to vector<16xi32>
        %mul3A_635 = arith.muli %mul3A_634, %iota3A : vector<16xi32>
        %mul3A_636 = arith.constant 2 : i32
        %mul3A_637 = arith.muli %mul3A_636, %scan3A_468 : i32
        %add3A_638 = vector.broadcast %mul3A_637 : i32 to vector<16xi32>
        %add3A_639 = arith.addi %mul3A_635, %add3A_638 : vector<16xi32>
        %add3A_640 = arith.constant 1 : i32
        %add3A_641 = vector.broadcast %add3A_640 : i32 to vector<16xi32>
        %add3A_642 = arith.addi %add3A_639, %add3A_641 : vector<16xi32>
        %gather3A_643 = tpu.vector_load_idx %arg4[%add3A_474, %add3A_642] : memref<32x1024xf32, #tpu.memory_space<vmem>>[vector<16xi32>, vector<16xi32>], vector<16xf32>,
        %mul3A_644 = arith.constant 16 : i32
        %mul3A_645 = vector.broadcast %mul3A_644 : i32 to vector<16xi32>
        %mul3A_646 = arith.muli %mul3A_645, %iota3A : vector<16xi32>
        %add3A_647 = vector.broadcast %scan3A_468 : i32 to vector<16xi32>
        %add3A_648 = arith.addi %mul3A_646, %add3A_647 : vector<16xi32>
        tpu.vector_store_idx %arg8[%broadcast_in_dim3A, %add3A_648], %gather3A_643 {add = true} : memref<16x256xf32, #tpu.memory_space<vmem>>[vector<16xi32>, vector<16xi32>], vector<16xf32>,
        %mul3A_649 = arith.constant 2 : i32
        %mul3A_650 = vector.broadcast %mul3A_649 : i32 to vector<16xi32>
        %mul3A_651 = arith.muli %mul3A_650, %iota3A : vector<16xi32>
        %add3A_652 = vector.broadcast %select_n3A_377 : i32 to vector<16xi32>
        %add3A_653 = arith.addi %add3A_652, %mul3A_651 : vector<16xi32>
        %gather3A_654 = tpu.vector_load_idx %arg6[%mul3A_471, %add3A_653] : memref<32x128xf32, #tpu.memory_space<vmem>>[vector<16xi32>, vector<16xi32>], vector<16xf32>,
        %broadcast_in_dim3A_655 = vector.broadcast %select_n3A_377 : i32 to vector<16xi32>
        %mul3A_656 = arith.constant 2 : i32
        %mul3A_657 = arith.muli %mul3A_656, %scan3A_468 : i32
        %add3A_658 = vector.broadcast %mul3A_657 : i32 to vector<16xi32>
        %add3A_659 = arith.addi %broadcast_in_dim3A_655, %add3A_658 : vector<16xi32>
        %add3A_660 = arith.constant 1 : i32
        %add3A_661 = vector.broadcast %add3A_660 : i32 to vector<16xi32>
        %add3A_662 = arith.addi %add3A_659, %add3A_661 : vector<16xi32>
        %gather3A_663 = tpu.vector_load_idx %arg6[%add3A_474, %add3A_662] : memref<32x128xf32, #tpu.memory_space<vmem>>[vector<16xi32>, vector<16xi32>], vector<16xf32>,
        %eq3A_664 = vector.broadcast %scan3A_468 : i32 to vector<16xi32>
        %eq3A_665 = arith.cmpi eq, %iota3A, %eq3A_664 : vector<16xi32>
        %jit3A_666 = arith.constant 0.000000e+00 : f32
        %broadcast_in_dim3A_667 = vector.broadcast %jit3A_666 : f32 to vector<16xf32>
        %select_n3A_668 = arith.select %eq3A_665, %gather3A_663, %broadcast_in_dim3A_667 : vector<16xi1>, vector<16xf32>
        %add3A_669 = arith.addf %gather3A_654, %select_n3A_668 : vector<16xf32>
        %add3A_670 = vector.broadcast %mul3A_357 : i32 to vector<16xi32>
        %add3A_671 = arith.addi %add3A_670, %iota3A : vector<16xi32>
        tpu.vector_store_idx %arg8[%broadcast_in_dim3A, %add3A_671], %add3A_669 {add = true} : memref<16x256xf32, #tpu.memory_space<vmem>>[vector<16xi32>, vector<16xi32>], vector<16xf32>,
      }
      %scan3A_383 = arith.constant 16 : i32
      %dma_start3A_384 = arith.constant 0 : i32
      %dma_start3A_385 = tpu.memref_slice %arg3[%shift_right_arithmetic3A_353, %mul3A_357, %dma_start3A_384] : memref<16x256x256xf32, #tpu.memory_space<hbm>> -> memref<1x16x256xf32, #tpu.memory_space<hbm>>
      %dma_start3A_386 = tpu.memref_squeeze %dma_start3A_385 : memref<1x16x256xf32, #tpu.memory_space<hbm>> -> memref<16x256xf32, #tpu.memory_space<hbm>>
      %dma_start3A_387 = arith.constant 0 : i32
      %dma_start3A_388 = tpu.memref_slice %arg3[%shift_right_arithmetic3A_353, %mul3A_357, %dma_start3A_387] : memref<16x256x256xf32, #tpu.memory_space<hbm>> -> memref<1x16x256xf32, #tpu.memory_space<hbm>>
      %dma_start3A_389 = tpu.memref_squeeze %dma_start3A_388 : memref<1x16x256xf32, #tpu.memory_space<hbm>> -> memref<16x256xf32, #tpu.memory_space<hbm>>
      tpu.enqueue_dma source(%arg8 : memref<16x256xf32, #tpu.memory_space<vmem>>) target(%dma_start3A_389 : memref<16x256xf32, #tpu.memory_space<hbm>>) target_semaphore(%arg14 : memref<!tpu.dma_semaphore, #tpu.memory_space<semaphore_mem>>)
      %lt3A_390 = arith.constant 3 : i32
      %lt3A_391 = arith.cmpi slt, %scan3A_319, %lt3A_390 : i32
      %convert_element_type3A = arith.extui %lt3A_391 : i1 to i32
      %cond3A = arith.constant 0 : i32
      %cond3A_392 = arith.cmpi ne, %convert_element_type3A, %cond3A : i32
      scf.if %cond3A_392 {
        %add3A_468 = arith.constant 2 : i32
        %add3A_469 = arith.addi %add3A_324, %add3A_468 : i32
        %shift_right_arithmetic3A_470 = arith.constant 4 : i32
        %shift_right_arithmetic3A_471 = arith.shrsi %add3A_469, %shift_right_arithmetic3A_470 : i32
        %and3A_472 = arith.constant 15 : i32
        %and3A_473 = arith.andi %add3A_469, %and3A_472 : i32
        %mul3A_474 = arith.constant 64 : i32
        %mul3A_475 = arith.muli %mul3A_474, %and3A_473 : i32
        %dma_start3A_476 = arith.constant 0 : i32
        %dma_start3A_477 = tpu.memref_slice %arg2[%shift_right_arithmetic3A_471, %mul3A_475, %dma_start3A_476] : memref<16x1024x1024xf32, #tpu.memory_space<hbm>> -> memref<1x32x1024xf32, #tpu.memory_space<hbm>>
        %dma_start3A_478 = tpu.memref_squeeze %dma_start3A_477 : memref<1x32x1024xf32, #tpu.memory_space<hbm>> -> memref<32x1024xf32, #tpu.memory_space<hbm>>
        %dma_start3A_479 = arith.constant 0 : i32
        %dma_start3A_480 = tpu.memref_slice %arg2[%shift_right_arithmetic3A_471, %mul3A_475, %dma_start3A_479] : memref<16x1024x1024xf32, #tpu.memory_space<hbm>> -> memref<1x32x1024xf32, #tpu.memory_space<hbm>>
        %dma_start3A_481 = tpu.memref_squeeze %dma_start3A_480 : memref<1x32x1024xf32, #tpu.memory_space<hbm>> -> memref<32x1024xf32, #tpu.memory_space<hbm>>
        tpu.enqueue_dma source(%dma_start3A_481 : memref<32x1024xf32, #tpu.memory_space<hbm>>) target(%arg4 : memref<32x1024xf32, #tpu.memory_space<vmem>>) target_semaphore(%arg10 : memref<!tpu.dma_semaphore, #tpu.memory_space<semaphore_mem>>)
        %add3A_482 = arith.constant 32 : i32
        %add3A_483 = arith.addi %mul3A_475, %add3A_482 : i32
        %add3A_484 = arith.constant 32 : i32
        %add3A_485 = arith.addi %mul3A_475, %add3A_484 : i32
        %jit3A_486 = arith.constant 128 : i32
        %div3A_487 = arith.divsi %add3A_485, %jit3A_486 : i32
        %sign3A_488 = arith.constant 0 : i32
        %sign3A_489 = arith.cmpi sgt, %add3A_485, %sign3A_488 : i32
        %sign3A_490 = arith.extui %sign3A_489 : i1 to i32
        %sign3A_491 = arith.constant 0 : i32
        %sign3A_492 = arith.cmpi slt, %add3A_485, %sign3A_491 : i32
        %sign3A_493 = arith.extui %sign3A_492 : i1 to i32
        %sign3A_494 = arith.subi %sign3A_490, %sign3A_493 : i32
        %sign3A_495 = arith.constant 0 : i32
        %sign3A_496 = arith.cmpi sgt, %jit3A_486, %sign3A_495 : i32
        %sign3A_497 = arith.extui %sign3A_496 : i1 to i32
        %sign3A_498 = arith.constant 0 : i32
        %sign3A_499 = arith.cmpi slt, %jit3A_486, %sign3A_498 : i32
        %sign3A_500 = arith.extui %sign3A_499 : i1 to i32
        %sign3A_501 = arith.subi %sign3A_497, %sign3A_500 : i32
        %ne3A_502 = arith.cmpi ne, %sign3A_494, %sign3A_501 : i32
        %rem3A_503 = arith.remsi %add3A_485, %jit3A_486 : i32
        %ne3A_504 = arith.constant 0 : i32
        %ne3A_505 = arith.cmpi ne, %rem3A_503, %ne3A_504 : i32
        %and3A_506 = arith.andi %ne3A_502, %ne3A_505 : i1
        %sub3A_507 = arith.constant 1 : i32
        %sub3A_508 = arith.subi %div3A_487, %sub3A_507 : i32
        %select_n3A_509 = arith.select %and3A_506, %sub3A_508, %div3A_487 : i32
        %mul3A_510 = arith.constant 128 : i32
        %mul3A_511 = arith.muli %select_n3A_509, %mul3A_510 : i32
        %dma_start3A_512 = tpu.memref_slice %arg2[%shift_right_arithmetic3A_471, %add3A_483, %mul3A_511] : memref<16x1024x1024xf32, #tpu.memory_space<hbm>> -> memref<1x32x128xf32, #tpu.memory_space<hbm>>
        %dma_start3A_513 = tpu.memref_squeeze %dma_start3A_512 : memref<1x32x128xf32, #tpu.memory_space<hbm>> -> memref<32x128xf32, #tpu.memory_space<hbm>>
        %dma_start3A_514 = tpu.memref_slice %arg2[%shift_right_arithmetic3A_471, %add3A_483, %mul3A_511] : memref<16x1024x1024xf32, #tpu.memory_space<hbm>> -> memref<1x32x128xf32, #tpu.memory_space<hbm>>
        %dma_start3A_515 = tpu.memref_squeeze %dma_start3A_514 : memref<1x32x128xf32, #tpu.memory_space<hbm>> -> memref<32x128xf32, #tpu.memory_space<hbm>>
        tpu.enqueue_dma source(%dma_start3A_515 : memref<32x128xf32, #tpu.memory_space<hbm>>) target(%arg6 : memref<32x128xf32, #tpu.memory_space<vmem>>) target_semaphore(%arg12 : memref<!tpu.dma_semaphore, #tpu.memory_space<semaphore_mem>>)
      } else {
      }
      %mul3A_393 = arith.constant 2 : i32
      %mul3A_394 = arith.muli %mul3A_393, %scan3A_319 : i32
      %add3A_395 = arith.addi %mul3A_2, %mul3A_394 : i32
      %add3A_396 = arith.constant 1 : i32
      %add3A_397 = arith.addi %add3A_395, %add3A_396 : i32
      %dma_wait3A_398 = arith.constant 0 : i32
      %dma_wait3A_399 = arith.constant 0 : i32
      %dma_wait3A_400 = arith.constant 0 : i32
      %dma_wait3A_401 = tpu.memref_slice %arg2[%dma_wait3A_398, %dma_wait3A_399, %dma_wait3A_400] : memref<16x1024x1024xf32, #tpu.memory_space<hbm>> -> memref<1x32x1024xf32, #tpu.memory_space<hbm>>
      %dma_wait3A_402 = tpu.memref_squeeze %dma_wait3A_401 : memref<1x32x1024xf32, #tpu.memory_space<hbm>> -> memref<32x1024xf32, #tpu.memory_space<hbm>>
      %dma_wait3A_403 = arith.constant 0 : i32
      %dma_wait3A_404 = arith.constant 0 : i32
      %dma_wait3A_405 = tpu.memref_slice %arg2[%dma_wait3A_398, %dma_wait3A_403, %dma_wait3A_404] : memref<16x1024x1024xf32, #tpu.memory_space<hbm>> -> memref<1x32x1024xf32, #tpu.memory_space<hbm>>
      %dma_wait3A_406 = tpu.memref_squeeze %dma_wait3A_405 : memref<1x32x1024xf32, #tpu.memory_space<hbm>> -> memref<32x1024xf32, #tpu.memory_space<hbm>>
      tpu.wait_dma2 semaphore(%arg11 : memref<!tpu.dma_semaphore, #tpu.memory_space<semaphore_mem>>) src(%dma_wait3A_406 : memref<32x1024xf32, #tpu.memory_space<hbm>>) dst(%arg5 : memref<32x1024xf32, #tpu.memory_space<vmem>>)
      %dma_wait3A_407 = arith.constant 0 : i32
      %dma_wait3A_408 = arith.constant 0 : i32
      %dma_wait3A_409 = arith.constant 0 : i32
      %dma_wait3A_410 = tpu.memref_slice %arg2[%dma_wait3A_407, %dma_wait3A_408, %dma_wait3A_409] : memref<16x1024x1024xf32, #tpu.memory_space<hbm>> -> memref<1x32x128xf32, #tpu.memory_space<hbm>>
      %dma_wait3A_411 = tpu.memref_squeeze %dma_wait3A_410 : memref<1x32x128xf32, #tpu.memory_space<hbm>> -> memref<32x128xf32, #tpu.memory_space<hbm>>
      %dma_wait3A_412 = arith.constant 0 : i32
      %dma_wait3A_413 = arith.constant 0 : i32
      %dma_wait3A_414 = tpu.memref_slice %arg2[%dma_wait3A_407, %dma_wait3A_412, %dma_wait3A_413] : memref<16x1024x1024xf32, #tpu.memory_space<hbm>> -> memref<1x32x128xf32, #tpu.memory_space<hbm>>
      %dma_wait3A_415 = tpu.memref_squeeze %dma_wait3A_414 : memref<1x32x128xf32, #tpu.memory_space<hbm>> -> memref<32x128xf32, #tpu.memory_space<hbm>>
      tpu.wait_dma2 semaphore(%arg13 : memref<!tpu.dma_semaphore, #tpu.memory_space<semaphore_mem>>) src(%dma_wait3A_415 : memref<32x128xf32, #tpu.memory_space<hbm>>) dst(%arg7 : memref<32x128xf32, #tpu.memory_space<vmem>>)
      %dma_wait3A_416 = arith.constant 0 : i32
      %dma_wait3A_417 = arith.constant 0 : i32
      %dma_wait3A_418 = arith.constant 0 : i32
      %dma_wait3A_419 = tpu.memref_slice %arg3[%dma_wait3A_416, %dma_wait3A_417, %dma_wait3A_418] : memref<16x256x256xf32, #tpu.memory_space<hbm>> -> memref<1x16x256xf32, #tpu.memory_space<hbm>>
      %dma_wait3A_420 = tpu.memref_squeeze %dma_wait3A_419 : memref<1x16x256xf32, #tpu.memory_space<hbm>> -> memref<16x256xf32, #tpu.memory_space<hbm>>
      %dma_wait3A_421 = arith.constant 0 : i32
      %dma_wait3A_422 = arith.constant 0 : i32
      %dma_wait3A_423 = tpu.memref_slice %arg3[%dma_wait3A_416, %dma_wait3A_421, %dma_wait3A_422] : memref<16x256x256xf32, #tpu.memory_space<hbm>> -> memref<1x16x256xf32, #tpu.memory_space<hbm>>
      %dma_wait3A_424 = tpu.memref_squeeze %dma_wait3A_423 : memref<1x16x256xf32, #tpu.memory_space<hbm>> -> memref<16x256xf32, #tpu.memory_space<hbm>>
      tpu.wait_dma2 semaphore(%arg15 : memref<!tpu.dma_semaphore, #tpu.memory_space<semaphore_mem>>) src(%arg9 : memref<16x256xf32, #tpu.memory_space<vmem>>) dst(%dma_wait3A_424 : memref<16x256xf32, #tpu.memory_space<hbm>>)
      %shift_right_arithmetic3A_425 = arith.constant 4 : i32
      %shift_right_arithmetic3A_426 = arith.shrsi %add3A_397, %shift_right_arithmetic3A_425 : i32
      %and3A_427 = arith.constant 15 : i32
      %and3A_428 = arith.andi %add3A_397, %and3A_427 : i32
      %mul3A_429 = arith.constant 16 : i32
      %mul3A_430 = arith.muli %mul3A_429, %and3A_428 : i32
      %mul3A_431 = arith.constant 64 : i32
      %mul3A_432 = arith.muli %mul3A_431, %and3A_428 : i32
      %add3A_433 = arith.constant 32 : i32
      %add3A_434 = arith.addi %mul3A_432, %add3A_433 : i32
      %jit3A_435 = arith.constant 128 : i32
      %eq3A_436 = arith.constant 0 : i32
      %eq3A_437 = arith.cmpi eq, %jit3A_435, %eq3A_436 : i32
      %jit3A_438 = arith.constant 1 : i32
      %select_n3A_439 = arith.select %eq3A_437, %jit3A_438, %jit3A_435 : i32
      %rem3A_440 = arith.remsi %add3A_434, %select_n3A_439 : i32
      %ne3A_441 = arith.constant 0 : i32
      %ne3A_442 = arith.cmpi ne, %rem3A_440, %ne3A_441 : i32
      %lt3A_443 = arith.constant 0 : i32
      %lt3A_444 = arith.cmpi slt, %rem3A_440, %lt3A_443 : i32
      %lt3A_445 = arith.constant 0 : i32
      %lt3A_446 = arith.cmpi slt, %select_n3A_439, %lt3A_445 : i32
      %ne3A_447 = arith.xori %lt3A_444, %lt3A_446 : i1
      %and3A_448 = arith.andi %ne3A_447, %ne3A_442 : i1
      %add3A_449 = arith.addi %rem3A_440, %select_n3A_439 : i32
      %select_n3A_450 = arith.select %and3A_448, %add3A_449, %rem3A_440 : i32
      %scan3A_451 = arith.constant 0 : i32
      %scan3A_452 = arith.constant 0 : i32
      %scan3A_453 = arith.constant 16 : i32
      %scan3A_454 = arith.addi %scan3A_452, %scan3A_453 : i32
      %scan3A_455 = arith.constant 1 : i32
      scf.for %scan3A_468 = %scan3A_452 to %scan3A_454 step %scan3A_455  : i32 {
        %broadcast_in_dim3A = vector.broadcast %scan3A_468 : i32 to vector<16xi32>
        %mul3A_469 = arith.constant 2 : i32
        %mul3A_470 = vector.broadcast %mul3A_469 : i32 to vector<16xi32>
        %mul3A_471 = arith.muli %mul3A_470, %broadcast_in_dim3A : vector<16xi32>
        %add3A_472 = arith.constant 1 : i32
        %add3A_473 = vector.broadcast %add3A_472 : i32 to vector<16xi32>
        %add3A_474 = arith.addi %mul3A_471, %add3A_473 : vector<16xi32>
        %mul3A_475 = arith.constant 2 : i32
        %mul3A_476 = vector.broadcast %mul3A_475 : i32 to vector<16xi32>
        %mul3A_477 = arith.muli %mul3A_476, %iota3A : vector<16xi32>
        %add3A_478 = arith.constant 0 : i32
        %add3A_479 = vector.broadcast %add3A_478 : i32 to vector<16xi32>
        %add3A_480 = arith.addi %add3A_479, %mul3A_477 : vector<16xi32>
        %gather3A = tpu.vector_load_idx %arg5[%mul3A_471, %add3A_480] : memref<32x1024xf32, #tpu.memory_space<vmem>>[vector<16xi32>, vector<16xi32>], vector<16xf32>,
        %swap3A = arith.index_cast %scan3A_468 : i32 to index
        %swap3A_481 = arith.constant 0 : index
        %swap3A_482 = tpu.vector_load %arg9[%swap3A, %swap3A_481] {strides = array<i32>} : memref<16x256xf32, #tpu.memory_space<vmem>>, vector<16xf32>,
        tpu.vector_store %arg9[%swap3A, %swap3A_481], %gather3A {strides = array<i32>} : memref<16x256xf32, #tpu.memory_space<vmem>>, vector<16xf32>,
        %mul3A_483 = arith.constant 2 : i32
        %mul3A_484 = vector.broadcast %mul3A_483 : i32 to vector<16xi32>
        %mul3A_485 = arith.muli %mul3A_484, %iota3A : vector<16xi32>
        %add3A_486 = arith.constant 64 : i32
        %add3A_487 = vector.broadcast %add3A_486 : i32 to vector<16xi32>
        %add3A_488 = arith.addi %add3A_487, %mul3A_485 : vector<16xi32>
        %gather3A_489 = tpu.vector_load_idx %arg5[%mul3A_471, %add3A_488] : memref<32x1024xf32, #tpu.memory_space<vmem>>[vector<16xi32>, vector<16xi32>], vector<16xf32>,
        %swap3A_490 = arith.index_cast %scan3A_468 : i32 to index
        %swap3A_491 = arith.constant 16 : index
        %swap3A_492 = tpu.vector_load %arg9[%swap3A_490, %swap3A_491] {strides = array<i32>} : memref<16x256xf32, #tpu.memory_space<vmem>>, vector<16xf32>,
        tpu.vector_store %arg9[%swap3A_490, %swap3A_491], %gather3A_489 {strides = array<i32>} : memref<16x256xf32, #tpu.memory_space<vmem>>, vector<16xf32>,
        %mul3A_493 = arith.constant 2 : i32
        %mul3A_494 = vector.broadcast %mul3A_493 : i32 to vector<16xi32>
        %mul3A_495 = arith.muli %mul3A_494, %iota3A : vector<16xi32>
        %add3A_496 = arith.constant 128 : i32
        %add3A_497 = vector.broadcast %add3A_496 : i32 to vector<16xi32>
        %add3A_498 = arith.addi %add3A_497, %mul3A_495 : vector<16xi32>
        %gather3A_499 = tpu.vector_load_idx %arg5[%mul3A_471, %add3A_498] : memref<32x1024xf32, #tpu.memory_space<vmem>>[vector<16xi32>, vector<16xi32>], vector<16xf32>,
        %swap3A_500 = arith.index_cast %scan3A_468 : i32 to index
        %swap3A_501 = arith.constant 32 : index
        %swap3A_502 = tpu.vector_load %arg9[%swap3A_500, %swap3A_501] {strides = array<i32>} : memref<16x256xf32, #tpu.memory_space<vmem>>, vector<16xf32>,
        tpu.vector_store %arg9[%swap3A_500, %swap3A_501], %gather3A_499 {strides = array<i32>} : memref<16x256xf32, #tpu.memory_space<vmem>>, vector<16xf32>,
        %mul3A_503 = arith.constant 2 : i32
        %mul3A_504 = vector.broadcast %mul3A_503 : i32 to vector<16xi32>
        %mul3A_505 = arith.muli %mul3A_504, %iota3A : vector<16xi32>
        %add3A_506 = arith.constant 192 : i32
        %add3A_507 = vector.broadcast %add3A_506 : i32 to vector<16xi32>
        %add3A_508 = arith.addi %add3A_507, %mul3A_505 : vector<16xi32>
        %gather3A_509 = tpu.vector_load_idx %arg5[%mul3A_471, %add3A_508] : memref<32x1024xf32, #tpu.memory_space<vmem>>[vector<16xi32>, vector<16xi32>], vector<16xf32>,
        %swap3A_510 = arith.index_cast %scan3A_468 : i32 to index
        %swap3A_511 = arith.constant 48 : index
        %swap3A_512 = tpu.vector_load %arg9[%swap3A_510, %swap3A_511] {strides = array<i32>} : memref<16x256xf32, #tpu.memory_space<vmem>>, vector<16xf32>,
        tpu.vector_store %arg9[%swap3A_510, %swap3A_511], %gather3A_509 {strides = array<i32>} : memref<16x256xf32, #tpu.memory_space<vmem>>, vector<16xf32>,
        %mul3A_513 = arith.constant 2 : i32
        %mul3A_514 = vector.broadcast %mul3A_513 : i32 to vector<16xi32>
        %mul3A_515 = arith.muli %mul3A_514, %iota3A : vector<16xi32>
        %add3A_516 = arith.constant 256 : i32
        %add3A_517 = vector.broadcast %add3A_516 : i32 to vector<16xi32>
        %add3A_518 = arith.addi %add3A_517, %mul3A_515 : vector<16xi32>
        %gather3A_519 = tpu.vector_load_idx %arg5[%mul3A_471, %add3A_518] : memref<32x1024xf32, #tpu.memory_space<vmem>>[vector<16xi32>, vector<16xi32>], vector<16xf32>,
        %swap3A_520 = arith.index_cast %scan3A_468 : i32 to index
        %swap3A_521 = arith.constant 64 : index
        %swap3A_522 = tpu.vector_load %arg9[%swap3A_520, %swap3A_521] {strides = array<i32>} : memref<16x256xf32, #tpu.memory_space<vmem>>, vector<16xf32>,
        tpu.vector_store %arg9[%swap3A_520, %swap3A_521], %gather3A_519 {strides = array<i32>} : memref<16x256xf32, #tpu.memory_space<vmem>>, vector<16xf32>,
        %mul3A_523 = arith.constant 2 : i32
        %mul3A_524 = vector.broadcast %mul3A_523 : i32 to vector<16xi32>
        %mul3A_525 = arith.muli %mul3A_524, %iota3A : vector<16xi32>
        %add3A_526 = arith.constant 320 : i32
        %add3A_527 = vector.broadcast %add3A_526 : i32 to vector<16xi32>
        %add3A_528 = arith.addi %add3A_527, %mul3A_525 : vector<16xi32>
        %gather3A_529 = tpu.vector_load_idx %arg5[%mul3A_471, %add3A_528] : memref<32x1024xf32, #tpu.memory_space<vmem>>[vector<16xi32>, vector<16xi32>], vector<16xf32>,
        %swap3A_530 = arith.index_cast %scan3A_468 : i32 to index
        %swap3A_531 = arith.constant 80 : index
        %swap3A_532 = tpu.vector_load %arg9[%swap3A_530, %swap3A_531] {strides = array<i32>} : memref<16x256xf32, #tpu.memory_space<vmem>>, vector<16xf32>,
        tpu.vector_store %arg9[%swap3A_530, %swap3A_531], %gather3A_529 {strides = array<i32>} : memref<16x256xf32, #tpu.memory_space<vmem>>, vector<16xf32>,
        %mul3A_533 = arith.constant 2 : i32
        %mul3A_534 = vector.broadcast %mul3A_533 : i32 to vector<16xi32>
        %mul3A_535 = arith.muli %mul3A_534, %iota3A : vector<16xi32>
        %add3A_536 = arith.constant 384 : i32
        %add3A_537 = vector.broadcast %add3A_536 : i32 to vector<16xi32>
        %add3A_538 = arith.addi %add3A_537, %mul3A_535 : vector<16xi32>
        %gather3A_539 = tpu.vector_load_idx %arg5[%mul3A_471, %add3A_538] : memref<32x1024xf32, #tpu.memory_space<vmem>>[vector<16xi32>, vector<16xi32>], vector<16xf32>,
        %swap3A_540 = arith.index_cast %scan3A_468 : i32 to index
        %swap3A_541 = arith.constant 96 : index
        %swap3A_542 = tpu.vector_load %arg9[%swap3A_540, %swap3A_541] {strides = array<i32>} : memref<16x256xf32, #tpu.memory_space<vmem>>, vector<16xf32>,
        tpu.vector_store %arg9[%swap3A_540, %swap3A_541], %gather3A_539 {strides = array<i32>} : memref<16x256xf32, #tpu.memory_space<vmem>>, vector<16xf32>,
        %mul3A_543 = arith.constant 2 : i32
        %mul3A_544 = vector.broadcast %mul3A_543 : i32 to vector<16xi32>
        %mul3A_545 = arith.muli %mul3A_544, %iota3A : vector<16xi32>
        %add3A_546 = arith.constant 448 : i32
        %add3A_547 = vector.broadcast %add3A_546 : i32 to vector<16xi32>
        %add3A_548 = arith.addi %add3A_547, %mul3A_545 : vector<16xi32>
        %gather3A_549 = tpu.vector_load_idx %arg5[%mul3A_471, %add3A_548] : memref<32x1024xf32, #tpu.memory_space<vmem>>[vector<16xi32>, vector<16xi32>], vector<16xf32>,
        %swap3A_550 = arith.index_cast %scan3A_468 : i32 to index
        %swap3A_551 = arith.constant 112 : index
        %swap3A_552 = tpu.vector_load %arg9[%swap3A_550, %swap3A_551] {strides = array<i32>} : memref<16x256xf32, #tpu.memory_space<vmem>>, vector<16xf32>,
        tpu.vector_store %arg9[%swap3A_550, %swap3A_551], %gather3A_549 {strides = array<i32>} : memref<16x256xf32, #tpu.memory_space<vmem>>, vector<16xf32>,
        %mul3A_553 = arith.constant 2 : i32
        %mul3A_554 = vector.broadcast %mul3A_553 : i32 to vector<16xi32>
        %mul3A_555 = arith.muli %mul3A_554, %iota3A : vector<16xi32>
        %add3A_556 = arith.constant 512 : i32
        %add3A_557 = vector.broadcast %add3A_556 : i32 to vector<16xi32>
        %add3A_558 = arith.addi %add3A_557, %mul3A_555 : vector<16xi32>
        %gather3A_559 = tpu.vector_load_idx %arg5[%mul3A_471, %add3A_558] : memref<32x1024xf32, #tpu.memory_space<vmem>>[vector<16xi32>, vector<16xi32>], vector<16xf32>,
        %swap3A_560 = arith.index_cast %scan3A_468 : i32 to index
        %swap3A_561 = arith.constant 128 : index
        %swap3A_562 = tpu.vector_load %arg9[%swap3A_560, %swap3A_561] {strides = array<i32>} : memref<16x256xf32, #tpu.memory_space<vmem>>, vector<16xf32>,
        tpu.vector_store %arg9[%swap3A_560, %swap3A_561], %gather3A_559 {strides = array<i32>} : memref<16x256xf32, #tpu.memory_space<vmem>>, vector<16xf32>,
        %mul3A_563 = arith.constant 2 : i32
        %mul3A_564 = vector.broadcast %mul3A_563 : i32 to vector<16xi32>
        %mul3A_565 = arith.muli %mul3A_564, %iota3A : vector<16xi32>
        %add3A_566 = arith.constant 576 : i32
        %add3A_567 = vector.broadcast %add3A_566 : i32 to vector<16xi32>
        %add3A_568 = arith.addi %add3A_567, %mul3A_565 : vector<16xi32>
        %gather3A_569 = tpu.vector_load_idx %arg5[%mul3A_471, %add3A_568] : memref<32x1024xf32, #tpu.memory_space<vmem>>[vector<16xi32>, vector<16xi32>], vector<16xf32>,
        %swap3A_570 = arith.index_cast %scan3A_468 : i32 to index
        %swap3A_571 = arith.constant 144 : index
        %swap3A_572 = tpu.vector_load %arg9[%swap3A_570, %swap3A_571] {strides = array<i32>} : memref<16x256xf32, #tpu.memory_space<vmem>>, vector<16xf32>,
        tpu.vector_store %arg9[%swap3A_570, %swap3A_571], %gather3A_569 {strides = array<i32>} : memref<16x256xf32, #tpu.memory_space<vmem>>, vector<16xf32>,
        %mul3A_573 = arith.constant 2 : i32
        %mul3A_574 = vector.broadcast %mul3A_573 : i32 to vector<16xi32>
        %mul3A_575 = arith.muli %mul3A_574, %iota3A : vector<16xi32>
        %add3A_576 = arith.constant 640 : i32
        %add3A_577 = vector.broadcast %add3A_576 : i32 to vector<16xi32>
        %add3A_578 = arith.addi %add3A_577, %mul3A_575 : vector<16xi32>
        %gather3A_579 = tpu.vector_load_idx %arg5[%mul3A_471, %add3A_578] : memref<32x1024xf32, #tpu.memory_space<vmem>>[vector<16xi32>, vector<16xi32>], vector<16xf32>,
        %swap3A_580 = arith.index_cast %scan3A_468 : i32 to index
        %swap3A_581 = arith.constant 160 : index
        %swap3A_582 = tpu.vector_load %arg9[%swap3A_580, %swap3A_581] {strides = array<i32>} : memref<16x256xf32, #tpu.memory_space<vmem>>, vector<16xf32>,
        tpu.vector_store %arg9[%swap3A_580, %swap3A_581], %gather3A_579 {strides = array<i32>} : memref<16x256xf32, #tpu.memory_space<vmem>>, vector<16xf32>,
        %mul3A_583 = arith.constant 2 : i32
        %mul3A_584 = vector.broadcast %mul3A_583 : i32 to vector<16xi32>
        %mul3A_585 = arith.muli %mul3A_584, %iota3A : vector<16xi32>
        %add3A_586 = arith.constant 704 : i32
        %add3A_587 = vector.broadcast %add3A_586 : i32 to vector<16xi32>
        %add3A_588 = arith.addi %add3A_587, %mul3A_585 : vector<16xi32>
        %gather3A_589 = tpu.vector_load_idx %arg5[%mul3A_471, %add3A_588] : memref<32x1024xf32, #tpu.memory_space<vmem>>[vector<16xi32>, vector<16xi32>], vector<16xf32>,
        %swap3A_590 = arith.index_cast %scan3A_468 : i32 to index
        %swap3A_591 = arith.constant 176 : index
        %swap3A_592 = tpu.vector_load %arg9[%swap3A_590, %swap3A_591] {strides = array<i32>} : memref<16x256xf32, #tpu.memory_space<vmem>>, vector<16xf32>,
        tpu.vector_store %arg9[%swap3A_590, %swap3A_591], %gather3A_589 {strides = array<i32>} : memref<16x256xf32, #tpu.memory_space<vmem>>, vector<16xf32>,
        %mul3A_593 = arith.constant 2 : i32
        %mul3A_594 = vector.broadcast %mul3A_593 : i32 to vector<16xi32>
        %mul3A_595 = arith.muli %mul3A_594, %iota3A : vector<16xi32>
        %add3A_596 = arith.constant 768 : i32
        %add3A_597 = vector.broadcast %add3A_596 : i32 to vector<16xi32>
        %add3A_598 = arith.addi %add3A_597, %mul3A_595 : vector<16xi32>
        %gather3A_599 = tpu.vector_load_idx %arg5[%mul3A_471, %add3A_598] : memref<32x1024xf32, #tpu.memory_space<vmem>>[vector<16xi32>, vector<16xi32>], vector<16xf32>,
        %swap3A_600 = arith.index_cast %scan3A_468 : i32 to index
        %swap3A_601 = arith.constant 192 : index
        %swap3A_602 = tpu.vector_load %arg9[%swap3A_600, %swap3A_601] {strides = array<i32>} : memref<16x256xf32, #tpu.memory_space<vmem>>, vector<16xf32>,
        tpu.vector_store %arg9[%swap3A_600, %swap3A_601], %gather3A_599 {strides = array<i32>} : memref<16x256xf32, #tpu.memory_space<vmem>>, vector<16xf32>,
        %mul3A_603 = arith.constant 2 : i32
        %mul3A_604 = vector.broadcast %mul3A_603 : i32 to vector<16xi32>
        %mul3A_605 = arith.muli %mul3A_604, %iota3A : vector<16xi32>
        %add3A_606 = arith.constant 832 : i32
        %add3A_607 = vector.broadcast %add3A_606 : i32 to vector<16xi32>
        %add3A_608 = arith.addi %add3A_607, %mul3A_605 : vector<16xi32>
        %gather3A_609 = tpu.vector_load_idx %arg5[%mul3A_471, %add3A_608] : memref<32x1024xf32, #tpu.memory_space<vmem>>[vector<16xi32>, vector<16xi32>], vector<16xf32>,
        %swap3A_610 = arith.index_cast %scan3A_468 : i32 to index
        %swap3A_611 = arith.constant 208 : index
        %swap3A_612 = tpu.vector_load %arg9[%swap3A_610, %swap3A_611] {strides = array<i32>} : memref<16x256xf32, #tpu.memory_space<vmem>>, vector<16xf32>,
        tpu.vector_store %arg9[%swap3A_610, %swap3A_611], %gather3A_609 {strides = array<i32>} : memref<16x256xf32, #tpu.memory_space<vmem>>, vector<16xf32>,
        %mul3A_613 = arith.constant 2 : i32
        %mul3A_614 = vector.broadcast %mul3A_613 : i32 to vector<16xi32>
        %mul3A_615 = arith.muli %mul3A_614, %iota3A : vector<16xi32>
        %add3A_616 = arith.constant 896 : i32
        %add3A_617 = vector.broadcast %add3A_616 : i32 to vector<16xi32>
        %add3A_618 = arith.addi %add3A_617, %mul3A_615 : vector<16xi32>
        %gather3A_619 = tpu.vector_load_idx %arg5[%mul3A_471, %add3A_618] : memref<32x1024xf32, #tpu.memory_space<vmem>>[vector<16xi32>, vector<16xi32>], vector<16xf32>,
        %swap3A_620 = arith.index_cast %scan3A_468 : i32 to index
        %swap3A_621 = arith.constant 224 : index
        %swap3A_622 = tpu.vector_load %arg9[%swap3A_620, %swap3A_621] {strides = array<i32>} : memref<16x256xf32, #tpu.memory_space<vmem>>, vector<16xf32>,
        tpu.vector_store %arg9[%swap3A_620, %swap3A_621], %gather3A_619 {strides = array<i32>} : memref<16x256xf32, #tpu.memory_space<vmem>>, vector<16xf32>,
        %mul3A_623 = arith.constant 2 : i32
        %mul3A_624 = vector.broadcast %mul3A_623 : i32 to vector<16xi32>
        %mul3A_625 = arith.muli %mul3A_624, %iota3A : vector<16xi32>
        %add3A_626 = arith.constant 960 : i32
        %add3A_627 = vector.broadcast %add3A_626 : i32 to vector<16xi32>
        %add3A_628 = arith.addi %add3A_627, %mul3A_625 : vector<16xi32>
        %gather3A_629 = tpu.vector_load_idx %arg5[%mul3A_471, %add3A_628] : memref<32x1024xf32, #tpu.memory_space<vmem>>[vector<16xi32>, vector<16xi32>], vector<16xf32>,
        %swap3A_630 = arith.index_cast %scan3A_468 : i32 to index
        %swap3A_631 = arith.constant 240 : index
        %swap3A_632 = tpu.vector_load %arg9[%swap3A_630, %swap3A_631] {strides = array<i32>} : memref<16x256xf32, #tpu.memory_space<vmem>>, vector<16xf32>,
        tpu.vector_store %arg9[%swap3A_630, %swap3A_631], %gather3A_629 {strides = array<i32>} : memref<16x256xf32, #tpu.memory_space<vmem>>, vector<16xf32>,
        %mul3A_633 = arith.constant 64 : i32
        %mul3A_634 = vector.broadcast %mul3A_633 : i32 to vector<16xi32>
        %mul3A_635 = arith.muli %mul3A_634, %iota3A : vector<16xi32>
        %mul3A_636 = arith.constant 2 : i32
        %mul3A_637 = arith.muli %mul3A_636, %scan3A_468 : i32
        %add3A_638 = vector.broadcast %mul3A_637 : i32 to vector<16xi32>
        %add3A_639 = arith.addi %mul3A_635, %add3A_638 : vector<16xi32>
        %add3A_640 = arith.constant 1 : i32
        %add3A_641 = vector.broadcast %add3A_640 : i32 to vector<16xi32>
        %add3A_642 = arith.addi %add3A_639, %add3A_641 : vector<16xi32>
        %gather3A_643 = tpu.vector_load_idx %arg5[%add3A_474, %add3A_642] : memref<32x1024xf32, #tpu.memory_space<vmem>>[vector<16xi32>, vector<16xi32>], vector<16xf32>,
        %mul3A_644 = arith.constant 16 : i32
        %mul3A_645 = vector.broadcast %mul3A_644 : i32 to vector<16xi32>
        %mul3A_646 = arith.muli %mul3A_645, %iota3A : vector<16xi32>
        %add3A_647 = vector.broadcast %scan3A_468 : i32 to vector<16xi32>
        %add3A_648 = arith.addi %mul3A_646, %add3A_647 : vector<16xi32>
        tpu.vector_store_idx %arg9[%broadcast_in_dim3A, %add3A_648], %gather3A_643 {add = true} : memref<16x256xf32, #tpu.memory_space<vmem>>[vector<16xi32>, vector<16xi32>], vector<16xf32>,
        %mul3A_649 = arith.constant 2 : i32
        %mul3A_650 = vector.broadcast %mul3A_649 : i32 to vector<16xi32>
        %mul3A_651 = arith.muli %mul3A_650, %iota3A : vector<16xi32>
        %add3A_652 = vector.broadcast %select_n3A_450 : i32 to vector<16xi32>
        %add3A_653 = arith.addi %add3A_652, %mul3A_651 : vector<16xi32>
        %gather3A_654 = tpu.vector_load_idx %arg7[%mul3A_471, %add3A_653] : memref<32x128xf32, #tpu.memory_space<vmem>>[vector<16xi32>, vector<16xi32>], vector<16xf32>,
        %broadcast_in_dim3A_655 = vector.broadcast %select_n3A_450 : i32 to vector<16xi32>
        %mul3A_656 = arith.constant 2 : i32
        %mul3A_657 = arith.muli %mul3A_656, %scan3A_468 : i32
        %add3A_658 = vector.broadcast %mul3A_657 : i32 to vector<16xi32>
        %add3A_659 = arith.addi %broadcast_in_dim3A_655, %add3A_658 : vector<16xi32>
        %add3A_660 = arith.constant 1 : i32
        %add3A_661 = vector.broadcast %add3A_660 : i32 to vector<16xi32>
        %add3A_662 = arith.addi %add3A_659, %add3A_661 : vector<16xi32>
        %gather3A_663 = tpu.vector_load_idx %arg7[%add3A_474, %add3A_662] : memref<32x128xf32, #tpu.memory_space<vmem>>[vector<16xi32>, vector<16xi32>], vector<16xf32>,
        %eq3A_664 = vector.broadcast %scan3A_468 : i32 to vector<16xi32>
        %eq3A_665 = arith.cmpi eq, %iota3A, %eq3A_664 : vector<16xi32>
        %jit3A_666 = arith.constant 0.000000e+00 : f32
        %broadcast_in_dim3A_667 = vector.broadcast %jit3A_666 : f32 to vector<16xf32>
        %select_n3A_668 = arith.select %eq3A_665, %gather3A_663, %broadcast_in_dim3A_667 : vector<16xi1>, vector<16xf32>
        %add3A_669 = arith.addf %gather3A_654, %select_n3A_668 : vector<16xf32>
        %add3A_670 = vector.broadcast %mul3A_430 : i32 to vector<16xi32>
        %add3A_671 = arith.addi %add3A_670, %iota3A : vector<16xi32>
        tpu.vector_store_idx %arg9[%broadcast_in_dim3A, %add3A_671], %add3A_669 {add = true} : memref<16x256xf32, #tpu.memory_space<vmem>>[vector<16xi32>, vector<16xi32>], vector<16xf32>,
      }
      %scan3A_456 = arith.constant 16 : i32
      %dma_start3A_457 = arith.constant 0 : i32
      %dma_start3A_458 = tpu.memref_slice %arg3[%shift_right_arithmetic3A_426, %mul3A_430, %dma_start3A_457] : memref<16x256x256xf32, #tpu.memory_space<hbm>> -> memref<1x16x256xf32, #tpu.memory_space<hbm>>
      %dma_start3A_459 = tpu.memref_squeeze %dma_start3A_458 : memref<1x16x256xf32, #tpu.memory_space<hbm>> -> memref<16x256xf32, #tpu.memory_space<hbm>>
      %dma_start3A_460 = arith.constant 0 : i32
      %dma_start3A_461 = tpu.memref_slice %arg3[%shift_right_arithmetic3A_426, %mul3A_430, %dma_start3A_460] : memref<16x256x256xf32, #tpu.memory_space<hbm>> -> memref<1x16x256xf32, #tpu.memory_space<hbm>>
      %dma_start3A_462 = tpu.memref_squeeze %dma_start3A_461 : memref<1x16x256xf32, #tpu.memory_space<hbm>> -> memref<16x256xf32, #tpu.memory_space<hbm>>
      tpu.enqueue_dma source(%arg9 : memref<16x256xf32, #tpu.memory_space<vmem>>) target(%dma_start3A_462 : memref<16x256xf32, #tpu.memory_space<hbm>>) target_semaphore(%arg15 : memref<!tpu.dma_semaphore, #tpu.memory_space<semaphore_mem>>)
      %lt3A_463 = arith.constant 3 : i32
      %lt3A_464 = arith.cmpi slt, %scan3A_319, %lt3A_463 : i32
      %convert_element_type3A_465 = arith.extui %lt3A_464 : i1 to i32
      %cond3A_466 = arith.constant 0 : i32
      %cond3A_467 = arith.cmpi ne, %convert_element_type3A_465, %cond3A_466 : i32
      scf.if %cond3A_467 {
        %add3A_468 = arith.constant 2 : i32
        %add3A_469 = arith.addi %add3A_397, %add3A_468 : i32
        %shift_right_arithmetic3A_470 = arith.constant 4 : i32
        %shift_right_arithmetic3A_471 = arith.shrsi %add3A_469, %shift_right_arithmetic3A_470 : i32
        %and3A_472 = arith.constant 15 : i32
        %and3A_473 = arith.andi %add3A_469, %and3A_472 : i32
        %mul3A_474 = arith.constant 64 : i32
        %mul3A_475 = arith.muli %mul3A_474, %and3A_473 : i32
        %dma_start3A_476 = arith.constant 0 : i32
        %dma_start3A_477 = tpu.memref_slice %arg2[%shift_right_arithmetic3A_471, %mul3A_475, %dma_start3A_476] : memref<16x1024x1024xf32, #tpu.memory_space<hbm>> -> memref<1x32x1024xf32, #tpu.memory_space<hbm>>
        %dma_start3A_478 = tpu.memref_squeeze %dma_start3A_477 : memref<1x32x1024xf32, #tpu.memory_space<hbm>> -> memref<32x1024xf32, #tpu.memory_space<hbm>>
        %dma_start3A_479 = arith.constant 0 : i32
        %dma_start3A_480 = tpu.memref_slice %arg2[%shift_right_arithmetic3A_471, %mul3A_475, %dma_start3A_479] : memref<16x1024x1024xf32, #tpu.memory_space<hbm>> -> memref<1x32x1024xf32, #tpu.memory_space<hbm>>
        %dma_start3A_481 = tpu.memref_squeeze %dma_start3A_480 : memref<1x32x1024xf32, #tpu.memory_space<hbm>> -> memref<32x1024xf32, #tpu.memory_space<hbm>>
        tpu.enqueue_dma source(%dma_start3A_481 : memref<32x1024xf32, #tpu.memory_space<hbm>>) target(%arg5 : memref<32x1024xf32, #tpu.memory_space<vmem>>) target_semaphore(%arg11 : memref<!tpu.dma_semaphore, #tpu.memory_space<semaphore_mem>>)
        %add3A_482 = arith.constant 32 : i32
        %add3A_483 = arith.addi %mul3A_475, %add3A_482 : i32
        %add3A_484 = arith.constant 32 : i32
        %add3A_485 = arith.addi %mul3A_475, %add3A_484 : i32
        %jit3A_486 = arith.constant 128 : i32
        %div3A_487 = arith.divsi %add3A_485, %jit3A_486 : i32
        %sign3A_488 = arith.constant 0 : i32
        %sign3A_489 = arith.cmpi sgt, %add3A_485, %sign3A_488 : i32
        %sign3A_490 = arith.extui %sign3A_489 : i1 to i32
        %sign3A_491 = arith.constant 0 : i32
        %sign3A_492 = arith.cmpi slt, %add3A_485, %sign3A_491 : i32
        %sign3A_493 = arith.extui %sign3A_492 : i1 to i32
        %sign3A_494 = arith.subi %sign3A_490, %sign3A_493 : i32
        %sign3A_495 = arith.constant 0 : i32
        %sign3A_496 = arith.cmpi sgt, %jit3A_486, %sign3A_495 : i32
        %sign3A_497 = arith.extui %sign3A_496 : i1 to i32
        %sign3A_498 = arith.constant 0 : i32
        %sign3A_499 = arith.cmpi slt, %jit3A_486, %sign3A_498 : i32
        %sign3A_500 = arith.extui %sign3A_499 : i1 to i32
        %sign3A_501 = arith.subi %sign3A_497, %sign3A_500 : i32
        %ne3A_502 = arith.cmpi ne, %sign3A_494, %sign3A_501 : i32
        %rem3A_503 = arith.remsi %add3A_485, %jit3A_486 : i32
        %ne3A_504 = arith.constant 0 : i32
        %ne3A_505 = arith.cmpi ne, %rem3A_503, %ne3A_504 : i32
        %and3A_506 = arith.andi %ne3A_502, %ne3A_505 : i1
        %sub3A_507 = arith.constant 1 : i32
        %sub3A_508 = arith.subi %div3A_487, %sub3A_507 : i32
        %select_n3A_509 = arith.select %and3A_506, %sub3A_508, %div3A_487 : i32
        %mul3A_510 = arith.constant 128 : i32
        %mul3A_511 = arith.muli %select_n3A_509, %mul3A_510 : i32
        %dma_start3A_512 = tpu.memref_slice %arg2[%shift_right_arithmetic3A_471, %add3A_483, %mul3A_511] : memref<16x1024x1024xf32, #tpu.memory_space<hbm>> -> memref<1x32x128xf32, #tpu.memory_space<hbm>>
        %dma_start3A_513 = tpu.memref_squeeze %dma_start3A_512 : memref<1x32x128xf32, #tpu.memory_space<hbm>> -> memref<32x128xf32, #tpu.memory_space<hbm>>
        %dma_start3A_514 = tpu.memref_slice %arg2[%shift_right_arithmetic3A_471, %add3A_483, %mul3A_511] : memref<16x1024x1024xf32, #tpu.memory_space<hbm>> -> memref<1x32x128xf32, #tpu.memory_space<hbm>>
        %dma_start3A_515 = tpu.memref_squeeze %dma_start3A_514 : memref<1x32x128xf32, #tpu.memory_space<hbm>> -> memref<32x128xf32, #tpu.memory_space<hbm>>
        tpu.enqueue_dma source(%dma_start3A_515 : memref<32x128xf32, #tpu.memory_space<hbm>>) target(%arg7 : memref<32x128xf32, #tpu.memory_space<vmem>>) target_semaphore(%arg13 : memref<!tpu.dma_semaphore, #tpu.memory_space<semaphore_mem>>)
      } else {
      }
    }
    %scan3A_300 = arith.constant 3 : i32
    %dma_wait3A_301 = arith.constant 0 : i32
    %dma_wait3A_302 = arith.constant 0 : i32
    %dma_wait3A_303 = arith.constant 0 : i32
    %dma_wait3A_304 = tpu.memref_slice %arg3[%dma_wait3A_301, %dma_wait3A_302, %dma_wait3A_303] : memref<16x256x256xf32, #tpu.memory_space<hbm>> -> memref<1x16x256xf32, #tpu.memory_space<hbm>>
    %dma_wait3A_305 = tpu.memref_squeeze %dma_wait3A_304 : memref<1x16x256xf32, #tpu.memory_space<hbm>> -> memref<16x256xf32, #tpu.memory_space<hbm>>
    %dma_wait3A_306 = arith.constant 0 : i32
    %dma_wait3A_307 = arith.constant 0 : i32
    %dma_wait3A_308 = tpu.memref_slice %arg3[%dma_wait3A_301, %dma_wait3A_306, %dma_wait3A_307] : memref<16x256x256xf32, #tpu.memory_space<hbm>> -> memref<1x16x256xf32, #tpu.memory_space<hbm>>
    %dma_wait3A_309 = tpu.memref_squeeze %dma_wait3A_308 : memref<1x16x256xf32, #tpu.memory_space<hbm>> -> memref<16x256xf32, #tpu.memory_space<hbm>>
    tpu.wait_dma2 semaphore(%arg14 : memref<!tpu.dma_semaphore, #tpu.memory_space<semaphore_mem>>) src(%arg8 : memref<16x256xf32, #tpu.memory_space<vmem>>) dst(%dma_wait3A_309 : memref<16x256xf32, #tpu.memory_space<hbm>>)
    %dma_wait3A_310 = arith.constant 0 : i32
    %dma_wait3A_311 = arith.constant 0 : i32
    %dma_wait3A_312 = arith.constant 0 : i32
    %dma_wait3A_313 = tpu.memref_slice %arg3[%dma_wait3A_310, %dma_wait3A_311, %dma_wait3A_312] : memref<16x256x256xf32, #tpu.memory_space<hbm>> -> memref<1x16x256xf32, #tpu.memory_space<hbm>>
    %dma_wait3A_314 = tpu.memref_squeeze %dma_wait3A_313 : memref<1x16x256xf32, #tpu.memory_space<hbm>> -> memref<16x256xf32, #tpu.memory_space<hbm>>
    %dma_wait3A_315 = arith.constant 0 : i32
    %dma_wait3A_316 = arith.constant 0 : i32
    %dma_wait3A_317 = tpu.memref_slice %arg3[%dma_wait3A_310, %dma_wait3A_315, %dma_wait3A_316] : memref<16x256x256xf32, #tpu.memory_space<hbm>> -> memref<1x16x256xf32, #tpu.memory_space<hbm>>
    %dma_wait3A_318 = tpu.memref_squeeze %dma_wait3A_317 : memref<1x16x256xf32, #tpu.memory_space<hbm>> -> memref<16x256xf32, #tpu.memory_space<hbm>>
    tpu.wait_dma2 semaphore(%arg15 : memref<!tpu.dma_semaphore, #tpu.memory_space<semaphore_mem>>) src(%arg9 : memref<16x256xf32, #tpu.memory_space<vmem>>) dst(%dma_wait3A_318 : memref<16x256xf32, #tpu.memory_space<hbm>>)
    return
  }
}

</mosaic_0001>

<sc_bundles>
// kernel: kernel.3.cloned.1.call-start
scs
__scs_entry_jumppad:
0x0: {  	(pc) =	sbr.rel $0x88, $3  }
0x1: {  	(tag) =	ssettag $0x0;
	lr =	simm.s32 $0x1  }
0x2: {  	[smem:$0x3FA0] =	sst lr;
	_ =	strace $0xD0000000  }
0x3: {  	_ = 	snop  }
0x4: {  	_ = 	snop  }
0x5: {  	_ = 	snop  }
0x6: {  	_ = 	snop  }
0x7: {  	_ = 	snop  }
__scs_overlays_trampoline_lowered:
0x8: {  	[smem:$0x3FAF] =	sst s0  }
0x9: {  	[smem:$0x3FB0] =	sst s1  }
0xa: {  	[smem:$0x3FB1] =	sst s2  }
0xb: {  	[smem:$0x3FB2] =	sst s3  }
0xc: {  	[smem:$0x3FB3] =	sst s4  }
0xd: {  	[smem:$0x3FB4] =	sst s5  }
0xe: {  	[smem:$0x3FB5] =	sst s6  }
0xf: {  	[smem:$0x3FB6] =	sst s7  }
0x10: {  	[smem:$0x3FB7] =	sst s8  }
0x11: {  	[smem:$0x3FB8] =	sst s9;
	s0 =	simm.s32 @!p0 $0x0  }
0x12: {  	s1 =	sld [smem:$0x3F9E];
	s0 =	simm.s32 @p0 $0x1  }
0x13: {  	[smem:$0x3FB9] =	sst s0;
	s0 =	simm.s32 @!p1 $0x0  }
0x14: {  	s2 =	sld [smem:$0x3F9D];
	s0 =	simm.s32 @p1 $0x1  }
0x15: {  	[smem:$0x3FBA] =	sst s0;
	s0 =	simm.s32 @!p2 $0x0  }
0x16: {  	s3 =	sld [smem:$0x3FDB];
	s0 =	simm.s32 @p2 $0x1  }
0x17: {  	s4 =	simm.s32 $0x1BF5;
	[smem:$0x3FBC] =	sst s0  }
0x18: {  	s0 =	sld [smem:$0x3F9F];
	_ =	swait.ge [sflag:s4], $0x0  }
0x19: {  	s7 =	sld [smem:$0x3FA0]  }
0x1a: {  	s8 =	sadd.s32 $0xFFFFE003, lr  }
0x1b: {  	s9 =	sadd.s32 $0xFFFFFEF7, lr;
	s5 =	simm.s32 $0xFFFFFFFF;
	p2 =	slt.u32 s8, $0xFFFFF086  }
0x1c: {  	p1 =	slt.u32 s9, $0xF7A;
	s5 =	simm.s32 @!p2 $0x0  }
0x1d: {  	s5 =	simm.s32 @p1 $0x1;
	p0 =	seq.s32 s7, s2  }
0x1e: {  	s7 =	smul.u32 @!p0 $0xF7A, s2;
	p2 =	seq.s32 @!p0 s5, $0x0  }
0x1f: {  	s9 =	smul.u32 $0xF7A, s1;
	s8 =	simm.s32 @!p0 $0x1BF5;
	p2 =	por !p2, p0  }
0x20: {  	[sflag:s8] =	ssyncset.s32 @!p0 $0xFFFFF086;
	s6 =	sadd.s32 @!p0 s3, s7;
	s7 =	simm.s32 @!p0 $0x108  }
0x21: {  	s3 =	sadd.s32 s3, s9;
	s6 =	sadd.s32 @!p0 $0x88, s6;
	s7 =	simm.s32 @p2 $0x1082  }
0x22: {  	[simem:s7], [sflag:s8] =	dma.local @!p0 [hbm:s6], $0xF7A  }
0x23: {  	s9 =	sor.u32 $0xD0000000, s2;
	s6 =	simm.s32 $0x108;
	_ =	swait.ge @!p0 [sflag:s8], $0x0  }
0x24: {  	s3 =	sadd.s32 $0x88, s3;
	s6 =	simm.s32 @!p1 $0x1082;
	[sflag:s4] =	ssyncset.s32 $0xFFFFF086  }
0x25: {  	[simem:s6], [sflag:s4] =	dma.local [hbm:s3], $0xF7A  }
0x26: {  	[smem:$0x3FA0] =	sst s1;
	(tag) =	ssettag s2;
	_ =	strace s9  }
0x27: {  	s1 =	sld [smem:$0x3FB0]  }
0x28: {  	s2 =	sld [smem:$0x3FB1]  }
0x29: {  	s4 =	sld [smem:$0x3FB3]  }
0x2a: {  	p0 =	seq.s32 s5, $0x0;
	s5 =	sld [smem:$0x3FB4]  }
0x2b: {  	s6 =	sld [smem:$0x3FB5]  }
0x2c: {  	s7 =	sld [smem:$0x3FB6]  }
0x2d: {  	s3 =	simm.s32 $0x108;
	s8 =	sld [smem:$0x3FB7]  }
0x2e: {  	s3 =	simm.s32 @!p0 $0x1082;
	s9 =	sld [smem:$0x3FB8]  }
0x2f: {  	lr =	sadd.s32 s0, s3;
	s0 =	sld [smem:$0x3FAF]  }
0x30: {  	s3 =	sld [smem:$0x3FB2]  }
0x31: {  	[smem:$0x3FBB] =	sst s10  }
0x32: {  	s10 =	sld [smem:$0x3FB9];
	_ =	sdelay $0x3  }
0x33: {  	p0 =	seq.s32 s10, $0x1;
	s10 =	sld [smem:$0x3FBB];
	_ =	sdelay $0x3  }
0x34: {  	[smem:$0x3FBB] =	sst s10  }
0x35: {  	s10 =	sld [smem:$0x3FBA];
	_ =	sdelay $0x3  }
0x36: {  	p1 =	seq.s32 s10, $0x1;
	s10 =	sld [smem:$0x3FBB];
	_ =	sdelay $0x3  }
0x37: {  	[smem:$0x3FBB] =	sst s10  }
0x38: {  	s10 =	sld [smem:$0x3FBC]  }
0x39: {  	_ = 	snop;
	(pc) =	sbr.ind lr, $3  }
0x3a: {  	_ = 	snop  }
0x3b: {  	_ = 	snop  }
0x3c: {  	p2 =	seq.s32 s10, $0x1;
	s10 =	sld [smem:$0x3FBB]  }
0x3d: {  	_ =	shalt  }
0x3e: {  	_ =	shalt  }
0x3f: {  	_ =	shalt  }
0x40: {  	_ =	shalt  }
0x41: {  	_ =	shalt  }
0x42: {  	_ =	shalt  }
0x43: {  	_ =	shalt  }
0x44: {  	_ =	shalt  }
0x45: {  	_ =	shalt  }
0x46: {  	_ =	shalt  }
0x47: {  	_ =	shalt  }
0x48: {  	_ =	shalt  }
0x49: {  	_ =	shalt  }
0x4a: {  	_ =	shalt  }
0x4b: {  	_ =	shalt  }
0x4c: {  	_ =	shalt  }
0x4d: {  	_ =	shalt  }
0x4e: {  	_ =	shalt  }
0x4f: {  	_ =	shalt  }
0x50: {  	_ =	shalt  }
0x51: {  	_ =	shalt  }
0x52: {  	_ =	shalt  }
0x53: {  	_ =	shalt  }
0x54: {  	_ =	shalt  }
0x55: {  	_ =	shalt  }
0x56: {  	_ =	shalt  }
0x57: {  	_ =	shalt  }
0x58: {  	_ =	shalt  }
0x59: {  	_ =	shalt  }
0x5a: {  	_ =	shalt  }
0x5b: {  	_ =	shalt  }
0x5c: {  	_ =	shalt  }
0x5d: {  	_ =	shalt  }
0x5e: {  	_ =	shalt  }
0x5f: {  	_ =	shalt  }
0x60: {  	_ =	shalt  }
0x61: {  	_ =	shalt  }
0x62: {  	_ =	shalt  }
0x63: {  	_ =	shalt  }
0x64: {  	_ =	shalt  }
0x65: {  	_ =	shalt  }
0x66: {  	_ =	shalt  }
0x67: {  	_ =	shalt  }
0x68: {  	_ =	shalt  }
0x69: {  	_ =	shalt  }
0x6a: {  	_ =	shalt  }
0x6b: {  	_ =	shalt  }
0x6c: {  	_ =	shalt  }
0x6d: {  	_ =	shalt  }
0x6e: {  	_ =	shalt  }
0x6f: {  	_ =	shalt  }
0x70: {  	_ =	shalt  }
0x71: {  	_ =	shalt  }
0x72: {  	_ =	shalt  }
0x73: {  	_ =	shalt  }
0x74: {  	_ =	shalt  }
0x75: {  	_ =	shalt  }
0x76: {  	_ =	shalt  }
0x77: {  	_ =	shalt  }
0x78: {  	_ =	shalt  }
0x79: {  	_ =	shalt  }
0x7a: {  	_ =	shalt  }
0x7b: {  	_ =	shalt  }
0x7c: {  	_ =	shalt  }
0x7d: {  	_ =	shalt  }
0x7e: {  	_ =	shalt  }
0x7f: {  	_ =	shalt  }
0x80: {  	_ =	shalt  }
0x81: {  	_ =	shalt  }
0x82: {  	_ =	shalt  }
0x83: {  	_ =	shalt  }
0x84: {  	_ =	shalt  }
0x85: {  	_ =	shalt  }
0x86: {  	_ =	shalt  }
0x87: {  	_ =	shalt  }
.Lfunc_end0:
.L_simem_size_0:
called_computation_lowered:
.L_overlay_start_0:
0x88: {  	s2 =	sld [smem:$0x3FD9]  }
0x89: {  	s3 =	sld [smem:$0x3FFE];
	_ =	sdelay $0x1  }
0x8a: {  	s1 =	srdreg.scid  }
0x8b: {  	s0 =	sand.u32 $0x1, s1  }
0x8c: {  	s18 =	sshll.u32 s0, $0xA;
	s2 =	sadd.s32 s3, s2  }
0x8d: {  	s2 =	sadd.s32 s2, s18  }
0x8e: {  	[smem:$0x3FC7] =	sst s2  }
0x8f: {  	_ = 	snop  }
0x90: {  	s2 =	sld [smem:$0x3FC9]  }
0x91: {  	s19 =	sld [smem:$0x3FD0];
	(tm) =	ssettm $0x1  }
0x92: {  	s4 =	sld [smem:$0x3FFB];
	_ =	sdelay $0x3  }
0x93: {  	_ =	strace s4  }
0x94: {  	s4 =	sld [smem:$0x3FFC];
	_ =	sdelay $0x3  }
0x95: {  	_ =	strace s4  }
0x96: {  	s4 =	sld [smem:$0x3FFD];
	_ =	sdelay $0x3  }
0x97: {  	_ =	strace s4  }
0x98: {  	_ =	strace $0x8FFFFFFF  }
0x99: {  	s20 =	sld [smem:$0x3FDB];
	_ =	sdelay $0x1  }
0x9a: {  	s5 =	simm.s32 $_scs_section_size  }
0x9b: {  	s6 =	simm.s32 $_size__tile_overlayer_lowered;
	s7 =	simm.s32 $_tile_overlayer_lowered  }
0x9c: {  	s23 =	simm.s32 $0x1BFF;
	s22 =	sshll.u32 s7, $0x1;
	s4 =	sadd.s32 s5, s20  }
0x9d: {  	s8 =	simm.s32 $0x0;
	s21 =	sshll.u32 s6, $0x1;
	s6 =	sadd.s32 s22, s4  }
0x9e: {  	[timem:s8], [sflag:s23] =	dma.local [hbm:s6], s21  }
0x9f: {  	_ =	swait.ge [sflag:s23], s21  }
0xa0: {  	s5 =	ssub.s32 $0x0, s21;
	[sflag:s23] =	ssyncset.done $0x0  }
0xa1: {  	[sflag:s23] =	ssyncadd.s32 s5;
	_ =	sdelay $0x1  }
0xa2: {  	s24 =	simm.s32 $0x1B8B  }
0xa3: {  	_ =	swait.ge [sflag:s24], $0x1  }
0xa4: {  	[sflag:s24] =	ssyncset.done $0x0  }
0xa5: {  	s25 =	simm.s32 $0x1B8E;
	[sflag:s24] =	ssyncadd.s32 $0xFFFFFFFF  }
0xa6: {  	s26 =	simm.s32 $execute0_lowered;
	[smem:$0x3FD2] =	sst s25  }
0xa7: {  	s5 =	sshll.u32 s26, $0x1;
	_ =	strace $0x80000046;
	[dreg:$0x1] =	wrdreg $0xFFFFFFFF  }
0xa8: {  	s28 =	simm.s32 $_size_execute0_lowered;
	s4 =	sadd.s32 s4, s5;
	[dreg:$0x0] =	wrdreg $0x0  }
0xa9: {  	s5 =	sshll.u32 s28, $0x1;
	[dreg:$0x2] =	wrdreg s4  }
0xaa: {  	[dreg:$0x3] =	wrdreg s5  }
0xab: {  	[dreg:$0x4] =	wrdreg $0xC0  }
0xac: {  	_ =	task [dreg:s8], $0x5FFFF  }
0xad: {  	[dreg:$0x1] =	wrdreg $0xFFFFFFFF  }
0xae: {  	[dreg:$0x0] =	wrdreg $0x60  }
0xaf: {  	[dreg:$0x2] =	wrdreg s2  }
0xb0: {  	[dreg:$0x3] =	wrdreg s19  }
0xb1: {  	[dreg:$0x4] =	wrdreg $0x9  }
0xb2: {  	_ =	task.clear_ibuf [dreg:s8], $0x5FFFF;
	_ =	strace $0x90000046  }
0xb3: {  	s29 =	simm.s32 $0x9;
	_ =	strace $0x80000048  }
0xb4: {  	_ =	swait.ge [sflag:s29], $0x1  }
0xb5: {  	[sflag:s29] =	ssyncadd.s32 $0xFFFFFFFF  }
0xb6: {  	_ =	strace $0x90000048  }
0xb7: {  	_ =	sfence  }
0xb8: {  	s30 =	sld [smem:$0x0];
	_ =	sdelay $0x2  }
0xb9: {  	s31 =	sshll.u32 s1, $0xD;
	s1 =	sshrl.u32 s1, $0x2  }
0xba: {  	s3 =	sand.u32 $0x4000, s31;
	s1 =	sadd.s32 s1, s30  }
0xbb: {  	s0 =	sor.u32 s3, s0;
	s1 =	sshll.u32 s1, $0x11  }
0xbc: {  	s0 =	sor.u32 s1, s0  }
0xbd: {  	s0 =	sadd.s32 $0x8F2B, s0  }
0xbe: {  	[sflag:s0] =	ssyncadd.remote.s32 $0x1  }
0xbf: {  	_ =	sfence.sel $0xFFFF  }
0xc0: {  	[dreg:$0x0] =	wrdreg $0xFFFFFFFF;
	(pc) =	sbr.abs _section_cstart, $3  }
0xc1: {  	[dreg:$0x1] =	wrdreg $0xFFFFFFFF  }
0xc2: {  	_ =	task.clear_ibuf [dreg:s8], $0x2FFFF;
	_ =	strace $0x9FFFFFFF  }
0xc3: {  	(tm) =	ssettm $0x7FFFFFFF  }
tec
execute0_lowered:
.L_overlay_start_1:
0x0: {  	(tag) =	ssettag $0x1  }
0x1: {  	v1 =	vimm.s32 $0x0;
	vm0 =	vcmask $0x300  }
0x2: {  	s0 =	srdreg.scid;
	s6 =	rddreg [dreg:$0x1];
	v11 =	vimm.s32 $0x4101;
	vm13 =	vcmask $0x700;
	vm14 =	vcmask $0xB08  }
0x3: {  	s2 =	simm.s32 $0x0;
	s16 =	stileid.u32;
	vm15 =	vcmask $0xF0C;
	vm4 =	vcmask $0x1310;
	vm5 =	vcmask $0x1714;
	s28 =	simm.s32 $0x4  }
0x4: {  	v19 =	vimm.s32 $0x30201000;
	vm6 =	vcmask $0x1B18;
	v20 =	vimm.s32 $0x70605040;
	s29 =	simm.s32 $0x13000;
	s30 =	simm.s32 $0x5;
	s31 =	simm.s32 $0x6  }
0x5: {  	vm7 =	vcmask $0xF00;
	vm1 =	vcmask $0x1F1C;
	vm8 =	vcmask $0x1F10;
	s7 =	sand.u32 $0x1, s0;
	[smem:$0x7FF] =	sst s2;
	s9 =	sshll.u32 s16, $0x14  }
0x6: {  	vm9 =	vcmask $0x2320;
	vm10 =	vcmask $0x2724;
	vm11 =	vcmask $0x2B28;
	s12 =	sshll.u32 s16, $0x4;
	s20 =	sshll.u32 s16, $0xD;
	s1 =	sshll.u32 s7, $0x3  }
0x7: {  	vm12 =	vcmask $0x2F2C;
	v14 =	vunpack.c.0.s8.s32 v11;
	v19 =	vunpack.c.0.s8.s32 v19;
	s0 =	sshll.u32 s7, $0x7;
	s4 =	ssub.s32 $0x2, s7;
	s10 =	sshll.u32 s7, $0x13  }
0x8: {  	v1 =	vsel vm0, $0xA, v1;
	v20 =	vunpack.c.0.s8.s32 v20;
	s11 =	sshll.u32 s7, $0xC;
	s7 =	smul.u32 $0x81000, s7;
	s3 =	sor.u32 $0x1, s1;
	v0 =	vmov s0  }
0x9: {  	s0 =	rddreg [dreg:$0x0];
	_ =	strace $0x80000047;
	s5 =	sshrl.u32 s4, $0x1;
	v15 =	vnsel vm13, $0x1C41, v14;
	v19 =	vnsel vm7, $0x470, v19;
	vm13 =	vcmask $0x3330  }
0xa: {  	s14 =	sor.u32 s10, s9;
	s16 =	sor.u32 s1, s12;
	v0 =	vshrl.u32 v0, $0x7;
	s13 =	sshll.u32 s3, $0x4;
	v16 =	vsel vm14, $0x401, v15;
	v19 =	vsel vm8, v20, v19  }
0xb: {  	s1 =	simm.s32 $0x0;
	s8 =	ssub.s32 s4, s5;
	s4 =	sshrl.u32 s14, $0x3;
	vm14 =	vcmask $0x3734;
	v0 =	vshll.u32 v0, v1;
	v2 =	vmov s13  }
0xc: {  	s17 =	sshll.u32 s3, $0x10;
	s5 =	sadd.s32 $0x1000, s0;
	s7 =	sor.u32 s9, s7;
	v17 =	vsel vm15, $0x441, v16;
	v19 =	vsel vm9, $0x400, v19;
	vm15 =	vcmask $0x3B38  }
0xd: {  	s3 =	sshll.u32 s3, $0x9;
	s13 =	sor.u32 s11, s9;
	s4 =	sadd.s32 s0, s4;
	v3 =	vbroadcast v0, $0x0;
	v0 =	vlaneseq.u32;
	v2 =	vshrl.u32 v2, $0x7  }
0xe: {  	s11 =	sadd.s32 s6, s11;
	s7 =	sshrl.u32 s7, $0x3;
	s15 =	sor.u32 s10, s13;
	v18 =	vsel vm4, $0x801, v17;
	v19 =	vsel vm10, $0x410, v19;
	v4 =	vshll.u32 v2, v1  }
0xf: {  	s10 =	sor.u32 s17, s13;
	s22 =	sadd.s32 s20, s11;
	s7 =	sadd.s32 s7, s0;
	v1 =	vmul.u32 $0x2, v0;
	v18 =	vsel vm5, $0x841, v18;
	v19 =	vsel vm11, $0x420, v19  }
0x10: {  	s23 =	sadd.s32 $0x4000, s4;
	s25 =	sadd.s32 $0x6000, s4;
	[dreg:$0x6] =	wrdreg s22;
	v23 =	vor.u32 $0x10, v0;
	v2 =	vor.u32 v0, v3;
	v3 =	vbroadcast v4, $0x0  }
0x11: {  	s14 =	sshrl.u32 s15, $0x3;
	s15 =	sor.u32 s9, s17;
	[dreg:$0x7] =	wrdreg s23;
	v18 =	vsel vm6, $0xC01, v18;
	v19 =	vsel vm12, $0x430, v19;
	v4 =	vor.u32 $0x40, v1  }
0x12: {  	s10 =	sshrl.u32 s10, $0x3;
	s24 =	sadd.s32 $0x5080, s7;
	[dreg:$0xa] =	wrdreg s25;
	v5 =	vor.u32 $0x400, v1;
	v6 =	vor.u32 $0x440, v1;
	v7 =	vor.u32 $0x800, v1  }
0x13: {  	s26 =	sadd.s32 $0x7080, s7;
	s17 =	smax.u32 s8, $0x1;
	s22 =	simm.s32 $0x11000;
	v8 =	vor.u32 $0x840, v1;
	v9 =	vor.u32 $0xC00, v1;
	v18 =	vsel vm1, $0xC41, v18  }
0x14: {  	s23 =	simm.s32 $0x1;
	s25 =	simm.s32 $0x12000;
	s15 =	sshrl.u32 s15, $0x3;
	v10 =	vor.u32 $0xC40, v1;
	v11 =	vor.u32 $0x1000, v1;
	v18 =	vsel vm9, $0x1001, v18  }
0x15: {  	s18 =	sadd.s32 s14, s5;
	s21 =	sadd.s32 s10, s5;
	[dreg:$0x8] =	wrdreg s24;
	v12 =	vor.u32 $0x1040, v1;
	v13 =	vor.u32 $0x1400, v1;
	v18 =	vsel vm10, $0x1041, v18  }
.Ltmp0:
0x16: {  	s10 =	sadd.s32 s6, s20;
	[dreg:$0xb] =	wrdreg s26;
	v14 =	vor.u32 $0x1440, v1;
	v15 =	vor.u32 $0x1800, v1;
	v18 =	vsel vm11, $0x1401, v18;
	(pc) =	sbr.rel .LBB2_1-.Ltmp0, $4  }
0x17: {  	s20 =	simm.s32 $0x10000;
	s24 =	simm.s32 $0x3;
	v16 =	vor.u32 $0x1840, v1;
	v17 =	vor.u32 $0x1C00, v1;
	[dreg:$0x3] =	wrdreg s18;
	v18 =	vsel vm12, $0x1441, v18  }
0x18: {  	s26 =	simm.s32 $0x2;
	s19 =	sadd.s32 s0, s15;
	[dreg:$0x5] =	wrdreg s21;
	v19 =	vsel vm13, $0x440, v19;
	v22 =	vor.u32 $0x60, v1;
	v18 =	vsel vm13, $0x1801, v18  }
0x19: {  	s3 =	sadd.s32 s3, s10;
	s18 =	simm.s32 $0x400;
	[dreg:$0x4] =	wrdreg s19;
	v21 =	vsel vm14, $0x450, v19;
	v20 =	vsel vm14, $0x1841, v18;
	v18 =	vor.u32 $0x1C40, v1  }
0x1a: {  	s21 =	simm.s32 $0x8000;
	[dreg:$0x9] =	wrdreg s3;
	s19 =	simm.s32 $0x2000;
	v19 =	vsel vm15, $0x1C01, v20;
	v20 =	vsel vm15, $0x460, v21;
	v21 =	vor.u32 $0x20, v1  }
.LBB2_12:
0x1b: {  	s1 =	sadd.s32 $0x1, s1  }
0x1c: {  	_ =	swait.ge [sflag:s30], $0x1000;
	p0 =	sne.s32 s1, s17  }
.Ltmp1:
0x1d: {  	[sflag:s30] =	ssyncset.done $0x0;
	(pc) =	sbr.rel @!p0 .LBB2_13-.Ltmp1, $4  }
0x1e: {  	[sflag:s30] =	ssyncadd.s32 $0xFFFFF000  }
0x1f: {  	_ =	swait.ge [sflag:s31], $0x1000  }
0x20: {  	[sflag:s31] =	ssyncset.done $0x0  }
0x21: {  	[sflag:s31] =	ssyncadd.s32 $0xFFFFF000  }
.LBB2_1:
0x22: {  	[tilespmem:s2], [sflag:$0x1] =	stream.linear.gather [hbm4b:s4+s2], $0x8000, $0x38;
	[tilespmem:$0x14000] =	vst v63  }
0x23: {  	s3 =	rddreg [dreg:$0x3]  }
0x24: {  	[tilespmem:s20], [sflag:$0x3] =	stream.strided.gather [hbm4b:s3+s18], $0x1000, s19, s18, $0x38;
	[tilespmem:$0x14000] =	vst v63  }
0x25: {  	s13 =	rddreg [dreg:$0x4]  }
0x26: {  	v24 =	vmov s2;
	[tilespmem:s21], [sflag:$0x2] =	stream.linear.gather [hbm4b:s13+s2], $0x8000, $0x38;
	[tilespmem:$0x14000] =	vst v63  }
0x27: {  	s14 =	rddreg [dreg:$0x5];
	v25 =	vshll.u32 v24, $0x8;
	v26 =	vshll.u32 v24, $0xB  }
0x28: {  	v27 =	vand.u32 $0x6000, v26;
	v28 =	vand.u32 $0x300, v25;
	[tilespmem:s22], [sflag:$0x4] =	stream.strided.gather [hbm4b:s14+s18], $0x1000, s19, s18, $0x38;
	[tilespmem:$0x14000] =	vst v63  }
0x29: {  	v29 =	vor.u32 v28, v27;
	_ =	swait.ge [sflag:s23], $0x8000  }
0x2a: {  	v30 =	vor.u32 v1, v29;
	[sflag:s23] =	ssyncset.done $0x0  }
0x2b: {  	[sflag:s23] =	ssyncadd.s32 $0xFFFF8000  }
0x2c: {  	_ =	swait.ge [sflag:s24], $0x1000  }
0x2d: {  	[sflag:s24] =	ssyncset.done $0x0  }
0x2e: {  	[sflag:s24] =	ssyncadd.s32 $0xFFFFF000  }
0x2f: {  	v30 =	vld.idx.msk [tilespmem:v30+s2+$0x0], $0xffff  }
0x30: {  	v31 =	vor.u32 v4, v29;
	_ =	sdelay $0x1  }
0x31: {  	s15 =	sand.u32 $0x800, s2;
	s6 =	sand.u32 $0x380, s2  }
0x32: {  	s3 =	sor.u32 s6, s15  }
0x33: {  	[tilespmem:s3+$0x12000] =	vst v30  }
0x34: {  	v30 =	vld.idx.msk [tilespmem:v31+s2+$0x0], $0xffff  }
0x35: {  	v31 =	vor.u32 v5, v29;
	_ =	sdelay $0x3  }
0x36: {  	[tilespmem:s3+$0x12010] =	vst v30  }
0x37: {  	v30 =	vld.idx.msk [tilespmem:v31+s2+$0x0], $0xffff  }
0x38: {  	v31 =	vor.u32 v6, v29;
	_ =	sdelay $0x3  }
0x39: {  	[tilespmem:s3+$0x12020] =	vst v30  }
0x3a: {  	v30 =	vld.idx.msk [tilespmem:v31+s2+$0x0], $0xffff  }
0x3b: {  	v31 =	vor.u32 v7, v29;
	_ =	sdelay $0x3  }
0x3c: {  	[tilespmem:s3+$0x12030] =	vst v30  }
0x3d: {  	v30 =	vld.idx.msk [tilespmem:v31+s2+$0x0], $0xffff  }
0x3e: {  	v31 =	vor.u32 v8, v29;
	_ =	sdelay $0x3  }
0x3f: {  	[tilespmem:s3+$0x12040] =	vst v30  }
0x40: {  	v30 =	vld.idx.msk [tilespmem:v31+s2+$0x0], $0xffff  }
0x41: {  	v31 =	vor.u32 v9, v29;
	_ =	sdelay $0x3  }
0x42: {  	[tilespmem:s3+$0x12050] =	vst v30  }
0x43: {  	v30 =	vld.idx.msk [tilespmem:v31+s2+$0x0], $0xffff  }
0x44: {  	v31 =	vor.u32 v10, v29;
	_ =	sdelay $0x3  }
0x45: {  	[tilespmem:s3+$0x12060] =	vst v30  }
0x46: {  	v30 =	vld.idx.msk [tilespmem:v31+s2+$0x0], $0xffff  }
0x47: {  	v31 =	vor.u32 v11, v29;
	_ =	sdelay $0x3  }
0x48: {  	[tilespmem:s3+$0x12070] =	vst v30  }
0x49: {  	v30 =	vld.idx.msk [tilespmem:v31+s2+$0x0], $0xffff  }
0x4a: {  	v31 =	vor.u32 v12, v29;
	_ =	sdelay $0x3  }
0x4b: {  	[tilespmem:s3+$0x12400] =	vst v30  }
0x4c: {  	v30 =	vld.idx.msk [tilespmem:v31+s2+$0x0], $0xffff  }
0x4d: {  	v31 =	vor.u32 v13, v29;
	_ =	sdelay $0x3  }
0x4e: {  	[tilespmem:s3+$0x12410] =	vst v30  }
0x4f: {  	v30 =	vld.idx.msk [tilespmem:v31+s2+$0x0], $0xffff  }
0x50: {  	v29 =	vor.u32 v14, v29;
	_ =	sdelay $0x3  }
0x51: {  	[tilespmem:s3+$0x12420] =	vst v30  }
0x52: {  	v26 =	vor.u32 v26, v28;
	v29 =	vld.idx.msk [tilespmem:v29+s2+$0x0], $0xffff  }
0x53: {  	v28 =	vor.u32 v15, v26;
	_ =	sdelay $0x3  }
0x54: {  	[tilespmem:s3+$0x12430] =	vst v29  }
0x55: {  	v28 =	vld.idx.msk [tilespmem:v28+s2+$0x0], $0xffff  }
0x56: {  	v29 =	vor.u32 v16, v26;
	_ =	sdelay $0x3  }
0x57: {  	[tilespmem:s3+$0x12440] =	vst v28  }
0x58: {  	v28 =	vld.idx.msk [tilespmem:v29+s2+$0x0], $0xffff  }
0x59: {  	v29 =	vor.u32 v17, v26;
	_ =	sdelay $0x3  }
0x5a: {  	[tilespmem:s3+$0x12450] =	vst v28  }
0x5b: {  	v28 =	vld.idx.msk [tilespmem:v29+s2+$0x0], $0xffff  }
0x5c: {  	v26 =	vor.u32 v18, v26;
	_ =	sdelay $0x1  }
0x5d: {  	v29 =	vor.u32 $0x80, v25  }
0x5e: {  	v30 =	vand.u32 $0x380, v29  }
0x5f: {  	[tilespmem:s3+$0x12460] =	vst v28;
	v28 =	vor.u32 s2, v30  }
0x60: {  	v26 =	vld.idx.msk [tilespmem:v26+s2+$0x0], $0xffff;
	v27 =	vor.u32 v27, v28  }
0x61: {  	v27 =	vor.u32 v19, v27  }
0x62: {  	v28 =	vshll.u32 v24, $0x7  }
0x63: {  	v31 =	vand.u32 $0x800, v25;
	v30 =	vand.u32 $0x380, v28  }
0x64: {  	v28 =	vor.u32 v31, v30  }
0x65: {  	[tilespmem:s3+$0x12470] =	vst v26;
	v26 =	vor.u32 s2, v28  }
0x66: {  	v28 =	vor.u32 s2, v29;
	v27 =	vld.idx.msk [tilespmem:v27+s2+$0x0], $0xffff;
	v26 =	vor.u32 v20, v26  }
0x67: {  	v28 =	vor.u32 $0x21, v28  }
0x68: {  	v25 =	vor.u32 v21, v25;
	_ =	sdelay $0x2  }
0x69: {  	[tilespmem:v26+s25+$0x0] =	vst.idx.add.f32.msk $0xffff, v27  }
0x6a: {  	s9 =	simm.s32 $0x2;
	s3 =	simm.s32 $0x1;
	v32 =	vld.idx.msk [tilespmem:v28+s20+$0x0], $0xffff  }
0x6b: {  	s7 =	simm.s32 $0x0;
	s8 =	simm.s32 $0x0;
	s6 =	simm.s32 $0x0;
	v29 =	vmov s3;
	v33 =	vld.idx.msk [tilespmem:v25+s20+$0x0], $0xffff  }
.LBB2_2:
0x6c: {  	p0 =	sne.s32 s9, $0xF;
	v25 =	vshll.u32 v29, $0x8;
	v27 =	vshll.u32 v29, $0xB  }
0x6d: {  	v31 =	vor.u32 v2, v31;
	v26 =	vand.u32 $0x6000, v27;
	v28 =	vand.u32 $0x300, v25  }
0x6e: {  	v30 =	vor.u32 v30, v31;
	v34 =	vor.u32 v28, v26  }
0x6f: {  	vm0 =	veq.s32 v24, v0;
	v24 =	vmov v29;
	v31 =	vor.u32 v1, v34  }
0x70: {  	v29 =	vnsel vm0, $0x0, v32  }
0x71: {  	v29 =	vadd.f32 v29, v33;
	_ =	sdelay $0x1  }
0x72: {  	[tilespmem:v30+s25+$0x0] =	vst.idx.add.f32.msk $0xffff, v29  }
0x73: {  	v29 =	vld.idx.msk [tilespmem:v31+s2+$0x0], $0xffff;
	_ =	sdelay $0x1  }
0x74: {  	v30 =	vor.u32 v4, v34  }
0x75: {  	s7 =	sadd.s32 $0x80, s7;
	s8 =	sadd.s32 $0x100, s8  }
0x76: {  	s11 =	sand.u32 $0x800, s8;
	s12 =	sand.u32 $0x380, s7  }
0x77: {  	s11 =	sor.u32 s12, s11  }
0x78: {  	[tilespmem:s11+$0x12000] =	vst v29  }
0x79: {  	v29 =	vld.idx.msk [tilespmem:v30+s2+$0x0], $0xffff;
	_ =	sdelay $0x1  }
0x7a: {  	v30 =	vor.u32 v5, v34;
	_ =	sdelay $0x3  }
0x7b: {  	[tilespmem:s11+$0x12010] =	vst v29  }
0x7c: {  	v29 =	vld.idx.msk [tilespmem:v30+s2+$0x0], $0xffff;
	_ =	sdelay $0x1  }
0x7d: {  	v30 =	vor.u32 v6, v34;
	_ =	sdelay $0x3  }
0x7e: {  	[tilespmem:s11+$0x12020] =	vst v29  }
0x7f: {  	v29 =	vld.idx.msk [tilespmem:v30+s2+$0x0], $0xffff;
	_ =	sdelay $0x1  }
0x80: {  	v30 =	vor.u32 v7, v34;
	_ =	sdelay $0x3  }
0x81: {  	[tilespmem:s11+$0x12030] =	vst v29  }
0x82: {  	v29 =	vld.idx.msk [tilespmem:v30+s2+$0x0], $0xffff;
	_ =	sdelay $0x1  }
0x83: {  	v30 =	vor.u32 v8, v34;
	_ =	sdelay $0x3  }
0x84: {  	[tilespmem:s11+$0x12040] =	vst v29  }
0x85: {  	v29 =	vld.idx.msk [tilespmem:v30+s2+$0x0], $0xffff;
	_ =	sdelay $0x1  }
0x86: {  	v30 =	vor.u32 v9, v34;
	_ =	sdelay $0x3  }
0x87: {  	[tilespmem:s11+$0x12050] =	vst v29  }
0x88: {  	v29 =	vld.idx.msk [tilespmem:v30+s2+$0x0], $0xffff;
	_ =	sdelay $0x1  }
0x89: {  	v30 =	vor.u32 v10, v34;
	_ =	sdelay $0x3  }
0x8a: {  	[tilespmem:s11+$0x12060] =	vst v29  }
0x8b: {  	v29 =	vld.idx.msk [tilespmem:v30+s2+$0x0], $0xffff;
	_ =	sdelay $0x1  }
0x8c: {  	v30 =	vor.u32 v11, v34;
	_ =	sdelay $0x3  }
0x8d: {  	[tilespmem:s11+$0x12070] =	vst v29  }
0x8e: {  	v29 =	vld.idx.msk [tilespmem:v30+s2+$0x0], $0xffff;
	_ =	sdelay $0x1  }
0x8f: {  	v30 =	vor.u32 v12, v34;
	_ =	sdelay $0x3  }
0x90: {  	[tilespmem:s11+$0x12400] =	vst v29  }
0x91: {  	v29 =	vld.idx.msk [tilespmem:v30+s2+$0x0], $0xffff;
	_ =	sdelay $0x1  }
0x92: {  	v30 =	vor.u32 v13, v34;
	_ =	sdelay $0x3  }
0x93: {  	[tilespmem:s11+$0x12410] =	vst v29  }
0x94: {  	v29 =	vld.idx.msk [tilespmem:v30+s2+$0x0], $0xffff;
	_ =	sdelay $0x1  }
0x95: {  	v30 =	vor.u32 v14, v34;
	_ =	sdelay $0x3  }
0x96: {  	[tilespmem:s11+$0x12420] =	vst v29  }
0x97: {  	v29 =	vld.idx.msk [tilespmem:v30+s2+$0x0], $0xffff  }
0x98: {  	v27 =	vor.u32 v27, v28  }
0x99: {  	v28 =	vor.u32 v15, v27;
	_ =	sdelay $0x3  }
0x9a: {  	[tilespmem:s11+$0x12430] =	vst v29  }
0x9b: {  	v28 =	vld.idx.msk [tilespmem:v28+s2+$0x0], $0xffff;
	_ =	sdelay $0x1  }
0x9c: {  	v29 =	vor.u32 v16, v27;
	_ =	sdelay $0x3  }
0x9d: {  	[tilespmem:s11+$0x12440] =	vst v28  }
0x9e: {  	v28 =	vld.idx.msk [tilespmem:v29+s2+$0x0], $0xffff;
	_ =	sdelay $0x1  }
0x9f: {  	v29 =	vor.u32 v17, v27;
	_ =	sdelay $0x3  }
0xa0: {  	[tilespmem:s11+$0x12450] =	vst v28  }
0xa1: {  	v28 =	vld.idx.msk [tilespmem:v29+s2+$0x0], $0xffff;
	_ =	sdelay $0x1  }
0xa2: {  	v27 =	vor.u32 v18, v27;
	_ =	sdelay $0x2  }
0xa3: {  	v29 =	vor.u32 $0x80, v25  }
0xa4: {  	s6 =	sadd.s32 $0x2, s6;
	[tilespmem:s11+$0x12460] =	vst v28;
	v28 =	vand.u32 $0x380, v29  }
0xa5: {  	v27 =	vld.idx.msk [tilespmem:v27+s2+$0x0], $0xffff;
	v28 =	vor.u32 s6, v28  }
0xa6: {  	v26 =	vor.u32 v26, v28  }
0xa7: {  	v26 =	vor.u32 v19, v26;
	_ =	sdelay $0x1  }
0xa8: {  	v28 =	vshll.u32 v24, $0x7  }
0xa9: {  	v31 =	vand.u32 $0x800, v25;
	v30 =	vand.u32 $0x380, v28  }
0xaa: {  	[tilespmem:s11+$0x12470] =	vst v27;
	v27 =	vor.u32 v31, v30  }
0xab: {  	v26 =	vld.idx.msk [tilespmem:v26+s2+$0x0], $0xffff;
	v27 =	vor.u32 s3, v27;
	s3 =	smov.u32 s9  }
0xac: {  	v28 =	vor.u32 s6, v29;
	v27 =	vor.u32 v20, v27  }
0xad: {  	v28 =	vor.u32 $0x21, v28  }
0xae: {  	v25 =	vor.u32 v21, v25  }
.Ltmp2:
0xaf: {  	(pc) =	sbr.rel @p0 .LBB2_2-.Ltmp2, $4  }
0xb0: {  	_ = 	snop  }
0xb1: {  	[tilespmem:v27+s25+$0x0] =	vst.idx.add.f32.msk $0xffff, v26  }
0xb2: {  	v32 =	vld.idx.msk [tilespmem:v28+s20+$0x0], $0xffff  }
0xb3: {  	s9 =	sadd.s32 $0x1, s9;
	v29 =	vmov s3;
	v33 =	vld.idx.msk [tilespmem:v25+s20+$0x0], $0xffff  }
0xb4: {  	v25 =	vshll.u32 v29, $0x8;
	v26 =	vshll.u32 v29, $0xB  }
0xb5: {  	v31 =	vor.u32 v2, v31;
	v27 =	vand.u32 $0x6000, v26;
	v28 =	vand.u32 $0x300, v25  }
0xb6: {  	v30 =	vor.u32 v30, v31;
	v34 =	vor.u32 v28, v27  }
0xb7: {  	vm0 =	veq.s32 v24, v0;
	v31 =	vor.u32 v1, v34  }
0xb8: {  	v24 =	vnsel vm0, $0x0, v32  }
0xb9: {  	v24 =	vadd.f32 v24, v33;
	_ =	sdelay $0x1  }
0xba: {  	[tilespmem:v30+s25+$0x0] =	vst.idx.add.f32.msk $0xffff, v24  }
0xbb: {  	v24 =	vld.idx.msk [tilespmem:v31+s2+$0x0], $0xffff  }
0xbc: {  	v30 =	vor.u32 v4, v34  }
0xbd: {  	s7 =	sadd.s32 $0x80, s7;
	s8 =	sadd.s32 $0x100, s8  }
0xbe: {  	s8 =	sand.u32 $0x800, s8;
	s7 =	sand.u32 $0x380, s7  }
0xbf: {  	s7 =	sor.u32 s7, s8  }
0xc0: {  	[tilespmem:s7+$0x12000] =	vst v24  }
0xc1: {  	v24 =	vld.idx.msk [tilespmem:v30+s2+$0x0], $0xffff  }
0xc2: {  	v30 =	vor.u32 v5, v34;
	_ =	sdelay $0x3  }
0xc3: {  	[tilespmem:s7+$0x12010] =	vst v24  }
0xc4: {  	v24 =	vld.idx.msk [tilespmem:v30+s2+$0x0], $0xffff  }
0xc5: {  	v30 =	vor.u32 v6, v34;
	_ =	sdelay $0x3  }
0xc6: {  	[tilespmem:s7+$0x12020] =	vst v24  }
0xc7: {  	v24 =	vld.idx.msk [tilespmem:v30+s2+$0x0], $0xffff  }
0xc8: {  	v30 =	vor.u32 v7, v34;
	_ =	sdelay $0x3  }
0xc9: {  	[tilespmem:s7+$0x12030] =	vst v24  }
0xca: {  	v24 =	vld.idx.msk [tilespmem:v30+s2+$0x0], $0xffff  }
0xcb: {  	v30 =	vor.u32 v8, v34;
	_ =	sdelay $0x3  }
0xcc: {  	[tilespmem:s7+$0x12040] =	vst v24  }
0xcd: {  	v24 =	vld.idx.msk [tilespmem:v30+s2+$0x0], $0xffff  }
0xce: {  	v30 =	vor.u32 v9, v34;
	_ =	sdelay $0x3  }
0xcf: {  	[tilespmem:s7+$0x12050] =	vst v24  }
0xd0: {  	v24 =	vld.idx.msk [tilespmem:v30+s2+$0x0], $0xffff  }
0xd1: {  	v30 =	vor.u32 v10, v34;
	_ =	sdelay $0x3  }
0xd2: {  	[tilespmem:s7+$0x12060] =	vst v24  }
0xd3: {  	v24 =	vld.idx.msk [tilespmem:v30+s2+$0x0], $0xffff  }
0xd4: {  	v30 =	vor.u32 v11, v34;
	_ =	sdelay $0x3  }
0xd5: {  	[tilespmem:s7+$0x12070] =	vst v24  }
0xd6: {  	v24 =	vld.idx.msk [tilespmem:v30+s2+$0x0], $0xffff  }
0xd7: {  	v30 =	vor.u32 v12, v34;
	_ =	sdelay $0x3  }
0xd8: {  	[tilespmem:s7+$0x12400] =	vst v24  }
0xd9: {  	v24 =	vld.idx.msk [tilespmem:v30+s2+$0x0], $0xffff  }
0xda: {  	v30 =	vor.u32 v13, v34;
	_ =	sdelay $0x3  }
0xdb: {  	[tilespmem:s7+$0x12410] =	vst v24  }
0xdc: {  	v24 =	vld.idx.msk [tilespmem:v30+s2+$0x0], $0xffff  }
0xdd: {  	v30 =	vor.u32 v14, v34;
	_ =	sdelay $0x3  }
0xde: {  	[tilespmem:s7+$0x12420] =	vst v24  }
0xdf: {  	v26 =	vor.u32 v26, v28;
	v24 =	vld.idx.msk [tilespmem:v30+s2+$0x0], $0xffff  }
0xe0: {  	v28 =	vor.u32 v15, v26;
	_ =	sdelay $0x3  }
0xe1: {  	[tilespmem:s7+$0x12430] =	vst v24  }
0xe2: {  	v24 =	vld.idx.msk [tilespmem:v28+s2+$0x0], $0xffff  }
0xe3: {  	v28 =	vor.u32 v16, v26;
	_ =	sdelay $0x3  }
0xe4: {  	[tilespmem:s7+$0x12440] =	vst v24  }
0xe5: {  	v24 =	vld.idx.msk [tilespmem:v28+s2+$0x0], $0xffff  }
0xe6: {  	v28 =	vor.u32 v17, v26;
	_ =	sdelay $0x3  }
0xe7: {  	[tilespmem:s7+$0x12450] =	vst v24  }
0xe8: {  	v24 =	vld.idx.msk [tilespmem:v28+s2+$0x0], $0xffff  }
0xe9: {  	v26 =	vor.u32 v18, v26;
	_ =	sdelay $0x1  }
0xea: {  	v28 =	vor.u32 $0x80, v25  }
0xeb: {  	s6 =	sadd.s32 $0x2, s6;
	v30 =	vand.u32 $0x380, v28  }
0xec: {  	[tilespmem:s7+$0x12460] =	vst v24;
	v24 =	vor.u32 s6, v30  }
0xed: {  	v26 =	vld.idx.msk [tilespmem:v26+s2+$0x0], $0xffff;
	v24 =	vor.u32 v27, v24  }
0xee: {  	v24 =	vor.u32 v19, v24  }
0xef: {  	v27 =	vshll.u32 v29, $0x7  }
0xf0: {  	v30 =	vand.u32 $0x800, v25;
	v27 =	vand.u32 $0x380, v27  }
0xf1: {  	v31 =	vor.u32 v30, v27  }
0xf2: {  	[tilespmem:s7+$0x12470] =	vst v26;
	v26 =	vor.u32 s3, v31  }
0xf3: {  	v28 =	vor.u32 s6, v28;
	v24 =	vld.idx.msk [tilespmem:v24+s2+$0x0], $0xffff;
	v26 =	vor.u32 v20, v26  }
0xf4: {  	v28 =	vor.u32 $0x21, v28  }
0xf5: {  	v25 =	vor.u32 v21, v25;
	_ =	sdelay $0x2  }
0xf6: {  	[tilespmem:v26+s25+$0x0] =	vst.idx.add.f32.msk $0xffff, v24  }
0xf7: {  	v24 =	vld.idx.msk [tilespmem:v28+s20+$0x0], $0xffff  }
0xf8: {  	v25 =	vld.idx.msk [tilespmem:v25+s20+$0x0], $0xffff  }
0xf9: {  	v26 =	vor.u32 v2, v30  }
0xfa: {  	v26 =	vor.u32 v27, v26  }
0xfb: {  	vm15 =	veq.s32 v29, v0  }
0xfc: {  	v24 =	vnsel vm15, $0x0, v24  }
0xfd: {  	v24 =	vadd.f32 v24, v25;
	_ =	sdelay $0x1  }
0xfe: {  	s11 =	rddreg [dreg:$0x6];
	s3 =	simm.s32 $0x0;
	[tilespmem:v26+s25+$0x0] =	vst.idx.add.f32.msk $0xffff, v24  }
0xff: {  	[hbm4b:s11+s3] =	stream.linear.scatter [tilespmem:s25], [sflag:$0x5], $0x1000, $0x38;
	[tilespmem:$0x14000] =	vst v63  }
0x100: {  	s12 =	rddreg [dreg:$0x7]  }
0x101: {  	v24 =	vmov s3;
	[tilespmem:s3], [sflag:$0x1] =	stream.linear.gather [hbm4b:s12+s3], $0x8000, $0x38;
	[tilespmem:$0x14000] =	vst v63  }
0x102: {  	s13 =	rddreg [dreg:$0x8];
	v25 =	vshll.u32 v24, $0x8;
	v26 =	vshll.u32 v24, $0xB  }
0x103: {  	v27 =	vand.u32 $0x6000, v26;
	v28 =	vand.u32 $0x300, v25;
	[tilespmem:s20], [sflag:$0x3] =	stream.strided.gather [hbm4b:s13+s18], $0x1000, s19, s18, $0x38;
	[tilespmem:$0x14000] =	vst v63  }
0x104: {  	v29 =	vor.u32 v28, v27;
	_ =	swait.ge [sflag:s26], $0x8000  }
0x105: {  	v30 =	vor.u32 v1, v29;
	[sflag:s26] =	ssyncset.done $0x0  }
0x106: {  	[sflag:s26] =	ssyncadd.s32 $0xFFFF8000  }
0x107: {  	_ =	swait.ge [sflag:s28], $0x1000  }
0x108: {  	[sflag:s28] =	ssyncset.done $0x0  }
0x109: {  	[sflag:s28] =	ssyncadd.s32 $0xFFFFF000  }
0x10a: {  	v30 =	vld.idx.msk [tilespmem:v30+s21+$0x0], $0xffff  }
0x10b: {  	v31 =	vor.u32 v4, v29;
	_ =	sdelay $0x1  }
0x10c: {  	s14 =	sand.u32 $0x800, s3;
	s15 =	sand.u32 $0x380, s3  }
0x10d: {  	s6 =	sor.u32 s15, s14  }
0x10e: {  	[tilespmem:s6+$0x13000] =	vst v30  }
0x10f: {  	v30 =	vld.idx.msk [tilespmem:v31+s21+$0x0], $0xffff  }
0x110: {  	v31 =	vor.u32 v5, v29;
	_ =	sdelay $0x3  }
0x111: {  	[tilespmem:s6+$0x13010] =	vst v30  }
0x112: {  	v30 =	vld.idx.msk [tilespmem:v31+s21+$0x0], $0xffff  }
0x113: {  	v31 =	vor.u32 v6, v29;
	_ =	sdelay $0x3  }
0x114: {  	[tilespmem:s6+$0x13020] =	vst v30  }
0x115: {  	v30 =	vld.idx.msk [tilespmem:v31+s21+$0x0], $0xffff  }
0x116: {  	v31 =	vor.u32 v7, v29;
	_ =	sdelay $0x3  }
0x117: {  	[tilespmem:s6+$0x13030] =	vst v30  }
0x118: {  	v30 =	vld.idx.msk [tilespmem:v31+s21+$0x0], $0xffff  }
0x119: {  	v31 =	vor.u32 v8, v29;
	_ =	sdelay $0x3  }
0x11a: {  	[tilespmem:s6+$0x13040] =	vst v30  }
0x11b: {  	v30 =	vld.idx.msk [tilespmem:v31+s21+$0x0], $0xffff  }
0x11c: {  	v31 =	vor.u32 v9, v29;
	_ =	sdelay $0x3  }
0x11d: {  	[tilespmem:s6+$0x13050] =	vst v30  }
0x11e: {  	v30 =	vld.idx.msk [tilespmem:v31+s21+$0x0], $0xffff  }
0x11f: {  	v31 =	vor.u32 v10, v29;
	_ =	sdelay $0x3  }
0x120: {  	[tilespmem:s6+$0x13060] =	vst v30  }
0x121: {  	v30 =	vld.idx.msk [tilespmem:v31+s21+$0x0], $0xffff  }
0x122: {  	v31 =	vor.u32 v11, v29;
	_ =	sdelay $0x3  }
0x123: {  	[tilespmem:s6+$0x13070] =	vst v30  }
0x124: {  	v30 =	vld.idx.msk [tilespmem:v31+s21+$0x0], $0xffff  }
0x125: {  	v31 =	vor.u32 v12, v29;
	_ =	sdelay $0x3  }
0x126: {  	[tilespmem:s6+$0x13400] =	vst v30  }
0x127: {  	v30 =	vld.idx.msk [tilespmem:v31+s21+$0x0], $0xffff  }
0x128: {  	v31 =	vor.u32 v13, v29;
	_ =	sdelay $0x3  }
0x129: {  	[tilespmem:s6+$0x13410] =	vst v30  }
0x12a: {  	v30 =	vld.idx.msk [tilespmem:v31+s21+$0x0], $0xffff  }
0x12b: {  	v29 =	vor.u32 v14, v29;
	_ =	sdelay $0x3  }
0x12c: {  	[tilespmem:s6+$0x13420] =	vst v30  }
0x12d: {  	v26 =	vor.u32 v26, v28;
	v29 =	vld.idx.msk [tilespmem:v29+s21+$0x0], $0xffff  }
0x12e: {  	v28 =	vor.u32 v15, v26;
	_ =	sdelay $0x3  }
0x12f: {  	[tilespmem:s6+$0x13430] =	vst v29  }
0x130: {  	v28 =	vld.idx.msk [tilespmem:v28+s21+$0x0], $0xffff  }
0x131: {  	v29 =	vor.u32 v16, v26;
	_ =	sdelay $0x3  }
0x132: {  	[tilespmem:s6+$0x13440] =	vst v28  }
0x133: {  	v28 =	vld.idx.msk [tilespmem:v29+s21+$0x0], $0xffff  }
0x134: {  	v29 =	vor.u32 v17, v26;
	_ =	sdelay $0x3  }
0x135: {  	[tilespmem:s6+$0x13450] =	vst v28  }
0x136: {  	v28 =	vld.idx.msk [tilespmem:v29+s21+$0x0], $0xffff  }
0x137: {  	v26 =	vor.u32 v18, v26;
	_ =	sdelay $0x1  }
0x138: {  	v29 =	vor.u32 $0x80, v25  }
0x139: {  	v30 =	vand.u32 $0x380, v29  }
0x13a: {  	[tilespmem:s6+$0x13460] =	vst v28;
	v28 =	vor.u32 s3, v30  }
0x13b: {  	v31 =	vld.idx.msk [tilespmem:v26+s21+$0x0], $0xffff;
	v26 =	vor.u32 v27, v28  }
0x13c: {  	v27 =	vor.u32 v19, v26;
	_ =	sdelay $0x1  }
0x13d: {  	v28 =	vshll.u32 v24, $0x7;
	v26 =	vand.u32 $0x800, v25  }
0x13e: {  	v30 =	vand.u32 $0x380, v28;
	v28 =	vor.u32 s3, v26  }
0x13f: {  	v28 =	vor.u32 v30, v28;
	[tilespmem:s6+$0x13470] =	vst v31  }
0x140: {  	v29 =	vor.u32 s3, v29;
	v28 =	vor.u32 v20, v28;
	v27 =	vld.idx.msk [tilespmem:v27+s21+$0x0], $0xffff  }
0x141: {  	v29 =	vor.u32 $0x61, v29  }
0x142: {  	v25 =	vor.u32 v22, v25;
	_ =	sdelay $0x2  }
0x143: {  	[tilespmem:v28+s29+$0x0] =	vst.idx.add.f32.msk $0xffff, v27  }
0x144: {  	s6 =	simm.s32 $0x1;
	v31 =	vld.idx.msk [tilespmem:v29+s22+$0x0], $0xffff  }
0x145: {  	s9 =	simm.s32 $0x2;
	s8 =	simm.s32 $0x0;
	s7 =	simm.s32 $0x0;
	v29 =	vmov s6;
	v32 =	vld.idx.msk [tilespmem:v25+s22+$0x0], $0xffff  }
.LBB2_4:
0x146: {  	p0 =	sne.s32 s9, $0xF;
	v25 =	vshll.u32 v29, $0x8;
	v27 =	vshll.u32 v29, $0xB;
	v33 =	vadd.s32 v3, v26  }
0x147: {  	v26 =	vand.u32 $0x6000, v27;
	v28 =	vand.u32 $0x300, v25;
	v30 =	vor.u32 v30, v33  }
0x148: {  	v33 =	vor.u32 v28, v26;
	v30 =	vor.u32 v23, v30  }
0x149: {  	vm0 =	veq.s32 v24, v0;
	v24 =	vmov v29;
	v34 =	vor.u32 v1, v33  }
0x14a: {  	v29 =	vnsel vm0, $0x0, v31  }
0x14b: {  	v29 =	vadd.f32 v29, v32;
	_ =	sdelay $0x1  }
0x14c: {  	[tilespmem:v30+s29+$0x0] =	vst.idx.add.f32.msk $0xffff, v29  }
0x14d: {  	v29 =	vld.idx.msk [tilespmem:v34+s21+$0x0], $0xffff;
	_ =	sdelay $0x1  }
0x14e: {  	v30 =	vor.u32 v4, v33  }
0x14f: {  	s3 =	sadd.s32 $0x80, s3;
	s8 =	sadd.s32 $0x100, s8  }
0x150: {  	s11 =	sand.u32 $0x800, s8;
	s12 =	sand.u32 $0x380, s3  }
0x151: {  	s11 =	sor.u32 s12, s11  }
0x152: {  	[tilespmem:s11+$0x13000] =	vst v29  }
0x153: {  	v29 =	vld.idx.msk [tilespmem:v30+s21+$0x0], $0xffff;
	_ =	sdelay $0x1  }
0x154: {  	v30 =	vor.u32 v5, v33;
	_ =	sdelay $0x3  }
0x155: {  	[tilespmem:s11+$0x13010] =	vst v29  }
0x156: {  	v29 =	vld.idx.msk [tilespmem:v30+s21+$0x0], $0xffff;
	_ =	sdelay $0x1  }
0x157: {  	v30 =	vor.u32 v6, v33;
	_ =	sdelay $0x3  }
0x158: {  	[tilespmem:s11+$0x13020] =	vst v29  }
0x159: {  	v29 =	vld.idx.msk [tilespmem:v30+s21+$0x0], $0xffff;
	_ =	sdelay $0x1  }
0x15a: {  	v30 =	vor.u32 v7, v33;
	_ =	sdelay $0x3  }
0x15b: {  	[tilespmem:s11+$0x13030] =	vst v29  }
0x15c: {  	v29 =	vld.idx.msk [tilespmem:v30+s21+$0x0], $0xffff;
	_ =	sdelay $0x1  }
0x15d: {  	v30 =	vor.u32 v8, v33;
	_ =	sdelay $0x3  }
0x15e: {  	[tilespmem:s11+$0x13040] =	vst v29  }
0x15f: {  	v29 =	vld.idx.msk [tilespmem:v30+s21+$0x0], $0xffff;
	_ =	sdelay $0x1  }
0x160: {  	v30 =	vor.u32 v9, v33;
	_ =	sdelay $0x3  }
0x161: {  	[tilespmem:s11+$0x13050] =	vst v29  }
0x162: {  	v29 =	vld.idx.msk [tilespmem:v30+s21+$0x0], $0xffff;
	_ =	sdelay $0x1  }
0x163: {  	v30 =	vor.u32 v10, v33;
	_ =	sdelay $0x3  }
0x164: {  	[tilespmem:s11+$0x13060] =	vst v29  }
0x165: {  	v29 =	vld.idx.msk [tilespmem:v30+s21+$0x0], $0xffff;
	_ =	sdelay $0x1  }
0x166: {  	v30 =	vor.u32 v11, v33;
	_ =	sdelay $0x3  }
0x167: {  	[tilespmem:s11+$0x13070] =	vst v29  }
0x168: {  	v29 =	vld.idx.msk [tilespmem:v30+s21+$0x0], $0xffff;
	_ =	sdelay $0x1  }
0x169: {  	v30 =	vor.u32 v12, v33;
	_ =	sdelay $0x3  }
0x16a: {  	[tilespmem:s11+$0x13400] =	vst v29  }
0x16b: {  	v29 =	vld.idx.msk [tilespmem:v30+s21+$0x0], $0xffff;
	_ =	sdelay $0x1  }
0x16c: {  	v30 =	vor.u32 v13, v33;
	_ =	sdelay $0x3  }
0x16d: {  	[tilespmem:s11+$0x13410] =	vst v29  }
0x16e: {  	v29 =	vld.idx.msk [tilespmem:v30+s21+$0x0], $0xffff;
	_ =	sdelay $0x1  }
0x16f: {  	v30 =	vor.u32 v14, v33;
	_ =	sdelay $0x3  }
0x170: {  	[tilespmem:s11+$0x13420] =	vst v29  }
0x171: {  	v29 =	vld.idx.msk [tilespmem:v30+s21+$0x0], $0xffff  }
0x172: {  	v27 =	vor.u32 v27, v28  }
0x173: {  	v28 =	vor.u32 v15, v27;
	_ =	sdelay $0x3  }
0x174: {  	[tilespmem:s11+$0x13430] =	vst v29  }
0x175: {  	v28 =	vld.idx.msk [tilespmem:v28+s21+$0x0], $0xffff;
	_ =	sdelay $0x1  }
0x176: {  	v29 =	vor.u32 v16, v27;
	_ =	sdelay $0x3  }
0x177: {  	[tilespmem:s11+$0x13440] =	vst v28  }
0x178: {  	v28 =	vld.idx.msk [tilespmem:v29+s21+$0x0], $0xffff;
	_ =	sdelay $0x1  }
0x179: {  	v29 =	vor.u32 v17, v27;
	_ =	sdelay $0x3  }
0x17a: {  	[tilespmem:s11+$0x13450] =	vst v28  }
0x17b: {  	v28 =	vld.idx.msk [tilespmem:v29+s21+$0x0], $0xffff;
	_ =	sdelay $0x1  }
0x17c: {  	v27 =	vor.u32 v18, v27;
	_ =	sdelay $0x2  }
0x17d: {  	v29 =	vor.u32 $0x80, v25  }
0x17e: {  	s7 =	sadd.s32 $0x2, s7;
	[tilespmem:s11+$0x13460] =	vst v28;
	v28 =	vand.u32 $0x380, v29  }
0x17f: {  	v27 =	vld.idx.msk [tilespmem:v27+s21+$0x0], $0xffff;
	v28 =	vor.u32 s7, v28  }
0x180: {  	v26 =	vor.u32 v26, v28  }
0x181: {  	v28 =	vor.u32 v19, v26;
	_ =	sdelay $0x2  }
0x182: {  	v30 =	vshll.u32 v24, $0x7;
	v26 =	vand.u32 $0x800, v25  }
0x183: {  	v30 =	vand.u32 $0x380, v30;
	[tilespmem:s11+$0x13470] =	vst v27;
	v27 =	vor.u32 s6, v26;
	s6 =	smov.u32 s9  }
0x184: {  	v28 =	vld.idx.msk [tilespmem:v28+s21+$0x0], $0xffff;
	v27 =	vor.u32 v30, v27  }
0x185: {  	v29 =	vor.u32 s7, v29;
	v27 =	vor.u32 v20, v27  }
0x186: {  	v29 =	vor.u32 $0x61, v29  }
0x187: {  	v25 =	vor.u32 v22, v25  }
.Ltmp3:
0x188: {  	(pc) =	sbr.rel @p0 .LBB2_4-.Ltmp3, $4  }
0x189: {  	_ = 	snop  }
0x18a: {  	[tilespmem:v27+s29+$0x0] =	vst.idx.add.f32.msk $0xffff, v28  }
0x18b: {  	v31 =	vld.idx.msk [tilespmem:v29+s22+$0x0], $0xffff  }
0x18c: {  	s9 =	sadd.s32 $0x1, s9;
	v29 =	vmov s6;
	v32 =	vld.idx.msk [tilespmem:v25+s22+$0x0], $0xffff  }
0x18d: {  	v25 =	vshll.u32 v29, $0x8;
	v27 =	vshll.u32 v29, $0xB;
	v26 =	vadd.s32 v3, v26  }
0x18e: {  	v28 =	vand.u32 $0x6000, v27;
	v33 =	vand.u32 $0x300, v25;
	v26 =	vor.u32 v30, v26  }
0x18f: {  	v41 =	vor.u32 v33, v28;
	v26 =	vor.u32 v23, v26  }
0x190: {  	vm0 =	veq.s32 v24, v0;
	v34 =	vor.u32 v1, v41  }
0x191: {  	v24 =	vnsel vm0, $0x0, v31  }
0x192: {  	v24 =	vadd.f32 v24, v32;
	_ =	sdelay $0x1  }
0x193: {  	[tilespmem:v26+s29+$0x0] =	vst.idx.add.f32.msk $0xffff, v24  }
0x194: {  	v24 =	vld.idx.msk [tilespmem:v34+s21+$0x0], $0xffff  }
0x195: {  	v42 =	vor.u32 v4, v41  }
0x196: {  	s3 =	sadd.s32 $0x80, s3;
	s8 =	sadd.s32 $0x100, s8  }
0x197: {  	s8 =	sand.u32 $0x800, s8;
	s3 =	sand.u32 $0x380, s3  }
0x198: {  	s3 =	sor.u32 s3, s8  }
0x199: {  	[tilespmem:s3+$0x13000] =	vst v24  }
0x19a: {  	v24 =	vld.idx.msk [tilespmem:v42+s21+$0x0], $0xffff  }
0x19b: {  	v43 =	vor.u32 v5, v41;
	_ =	sdelay $0x3  }
0x19c: {  	[tilespmem:s3+$0x13010] =	vst v24  }
0x19d: {  	v24 =	vld.idx.msk [tilespmem:v43+s21+$0x0], $0xffff  }
0x19e: {  	v44 =	vor.u32 v6, v41;
	_ =	sdelay $0x3  }
0x19f: {  	[tilespmem:s3+$0x13020] =	vst v24  }
0x1a0: {  	v24 =	vld.idx.msk [tilespmem:v44+s21+$0x0], $0xffff  }
0x1a1: {  	v45 =	vor.u32 v7, v41;
	_ =	sdelay $0x3  }
0x1a2: {  	[tilespmem:s3+$0x13030] =	vst v24  }
0x1a3: {  	v24 =	vld.idx.msk [tilespmem:v45+s21+$0x0], $0xffff  }
0x1a4: {  	v46 =	vor.u32 v8, v41;
	_ =	sdelay $0x3  }
0x1a5: {  	[tilespmem:s3+$0x13040] =	vst v24  }
0x1a6: {  	v24 =	vld.idx.msk [tilespmem:v46+s21+$0x0], $0xffff  }
0x1a7: {  	v47 =	vor.u32 v9, v41;
	_ =	sdelay $0x3  }
0x1a8: {  	[tilespmem:s3+$0x13050] =	vst v24  }
0x1a9: {  	v24 =	vld.idx.msk [tilespmem:v47+s21+$0x0], $0xffff  }
0x1aa: {  	v48 =	vor.u32 v10, v41;
	_ =	sdelay $0x3  }
0x1ab: {  	[tilespmem:s3+$0x13060] =	vst v24  }
0x1ac: {  	v24 =	vld.idx.msk [tilespmem:v48+s21+$0x0], $0xffff  }
0x1ad: {  	v49 =	vor.u32 v11, v41;
	_ =	sdelay $0x3  }
0x1ae: {  	[tilespmem:s3+$0x13070] =	vst v24  }
0x1af: {  	v24 =	vld.idx.msk [tilespmem:v49+s21+$0x0], $0xffff  }
0x1b0: {  	v50 =	vor.u32 v12, v41;
	_ =	sdelay $0x3  }
0x1b1: {  	[tilespmem:s3+$0x13400] =	vst v24  }
0x1b2: {  	v24 =	vld.idx.msk [tilespmem:v50+s21+$0x0], $0xffff  }
0x1b3: {  	v51 =	vor.u32 v13, v41;
	_ =	sdelay $0x3  }
0x1b4: {  	[tilespmem:s3+$0x13410] =	vst v24  }
0x1b5: {  	v24 =	vld.idx.msk [tilespmem:v51+s21+$0x0], $0xffff  }
0x1b6: {  	v52 =	vor.u32 v14, v41;
	_ =	sdelay $0x3  }
0x1b7: {  	[tilespmem:s3+$0x13420] =	vst v24  }
0x1b8: {  	v53 =	vor.u32 v27, v33;
	v24 =	vld.idx.msk [tilespmem:v52+s21+$0x0], $0xffff  }
0x1b9: {  	v27 =	vor.u32 v15, v53;
	_ =	sdelay $0x3  }
0x1ba: {  	[tilespmem:s3+$0x13430] =	vst v24  }
0x1bb: {  	v24 =	vld.idx.msk [tilespmem:v27+s21+$0x0], $0xffff  }
0x1bc: {  	v54 =	vor.u32 v16, v53;
	_ =	sdelay $0x3  }
0x1bd: {  	[tilespmem:s3+$0x13440] =	vst v24  }
0x1be: {  	v24 =	vld.idx.msk [tilespmem:v54+s21+$0x0], $0xffff  }
0x1bf: {  	v55 =	vor.u32 v17, v53;
	_ =	sdelay $0x3  }
0x1c0: {  	[tilespmem:s3+$0x13450] =	vst v24  }
0x1c1: {  	v24 =	vld.idx.msk [tilespmem:v55+s21+$0x0], $0xffff  }
0x1c2: {  	v26 =	vor.u32 v18, v53;
	_ =	sdelay $0x1  }
0x1c3: {  	v56 =	vor.u32 $0x80, v25  }
0x1c4: {  	s7 =	sadd.s32 $0x2, s7;
	v57 =	vand.u32 $0x380, v56  }
0x1c5: {  	v58 =	vor.u32 s7, v57;
	[tilespmem:s3+$0x13460] =	vst v24  }
0x1c6: {  	v24 =	vor.u32 v28, v58;
	v26 =	vld.idx.msk [tilespmem:v26+s21+$0x0], $0xffff  }
0x1c7: {  	v24 =	vor.u32 v19, v24;
	_ =	sdelay $0x1  }
0x1c8: {  	v60 =	vshll.u32 v29, $0x7;
	v59 =	vand.u32 $0x800, v25  }
0x1c9: {  	v30 =	vand.u32 $0x380, v60;
	v61 =	vor.u32 s6, v59  }
0x1ca: {  	v62 =	vor.u32 v30, v61;
	[tilespmem:s3+$0x13470] =	vst v26  }
0x1cb: {  	v27 =	vor.u32 s7, v56;
	v26 =	vor.u32 v20, v62;
	v24 =	vld.idx.msk [tilespmem:v24+s21+$0x0], $0xffff  }
0x1cc: {  	v27 =	vor.u32 $0x61, v27  }
0x1cd: {  	v25 =	vor.u32 v22, v25;
	_ =	sdelay $0x2  }
0x1ce: {  	[tilespmem:v26+s29+$0x0] =	vst.idx.add.f32.msk $0xffff, v24  }
0x1cf: {  	v24 =	vld.idx.msk [tilespmem:v27+s22+$0x0], $0xffff  }
0x1d0: {  	v63 =	vadd.s32 v3, v59;
	v25 =	vld.idx.msk [tilespmem:v25+s22+$0x0], $0xffff  }
0x1d1: {  	v26 =	vor.u32 v30, v63  }
0x1d2: {  	v26 =	vor.u32 v23, v26  }
0x1d3: {  	vm15 =	veq.s32 v29, v0  }
0x1d4: {  	v24 =	vnsel vm15, $0x0, v24  }
0x1d5: {  	v24 =	vadd.f32 v24, v25;
	_ =	sdelay $0x1  }
0x1d6: {  	s13 =	rddreg [dreg:$0x9];
	[tilespmem:v26+s29+$0x0] =	vst.idx.add.f32.msk $0xffff, v24  }
0x1d7: {  	[hbm4b:s13+s2] =	stream.linear.scatter [tilespmem:s29], [sflag:$0x6], $0x1000, $0x38;
	[tilespmem:$0x14000] =	vst v63  }
0x1d8: {  	s14 =	rddreg [dreg:$0xa]  }
0x1d9: {  	[tilespmem:s21], [sflag:$0x2] =	stream.linear.gather [hbm4b:s14+s2], $0x8000, $0x38;
	[tilespmem:$0x14000] =	vst v63  }
0x1da: {  	s15 =	rddreg [dreg:$0xb];
	s3 =	simm.s32 $0x1  }
0x1db: {  	[tilespmem:s22], [sflag:$0x4] =	stream.strided.gather [hbm4b:s15+s18], $0x1000, s19, s18, $0x38;
	[tilespmem:$0x14000] =	vst v63  }
.LBB2_6:
0x1dc: {  	s8 =	simm.s32 $0x0  }
0x1dd: {  	_ =	swait.ge [sflag:s23], $0x8000;
	v24 =	vmov s8  }
0x1de: {  	[sflag:s23] =	ssyncset.done $0x0;
	v25 =	vshll.u32 v24, $0x8;
	v26 =	vshll.u32 v24, $0xB  }
0x1df: {  	[sflag:s23] =	ssyncadd.s32 $0xFFFF8000;
	v27 =	vand.u32 $0x6000, v26;
	v28 =	vand.u32 $0x300, v25  }
0x1e0: {  	_ =	swait.ge [sflag:s24], $0x1000;
	v29 =	vor.u32 v28, v27  }
0x1e1: {  	[sflag:s24] =	ssyncset.done $0x0;
	v30 =	vor.u32 v1, v29  }
0x1e2: {  	[sflag:s24] =	ssyncadd.s32 $0xFFFFF000  }
0x1e3: {  	_ =	swait.ge [sflag:s30], $0x1000  }
0x1e4: {  	[sflag:s30] =	ssyncset.done $0x0  }
0x1e5: {  	[sflag:s30] =	ssyncadd.s32 $0xFFFFF000  }
0x1e6: {  	v30 =	vld.idx.msk [tilespmem:v30+s2+$0x0], $0xffff  }
0x1e7: {  	v31 =	vor.u32 v4, v29;
	_ =	sdelay $0x1  }
0x1e8: {  	s6 =	sand.u32 $0x800, s8;
	s7 =	sand.u32 $0x380, s8  }
0x1e9: {  	s6 =	sor.u32 s7, s6  }
0x1ea: {  	[tilespmem:s6+$0x12000] =	vst v30  }
0x1eb: {  	v30 =	vld.idx.msk [tilespmem:v31+s2+$0x0], $0xffff  }
0x1ec: {  	v31 =	vor.u32 v5, v29;
	_ =	sdelay $0x3  }
0x1ed: {  	[tilespmem:s6+$0x12010] =	vst v30  }
0x1ee: {  	v30 =	vld.idx.msk [tilespmem:v31+s2+$0x0], $0xffff  }
0x1ef: {  	v31 =	vor.u32 v6, v29;
	_ =	sdelay $0x3  }
0x1f0: {  	[tilespmem:s6+$0x12020] =	vst v30  }
0x1f1: {  	v30 =	vld.idx.msk [tilespmem:v31+s2+$0x0], $0xffff  }
0x1f2: {  	v31 =	vor.u32 v7, v29;
	_ =	sdelay $0x3  }
0x1f3: {  	[tilespmem:s6+$0x12030] =	vst v30  }
0x1f4: {  	v30 =	vld.idx.msk [tilespmem:v31+s2+$0x0], $0xffff  }
0x1f5: {  	v31 =	vor.u32 v8, v29;
	_ =	sdelay $0x3  }
0x1f6: {  	[tilespmem:s6+$0x12040] =	vst v30  }
0x1f7: {  	v30 =	vld.idx.msk [tilespmem:v31+s2+$0x0], $0xffff  }
0x1f8: {  	v31 =	vor.u32 v9, v29;
	_ =	sdelay $0x3  }
0x1f9: {  	[tilespmem:s6+$0x12050] =	vst v30  }
0x1fa: {  	v30 =	vld.idx.msk [tilespmem:v31+s2+$0x0], $0xffff  }
0x1fb: {  	v31 =	vor.u32 v10, v29;
	_ =	sdelay $0x3  }
0x1fc: {  	[tilespmem:s6+$0x12060] =	vst v30  }
0x1fd: {  	v30 =	vld.idx.msk [tilespmem:v31+s2+$0x0], $0xffff  }
0x1fe: {  	v31 =	vor.u32 v11, v29;
	_ =	sdelay $0x3  }
0x1ff: {  	[tilespmem:s6+$0x12070] =	vst v30  }
0x200: {  	v30 =	vld.idx.msk [tilespmem:v31+s2+$0x0], $0xffff  }
0x201: {  	v31 =	vor.u32 v12, v29;
	_ =	sdelay $0x3  }
0x202: {  	[tilespmem:s6+$0x12400] =	vst v30  }
0x203: {  	v30 =	vld.idx.msk [tilespmem:v31+s2+$0x0], $0xffff  }
0x204: {  	v31 =	vor.u32 v13, v29;
	_ =	sdelay $0x3  }
0x205: {  	[tilespmem:s6+$0x12410] =	vst v30  }
0x206: {  	v30 =	vld.idx.msk [tilespmem:v31+s2+$0x0], $0xffff  }
0x207: {  	v29 =	vor.u32 v14, v29;
	_ =	sdelay $0x3  }
0x208: {  	[tilespmem:s6+$0x12420] =	vst v30  }
0x209: {  	v26 =	vor.u32 v26, v28;
	v29 =	vld.idx.msk [tilespmem:v29+s2+$0x0], $0xffff  }
0x20a: {  	v28 =	vor.u32 v15, v26;
	_ =	sdelay $0x3  }
0x20b: {  	[tilespmem:s6+$0x12430] =	vst v29  }
0x20c: {  	v28 =	vld.idx.msk [tilespmem:v28+s2+$0x0], $0xffff  }
0x20d: {  	v29 =	vor.u32 v16, v26;
	_ =	sdelay $0x3  }
0x20e: {  	[tilespmem:s6+$0x12440] =	vst v28  }
0x20f: {  	v28 =	vld.idx.msk [tilespmem:v29+s2+$0x0], $0xffff  }
0x210: {  	v29 =	vor.u32 v17, v26;
	_ =	sdelay $0x3  }
0x211: {  	[tilespmem:s6+$0x12450] =	vst v28  }
0x212: {  	v28 =	vld.idx.msk [tilespmem:v29+s2+$0x0], $0xffff  }
0x213: {  	v26 =	vor.u32 v18, v26;
	_ =	sdelay $0x1  }
0x214: {  	v29 =	vor.u32 $0x80, v25  }
0x215: {  	v30 =	vand.u32 $0x380, v29  }
0x216: {  	[tilespmem:s6+$0x12460] =	vst v28;
	v28 =	vor.u32 s8, v30  }
0x217: {  	v26 =	vld.idx.msk [tilespmem:v26+s2+$0x0], $0xffff;
	v27 =	vor.u32 v27, v28  }
0x218: {  	v27 =	vor.u32 v19, v27  }
0x219: {  	v28 =	vshll.u32 v24, $0x7  }
0x21a: {  	v32 =	vand.u32 $0x800, v25;
	v31 =	vand.u32 $0x380, v28  }
0x21b: {  	v28 =	vor.u32 v32, v31  }
0x21c: {  	[tilespmem:s6+$0x12470] =	vst v26;
	v26 =	vor.u32 s8, v28  }
0x21d: {  	s14 =	sshll.u32 s3, $0x1;
	v28 =	vor.u32 s8, v29;
	v27 =	vld.idx.msk [tilespmem:v27+s2+$0x0], $0xffff;
	v26 =	vor.u32 v20, v26  }
0x21e: {  	s6 =	sadd.s32 s16, s14;
	v28 =	vor.u32 $0x21, v28  }
0x21f: {  	v29 =	vor.u32 v21, v25;
	s15 =	sshll.u32 s6, $0x4  }
0x220: {  	s7 =	sand.u32 $0xE0, s15  }
0x221: {  	v25 =	vmov s7  }
0x222: {  	v30 =	vor.u32 s7, v0;
	v25 =	vshll.u32 v25, $0x3;
	[tilespmem:v26+s25+$0x0] =	vst.idx.add.f32.msk $0xffff, v27  }
0x223: {  	s9 =	simm.s32 $0x1;
	v25 =	vand.u32 $0x400, v25;
	v26 =	vand.u32 $0x6F, v30;
	v33 =	vld.idx.msk [tilespmem:v28+s20+$0x0], $0xffff  }
0x224: {  	s13 =	simm.s32 $0x2;
	s12 =	simm.s32 $0x0;
	s11 =	simm.s32 $0x0;
	v30 =	vmov s9;
	v25 =	vor.u32 v25, v26;
	v34 =	vld.idx.msk [tilespmem:v29+s20+$0x0], $0xffff  }
.LBB2_7:
0x225: {  	p0 =	sne.s32 s13, $0xF;
	v26 =	vshll.u32 v30, $0x8;
	v28 =	vshll.u32 v30, $0xB  }
0x226: {  	v32 =	vor.u32 v25, v32;
	v27 =	vand.u32 $0x6000, v28;
	v29 =	vand.u32 $0x300, v26  }
0x227: {  	v31 =	vor.u32 v31, v32;
	v35 =	vor.u32 v29, v27  }
0x228: {  	vm0 =	veq.s32 v24, v0;
	v24 =	vmov v30;
	v32 =	vor.u32 v1, v35  }
0x229: {  	v30 =	vnsel vm0, $0x0, v33  }
0x22a: {  	v30 =	vadd.f32 v30, v34;
	_ =	sdelay $0x1  }
0x22b: {  	[tilespmem:v31+s25+$0x0] =	vst.idx.add.f32.msk $0xffff, v30  }
0x22c: {  	v30 =	vld.idx.msk [tilespmem:v32+s2+$0x0], $0xffff;
	_ =	sdelay $0x1  }
0x22d: {  	v31 =	vor.u32 v4, v35  }
0x22e: {  	s8 =	sadd.s32 $0x80, s8;
	s12 =	sadd.s32 $0x100, s12  }
0x22f: {  	s14 =	sand.u32 $0x800, s12;
	s15 =	sand.u32 $0x380, s8  }
0x230: {  	s14 =	sor.u32 s15, s14  }
0x231: {  	[tilespmem:s14+$0x12000] =	vst v30  }
0x232: {  	v30 =	vld.idx.msk [tilespmem:v31+s2+$0x0], $0xffff;
	_ =	sdelay $0x1  }
0x233: {  	v31 =	vor.u32 v5, v35;
	_ =	sdelay $0x3  }
0x234: {  	[tilespmem:s14+$0x12010] =	vst v30  }
0x235: {  	v30 =	vld.idx.msk [tilespmem:v31+s2+$0x0], $0xffff;
	_ =	sdelay $0x1  }
0x236: {  	v31 =	vor.u32 v6, v35;
	_ =	sdelay $0x3  }
0x237: {  	[tilespmem:s14+$0x12020] =	vst v30  }
0x238: {  	v30 =	vld.idx.msk [tilespmem:v31+s2+$0x0], $0xffff;
	_ =	sdelay $0x1  }
0x239: {  	v31 =	vor.u32 v7, v35;
	_ =	sdelay $0x3  }
0x23a: {  	[tilespmem:s14+$0x12030] =	vst v30  }
0x23b: {  	v30 =	vld.idx.msk [tilespmem:v31+s2+$0x0], $0xffff;
	_ =	sdelay $0x1  }
0x23c: {  	v31 =	vor.u32 v8, v35;
	_ =	sdelay $0x3  }
0x23d: {  	[tilespmem:s14+$0x12040] =	vst v30  }
0x23e: {  	v30 =	vld.idx.msk [tilespmem:v31+s2+$0x0], $0xffff;
	_ =	sdelay $0x1  }
0x23f: {  	v31 =	vor.u32 v9, v35;
	_ =	sdelay $0x3  }
0x240: {  	[tilespmem:s14+$0x12050] =	vst v30  }
0x241: {  	v30 =	vld.idx.msk [tilespmem:v31+s2+$0x0], $0xffff;
	_ =	sdelay $0x1  }
0x242: {  	v31 =	vor.u32 v10, v35;
	_ =	sdelay $0x3  }
0x243: {  	[tilespmem:s14+$0x12060] =	vst v30  }
0x244: {  	v30 =	vld.idx.msk [tilespmem:v31+s2+$0x0], $0xffff;
	_ =	sdelay $0x1  }
0x245: {  	v31 =	vor.u32 v11, v35;
	_ =	sdelay $0x3  }
0x246: {  	[tilespmem:s14+$0x12070] =	vst v30  }
0x247: {  	v30 =	vld.idx.msk [tilespmem:v31+s2+$0x0], $0xffff;
	_ =	sdelay $0x1  }
0x248: {  	v31 =	vor.u32 v12, v35;
	_ =	sdelay $0x3  }
0x249: {  	[tilespmem:s14+$0x12400] =	vst v30  }
0x24a: {  	v30 =	vld.idx.msk [tilespmem:v31+s2+$0x0], $0xffff;
	_ =	sdelay $0x1  }
0x24b: {  	v31 =	vor.u32 v13, v35;
	_ =	sdelay $0x3  }
0x24c: {  	[tilespmem:s14+$0x12410] =	vst v30  }
0x24d: {  	v30 =	vld.idx.msk [tilespmem:v31+s2+$0x0], $0xffff;
	_ =	sdelay $0x1  }
0x24e: {  	v31 =	vor.u32 v14, v35;
	_ =	sdelay $0x3  }
0x24f: {  	[tilespmem:s14+$0x12420] =	vst v30  }
0x250: {  	v30 =	vld.idx.msk [tilespmem:v31+s2+$0x0], $0xffff  }
0x251: {  	v28 =	vor.u32 v28, v29  }
0x252: {  	v29 =	vor.u32 v15, v28;
	_ =	sdelay $0x3  }
0x253: {  	[tilespmem:s14+$0x12430] =	vst v30  }
0x254: {  	v29 =	vld.idx.msk [tilespmem:v29+s2+$0x0], $0xffff;
	_ =	sdelay $0x1  }
0x255: {  	v30 =	vor.u32 v16, v28;
	_ =	sdelay $0x3  }
0x256: {  	[tilespmem:s14+$0x12440] =	vst v29  }
0x257: {  	v29 =	vld.idx.msk [tilespmem:v30+s2+$0x0], $0xffff;
	_ =	sdelay $0x1  }
0x258: {  	v30 =	vor.u32 v17, v28;
	_ =	sdelay $0x3  }
0x259: {  	[tilespmem:s14+$0x12450] =	vst v29  }
0x25a: {  	v29 =	vld.idx.msk [tilespmem:v30+s2+$0x0], $0xffff;
	_ =	sdelay $0x1  }
0x25b: {  	v28 =	vor.u32 v18, v28;
	_ =	sdelay $0x2  }
0x25c: {  	v30 =	vor.u32 $0x80, v26  }
0x25d: {  	s11 =	sadd.s32 $0x2, s11;
	[tilespmem:s14+$0x12460] =	vst v29;
	v29 =	vand.u32 $0x380, v30  }
0x25e: {  	v28 =	vld.idx.msk [tilespmem:v28+s2+$0x0], $0xffff;
	v29 =	vor.u32 s11, v29  }
0x25f: {  	v27 =	vor.u32 v27, v29  }
0x260: {  	v27 =	vor.u32 v19, v27;
	_ =	sdelay $0x1  }
0x261: {  	v29 =	vshll.u32 v24, $0x7  }
0x262: {  	v32 =	vand.u32 $0x800, v26;
	v31 =	vand.u32 $0x380, v29  }
0x263: {  	[tilespmem:s14+$0x12470] =	vst v28;
	v28 =	vor.u32 v32, v31  }
0x264: {  	v27 =	vld.idx.msk [tilespmem:v27+s2+$0x0], $0xffff;
	v28 =	vor.u32 s9, v28;
	s9 =	smov.u32 s13  }
0x265: {  	v29 =	vor.u32 s11, v30;
	v28 =	vor.u32 v20, v28  }
0x266: {  	v29 =	vor.u32 $0x21, v29  }
0x267: {  	v26 =	vor.u32 v21, v26  }
.Ltmp4:
0x268: {  	(pc) =	sbr.rel @p0 .LBB2_7-.Ltmp4, $4  }
0x269: {  	_ = 	snop  }
0x26a: {  	[tilespmem:v28+s25+$0x0] =	vst.idx.add.f32.msk $0xffff, v27  }
0x26b: {  	v33 =	vld.idx.msk [tilespmem:v29+s20+$0x0], $0xffff  }
0x26c: {  	s13 =	sadd.s32 $0x1, s13;
	v30 =	vmov s9;
	v34 =	vld.idx.msk [tilespmem:v26+s20+$0x0], $0xffff  }
0x26d: {  	v26 =	vshll.u32 v30, $0x8;
	v27 =	vshll.u32 v30, $0xB  }
0x26e: {  	v32 =	vor.u32 v25, v32;
	v28 =	vand.u32 $0x6000, v27;
	v29 =	vand.u32 $0x300, v26  }
0x26f: {  	v31 =	vor.u32 v31, v32;
	v35 =	vor.u32 v29, v28  }
0x270: {  	vm0 =	veq.s32 v24, v0;
	v62 =	vor.u32 v1, v35  }
0x271: {  	v24 =	vnsel vm0, $0x0, v33  }
0x272: {  	v24 =	vadd.f32 v24, v34;
	_ =	sdelay $0x1  }
0x273: {  	[tilespmem:v31+s25+$0x0] =	vst.idx.add.f32.msk $0xffff, v24  }
0x274: {  	v24 =	vld.idx.msk [tilespmem:v62+s2+$0x0], $0xffff  }
0x275: {  	v31 =	vor.u32 v4, v35  }
0x276: {  	s8 =	sadd.s32 $0x80, s8;
	s12 =	sadd.s32 $0x100, s12  }
0x277: {  	s12 =	sand.u32 $0x800, s12;
	s8 =	sand.u32 $0x380, s8  }
0x278: {  	s8 =	sor.u32 s8, s12  }
0x279: {  	[tilespmem:s8+$0x12000] =	vst v24  }
0x27a: {  	v24 =	vld.idx.msk [tilespmem:v31+s2+$0x0], $0xffff  }
0x27b: {  	v31 =	vor.u32 v5, v35;
	_ =	sdelay $0x3  }
0x27c: {  	[tilespmem:s8+$0x12010] =	vst v24  }
0x27d: {  	v24 =	vld.idx.msk [tilespmem:v31+s2+$0x0], $0xffff  }
0x27e: {  	v31 =	vor.u32 v6, v35;
	_ =	sdelay $0x3  }
0x27f: {  	[tilespmem:s8+$0x12020] =	vst v24  }
0x280: {  	v24 =	vld.idx.msk [tilespmem:v31+s2+$0x0], $0xffff  }
0x281: {  	v31 =	vor.u32 v7, v35;
	_ =	sdelay $0x3  }
0x282: {  	[tilespmem:s8+$0x12030] =	vst v24  }
0x283: {  	v24 =	vld.idx.msk [tilespmem:v31+s2+$0x0], $0xffff  }
0x284: {  	v31 =	vor.u32 v8, v35;
	_ =	sdelay $0x3  }
0x285: {  	[tilespmem:s8+$0x12040] =	vst v24  }
0x286: {  	v24 =	vld.idx.msk [tilespmem:v31+s2+$0x0], $0xffff  }
0x287: {  	v31 =	vor.u32 v9, v35;
	_ =	sdelay $0x3  }
0x288: {  	[tilespmem:s8+$0x12050] =	vst v24  }
0x289: {  	v24 =	vld.idx.msk [tilespmem:v31+s2+$0x0], $0xffff  }
0x28a: {  	v31 =	vor.u32 v10, v35;
	_ =	sdelay $0x3  }
0x28b: {  	[tilespmem:s8+$0x12060] =	vst v24  }
0x28c: {  	v24 =	vld.idx.msk [tilespmem:v31+s2+$0x0], $0xffff  }
0x28d: {  	v31 =	vor.u32 v11, v35;
	_ =	sdelay $0x3  }
0x28e: {  	[tilespmem:s8+$0x12070] =	vst v24  }
0x28f: {  	v24 =	vld.idx.msk [tilespmem:v31+s2+$0x0], $0xffff  }
0x290: {  	v31 =	vor.u32 v12, v35;
	_ =	sdelay $0x3  }
0x291: {  	[tilespmem:s8+$0x12400] =	vst v24  }
0x292: {  	v24 =	vld.idx.msk [tilespmem:v31+s2+$0x0], $0xffff  }
0x293: {  	v31 =	vor.u32 v13, v35;
	_ =	sdelay $0x3  }
0x294: {  	[tilespmem:s8+$0x12410] =	vst v24  }
0x295: {  	v24 =	vld.idx.msk [tilespmem:v31+s2+$0x0], $0xffff  }
0x296: {  	v31 =	vor.u32 v14, v35;
	_ =	sdelay $0x3  }
0x297: {  	[tilespmem:s8+$0x12420] =	vst v24  }
0x298: {  	v27 =	vor.u32 v27, v29;
	v24 =	vld.idx.msk [tilespmem:v31+s2+$0x0], $0xffff  }
0x299: {  	v29 =	vor.u32 v15, v27;
	_ =	sdelay $0x3  }
0x29a: {  	[tilespmem:s8+$0x12430] =	vst v24  }
0x29b: {  	v24 =	vld.idx.msk [tilespmem:v29+s2+$0x0], $0xffff  }
0x29c: {  	v29 =	vor.u32 v16, v27;
	_ =	sdelay $0x3  }
0x29d: {  	[tilespmem:s8+$0x12440] =	vst v24  }
0x29e: {  	v24 =	vld.idx.msk [tilespmem:v29+s2+$0x0], $0xffff  }
0x29f: {  	v29 =	vor.u32 v17, v27;
	_ =	sdelay $0x3  }
0x2a0: {  	[tilespmem:s8+$0x12450] =	vst v24  }
0x2a1: {  	v24 =	vld.idx.msk [tilespmem:v29+s2+$0x0], $0xffff  }
0x2a2: {  	v27 =	vor.u32 v18, v27;
	_ =	sdelay $0x1  }
0x2a3: {  	v29 =	vor.u32 $0x80, v26  }
0x2a4: {  	s11 =	sadd.s32 $0x2, s11;
	v31 =	vand.u32 $0x380, v29  }
0x2a5: {  	[tilespmem:s8+$0x12460] =	vst v24;
	v24 =	vor.u32 s11, v31  }
0x2a6: {  	v27 =	vld.idx.msk [tilespmem:v27+s2+$0x0], $0xffff;
	v24 =	vor.u32 v28, v24  }
0x2a7: {  	v24 =	vor.u32 v19, v24  }
0x2a8: {  	v28 =	vshll.u32 v30, $0x7  }
0x2a9: {  	v31 =	vand.u32 $0x800, v26;
	v28 =	vand.u32 $0x380, v28  }
0x2aa: {  	v63 =	vor.u32 v31, v28  }
0x2ab: {  	[tilespmem:s8+$0x12470] =	vst v27;
	v27 =	vor.u32 s9, v63  }
0x2ac: {  	v29 =	vor.u32 s11, v29;
	v24 =	vld.idx.msk [tilespmem:v24+s2+$0x0], $0xffff;
	v27 =	vor.u32 v20, v27  }
0x2ad: {  	v29 =	vor.u32 $0x21, v29  }
0x2ae: {  	v26 =	vor.u32 v21, v26;
	_ =	sdelay $0x2  }
0x2af: {  	[tilespmem:v27+s25+$0x0] =	vst.idx.add.f32.msk $0xffff, v24  }
0x2b0: {  	v24 =	vld.idx.msk [tilespmem:v29+s20+$0x0], $0xffff  }
0x2b1: {  	v26 =	vld.idx.msk [tilespmem:v26+s20+$0x0], $0xffff  }
0x2b2: {  	v25 =	vor.u32 v25, v31  }
0x2b3: {  	v25 =	vor.u32 v28, v25  }
0x2b4: {  	vm15 =	veq.s32 v30, v0  }
0x2b5: {  	v24 =	vnsel vm15, $0x0, v24  }
0x2b6: {  	v24 =	vadd.f32 v24, v26  }
0x2b7: {  	s13 =	sshll.u32 s7, $0x5  }
0x2b8: {  	p0 =	seq.s32 s3, $0x3;
	s8 =	sadd.s32 s13, s10;
	[tilespmem:v25+s25+$0x0] =	vst.idx.add.f32.msk $0xffff, v24  }
0x2b9: {  	[hbm4b:s8+s2] =	stream.linear.scatter [tilespmem:s25], [sflag:$0x5], $0x1000, $0x38;
	[tilespmem:$0x14000] =	vst v63  }
0x2ba: {  	s8 =	sadd.s32 @!p0 $0x2, s6  }
0x2bb: {  	s9 =	sshll.u32 @!p0 s8, $0x6  }
0x2bc: {  	s8 =	sshll.u32 @!p0 s8, $0x10;
	s9 =	sand.u32 @!p0 $0x380, s9  }
0x2bd: {  	s8 =	sand.u32 @!p0 $0x7FF00000, s8;
	s11 =	sshll.u32 @!p0 s9, $0xA;
	s9 =	smul.u32 @!p0 $0x408, s9  }
0x2be: {  	s11 =	sor.u32 @!p0 s8, s11  }
0x2bf: {  	s12 =	simm.s32 @!p0 $0x0;
	s11 =	sshrl.u32 @!p0 s11, $0x3;
	s8 =	sor.u32 @!p0 s8, s9  }
0x2c0: {  	s9 =	simm.s32 @!p0 $0x400;
	s11 =	sadd.s32 @!p0 s0, s11;
	s8 =	sshrl.u32 @!p0 s8, $0x3  }
0x2c1: {  	[tilespmem:s12], [sflag:$0x1] =	stream.linear.gather @!p0 [hbm4b:s11+s12], $0x8000, $0x38;
	[tilespmem:$0x14000] =	vst v63  }
0x2c2: {  	s8 =	sadd.s32 @!p0 s8, s5;
	s11 =	simm.s32 @!p0 $0x2000;
	s12 =	simm.s32 @!p0 $0x10000  }
0x2c3: {  	[tilespmem:s12], [sflag:$0x3] =	stream.strided.gather @!p0 [hbm4b:s8+s9], $0x1000, s11, s9, $0x38;
	[tilespmem:$0x14000] =	vst v63  }
0x2c4: {  	s8 =	simm.s32 $0x0  }
0x2c5: {  	_ =	swait.ge [sflag:s26], $0x8000;
	v24 =	vmov s8  }
0x2c6: {  	[sflag:s26] =	ssyncset.done $0x0;
	v25 =	vshll.u32 v24, $0x8;
	v26 =	vshll.u32 v24, $0xB  }
0x2c7: {  	[sflag:s26] =	ssyncadd.s32 $0xFFFF8000;
	v27 =	vand.u32 $0x6000, v26;
	v28 =	vand.u32 $0x300, v25  }
0x2c8: {  	_ =	swait.ge [sflag:s28], $0x1000;
	v29 =	vor.u32 v28, v27  }
0x2c9: {  	[sflag:s28] =	ssyncset.done $0x0;
	v30 =	vor.u32 v1, v29  }
0x2ca: {  	[sflag:s28] =	ssyncadd.s32 $0xFFFFF000  }
0x2cb: {  	_ =	swait.ge [sflag:s31], $0x1000  }
0x2cc: {  	[sflag:s31] =	ssyncset.done $0x0  }
0x2cd: {  	[sflag:s31] =	ssyncadd.s32 $0xFFFFF000  }
0x2ce: {  	v30 =	vld.idx.msk [tilespmem:v30+s21+$0x0], $0xffff  }
0x2cf: {  	v31 =	vor.u32 v4, v29;
	_ =	sdelay $0x1  }
0x2d0: {  	s14 =	sand.u32 $0x800, s8;
	s15 =	sand.u32 $0x380, s8  }
0x2d1: {  	s9 =	sor.u32 s15, s14  }
0x2d2: {  	[tilespmem:s9+$0x13000] =	vst v30  }
0x2d3: {  	v30 =	vld.idx.msk [tilespmem:v31+s21+$0x0], $0xffff  }
0x2d4: {  	v31 =	vor.u32 v5, v29;
	_ =	sdelay $0x3  }
0x2d5: {  	[tilespmem:s9+$0x13010] =	vst v30  }
0x2d6: {  	v30 =	vld.idx.msk [tilespmem:v31+s21+$0x0], $0xffff  }
0x2d7: {  	v31 =	vor.u32 v6, v29;
	_ =	sdelay $0x3  }
0x2d8: {  	[tilespmem:s9+$0x13020] =	vst v30  }
0x2d9: {  	v30 =	vld.idx.msk [tilespmem:v31+s21+$0x0], $0xffff  }
0x2da: {  	v31 =	vor.u32 v7, v29;
	_ =	sdelay $0x3  }
0x2db: {  	[tilespmem:s9+$0x13030] =	vst v30  }
0x2dc: {  	v30 =	vld.idx.msk [tilespmem:v31+s21+$0x0], $0xffff  }
0x2dd: {  	v31 =	vor.u32 v8, v29;
	_ =	sdelay $0x3  }
0x2de: {  	[tilespmem:s9+$0x13040] =	vst v30  }
0x2df: {  	v30 =	vld.idx.msk [tilespmem:v31+s21+$0x0], $0xffff  }
0x2e0: {  	v31 =	vor.u32 v9, v29;
	_ =	sdelay $0x3  }
0x2e1: {  	[tilespmem:s9+$0x13050] =	vst v30  }
0x2e2: {  	v30 =	vld.idx.msk [tilespmem:v31+s21+$0x0], $0xffff  }
0x2e3: {  	v31 =	vor.u32 v10, v29;
	_ =	sdelay $0x3  }
0x2e4: {  	[tilespmem:s9+$0x13060] =	vst v30  }
0x2e5: {  	v30 =	vld.idx.msk [tilespmem:v31+s21+$0x0], $0xffff  }
0x2e6: {  	v31 =	vor.u32 v11, v29;
	_ =	sdelay $0x3  }
0x2e7: {  	[tilespmem:s9+$0x13070] =	vst v30  }
0x2e8: {  	v30 =	vld.idx.msk [tilespmem:v31+s21+$0x0], $0xffff  }
0x2e9: {  	v31 =	vor.u32 v12, v29;
	_ =	sdelay $0x3  }
0x2ea: {  	[tilespmem:s9+$0x13400] =	vst v30  }
0x2eb: {  	v30 =	vld.idx.msk [tilespmem:v31+s21+$0x0], $0xffff  }
0x2ec: {  	v31 =	vor.u32 v13, v29;
	_ =	sdelay $0x3  }
0x2ed: {  	[tilespmem:s9+$0x13410] =	vst v30  }
0x2ee: {  	v30 =	vld.idx.msk [tilespmem:v31+s21+$0x0], $0xffff  }
0x2ef: {  	v29 =	vor.u32 v14, v29;
	_ =	sdelay $0x3  }
0x2f0: {  	[tilespmem:s9+$0x13420] =	vst v30  }
0x2f1: {  	v26 =	vor.u32 v26, v28;
	v29 =	vld.idx.msk [tilespmem:v29+s21+$0x0], $0xffff  }
0x2f2: {  	v28 =	vor.u32 v15, v26;
	_ =	sdelay $0x3  }
0x2f3: {  	[tilespmem:s9+$0x13430] =	vst v29  }
0x2f4: {  	v28 =	vld.idx.msk [tilespmem:v28+s21+$0x0], $0xffff  }
0x2f5: {  	v29 =	vor.u32 v16, v26;
	_ =	sdelay $0x3  }
0x2f6: {  	[tilespmem:s9+$0x13440] =	vst v28  }
0x2f7: {  	v28 =	vld.idx.msk [tilespmem:v29+s21+$0x0], $0xffff  }
0x2f8: {  	v29 =	vor.u32 v17, v26;
	_ =	sdelay $0x3  }
0x2f9: {  	[tilespmem:s9+$0x13450] =	vst v28  }
0x2fa: {  	v28 =	vld.idx.msk [tilespmem:v29+s21+$0x0], $0xffff  }
0x2fb: {  	v26 =	vor.u32 v18, v26;
	_ =	sdelay $0x1  }
0x2fc: {  	v29 =	vor.u32 $0x80, v25  }
0x2fd: {  	v30 =	vand.u32 $0x380, v29  }
0x2fe: {  	[tilespmem:s9+$0x13460] =	vst v28;
	v28 =	vor.u32 s8, v30  }
0x2ff: {  	v26 =	vld.idx.msk [tilespmem:v26+s21+$0x0], $0xffff;
	v27 =	vor.u32 v27, v28  }
0x300: {  	v27 =	vor.u32 v19, v27  }
0x301: {  	v28 =	vshll.u32 v24, $0x7  }
0x302: {  	v32 =	vand.u32 $0x800, v25;
	v31 =	vand.u32 $0x380, v28  }
0x303: {  	v28 =	vor.u32 v32, v31  }
0x304: {  	[tilespmem:s9+$0x13470] =	vst v26;
	v26 =	vor.u32 s8, v28  }
0x305: {  	v28 =	vor.u32 s8, v29;
	v27 =	vld.idx.msk [tilespmem:v27+s21+$0x0], $0xffff;
	v26 =	vor.u32 v20, v26  }
0x306: {  	v28 =	vor.u32 $0x61, v28  }
0x307: {  	v29 =	vor.u32 v22, v25  }
0x308: {  	s7 =	sor.u32 $0x10, s7  }
0x309: {  	v25 =	vmov s7  }
0x30a: {  	v30 =	vor.u32 s7, v0;
	v25 =	vshll.u32 v25, $0x3;
	[tilespmem:v26+s29+$0x0] =	vst.idx.add.f32.msk $0xffff, v27  }
0x30b: {  	s9 =	simm.s32 $0x1;
	v25 =	vand.u32 $0x400, v25;
	v26 =	vand.u32 $0x7F, v30;
	v33 =	vld.idx.msk [tilespmem:v28+s22+$0x0], $0xffff  }
0x30c: {  	s13 =	simm.s32 $0x2;
	s12 =	simm.s32 $0x0;
	s11 =	simm.s32 $0x0;
	v30 =	vmov s9;
	v25 =	vor.u32 v25, v26;
	v34 =	vld.idx.msk [tilespmem:v29+s22+$0x0], $0xffff  }
.LBB2_9:
0x30d: {  	p1 =	sne.s32 s13, $0xF;
	v26 =	vshll.u32 v30, $0x8;
	v28 =	vshll.u32 v30, $0xB  }
0x30e: {  	v32 =	vor.u32 v25, v32;
	v27 =	vand.u32 $0x6000, v28;
	v29 =	vand.u32 $0x300, v26  }
0x30f: {  	v31 =	vor.u32 v31, v32;
	v35 =	vor.u32 v29, v27  }
0x310: {  	vm0 =	veq.s32 v24, v0;
	v24 =	vmov v30;
	v32 =	vor.u32 v1, v35  }
0x311: {  	v30 =	vnsel vm0, $0x0, v33  }
0x312: {  	v30 =	vadd.f32 v30, v34;
	_ =	sdelay $0x1  }
0x313: {  	[tilespmem:v31+s29+$0x0] =	vst.idx.add.f32.msk $0xffff, v30  }
0x314: {  	v30 =	vld.idx.msk [tilespmem:v32+s21+$0x0], $0xffff;
	_ =	sdelay $0x1  }
0x315: {  	v31 =	vor.u32 v4, v35  }
0x316: {  	s8 =	sadd.s32 $0x80, s8;
	s12 =	sadd.s32 $0x100, s12  }
0x317: {  	s14 =	sand.u32 $0x800, s12;
	s15 =	sand.u32 $0x380, s8  }
0x318: {  	s14 =	sor.u32 s15, s14  }
0x319: {  	[tilespmem:s14+$0x13000] =	vst v30  }
0x31a: {  	v30 =	vld.idx.msk [tilespmem:v31+s21+$0x0], $0xffff;
	_ =	sdelay $0x1  }
0x31b: {  	v31 =	vor.u32 v5, v35;
	_ =	sdelay $0x3  }
0x31c: {  	[tilespmem:s14+$0x13010] =	vst v30  }
0x31d: {  	v30 =	vld.idx.msk [tilespmem:v31+s21+$0x0], $0xffff;
	_ =	sdelay $0x1  }
0x31e: {  	v31 =	vor.u32 v6, v35;
	_ =	sdelay $0x3  }
0x31f: {  	[tilespmem:s14+$0x13020] =	vst v30  }
0x320: {  	v30 =	vld.idx.msk [tilespmem:v31+s21+$0x0], $0xffff;
	_ =	sdelay $0x1  }
0x321: {  	v31 =	vor.u32 v7, v35;
	_ =	sdelay $0x3  }
0x322: {  	[tilespmem:s14+$0x13030] =	vst v30  }
0x323: {  	v30 =	vld.idx.msk [tilespmem:v31+s21+$0x0], $0xffff;
	_ =	sdelay $0x1  }
0x324: {  	v31 =	vor.u32 v8, v35;
	_ =	sdelay $0x3  }
0x325: {  	[tilespmem:s14+$0x13040] =	vst v30  }
0x326: {  	v30 =	vld.idx.msk [tilespmem:v31+s21+$0x0], $0xffff;
	_ =	sdelay $0x1  }
0x327: {  	v31 =	vor.u32 v9, v35;
	_ =	sdelay $0x3  }
0x328: {  	[tilespmem:s14+$0x13050] =	vst v30  }
0x329: {  	v30 =	vld.idx.msk [tilespmem:v31+s21+$0x0], $0xffff;
	_ =	sdelay $0x1  }
0x32a: {  	v31 =	vor.u32 v10, v35;
	_ =	sdelay $0x3  }
0x32b: {  	[tilespmem:s14+$0x13060] =	vst v30  }
0x32c: {  	v30 =	vld.idx.msk [tilespmem:v31+s21+$0x0], $0xffff;
	_ =	sdelay $0x1  }
0x32d: {  	v31 =	vor.u32 v11, v35;
	_ =	sdelay $0x3  }
0x32e: {  	[tilespmem:s14+$0x13070] =	vst v30  }
0x32f: {  	v30 =	vld.idx.msk [tilespmem:v31+s21+$0x0], $0xffff;
	_ =	sdelay $0x1  }
0x330: {  	v31 =	vor.u32 v12, v35;
	_ =	sdelay $0x3  }
0x331: {  	[tilespmem:s14+$0x13400] =	vst v30  }
0x332: {  	v30 =	vld.idx.msk [tilespmem:v31+s21+$0x0], $0xffff;
	_ =	sdelay $0x1  }
0x333: {  	v31 =	vor.u32 v13, v35;
	_ =	sdelay $0x3  }
0x334: {  	[tilespmem:s14+$0x13410] =	vst v30  }
0x335: {  	v30 =	vld.idx.msk [tilespmem:v31+s21+$0x0], $0xffff;
	_ =	sdelay $0x1  }
0x336: {  	v31 =	vor.u32 v14, v35;
	_ =	sdelay $0x3  }
0x337: {  	[tilespmem:s14+$0x13420] =	vst v30  }
0x338: {  	v30 =	vld.idx.msk [tilespmem:v31+s21+$0x0], $0xffff  }
0x339: {  	v28 =	vor.u32 v28, v29  }
0x33a: {  	v29 =	vor.u32 v15, v28;
	_ =	sdelay $0x3  }
0x33b: {  	[tilespmem:s14+$0x13430] =	vst v30  }
0x33c: {  	v29 =	vld.idx.msk [tilespmem:v29+s21+$0x0], $0xffff;
	_ =	sdelay $0x1  }
0x33d: {  	v30 =	vor.u32 v16, v28;
	_ =	sdelay $0x3  }
0x33e: {  	[tilespmem:s14+$0x13440] =	vst v29  }
0x33f: {  	v29 =	vld.idx.msk [tilespmem:v30+s21+$0x0], $0xffff;
	_ =	sdelay $0x1  }
0x340: {  	v30 =	vor.u32 v17, v28;
	_ =	sdelay $0x3  }
0x341: {  	[tilespmem:s14+$0x13450] =	vst v29  }
0x342: {  	v29 =	vld.idx.msk [tilespmem:v30+s21+$0x0], $0xffff;
	_ =	sdelay $0x1  }
0x343: {  	v28 =	vor.u32 v18, v28;
	_ =	sdelay $0x2  }
0x344: {  	v30 =	vor.u32 $0x80, v26  }
0x345: {  	s11 =	sadd.s32 $0x2, s11;
	[tilespmem:s14+$0x13460] =	vst v29;
	v29 =	vand.u32 $0x380, v30  }
0x346: {  	v28 =	vld.idx.msk [tilespmem:v28+s21+$0x0], $0xffff;
	v29 =	vor.u32 s11, v29  }
0x347: {  	v27 =	vor.u32 v27, v29  }
0x348: {  	v27 =	vor.u32 v19, v27;
	_ =	sdelay $0x1  }
0x349: {  	v29 =	vshll.u32 v24, $0x7  }
0x34a: {  	v32 =	vand.u32 $0x800, v26;
	v31 =	vand.u32 $0x380, v29  }
0x34b: {  	[tilespmem:s14+$0x13470] =	vst v28;
	v28 =	vor.u32 v32, v31  }
0x34c: {  	v27 =	vld.idx.msk [tilespmem:v27+s21+$0x0], $0xffff;
	v28 =	vor.u32 s9, v28;
	s9 =	smov.u32 s13  }
0x34d: {  	v29 =	vor.u32 s11, v30;
	v28 =	vor.u32 v20, v28  }
0x34e: {  	v29 =	vor.u32 $0x61, v29  }
0x34f: {  	v26 =	vor.u32 v22, v26  }
.Ltmp5:
0x350: {  	(pc) =	sbr.rel @p1 .LBB2_9-.Ltmp5, $4  }
0x351: {  	_ = 	snop  }
0x352: {  	[tilespmem:v28+s29+$0x0] =	vst.idx.add.f32.msk $0xffff, v27  }
0x353: {  	v33 =	vld.idx.msk [tilespmem:v29+s22+$0x0], $0xffff  }
0x354: {  	s13 =	sadd.s32 $0x1, s13;
	v30 =	vmov s9;
	v34 =	vld.idx.msk [tilespmem:v26+s22+$0x0], $0xffff  }
0x355: {  	v26 =	vshll.u32 v30, $0x8;
	v27 =	vshll.u32 v30, $0xB  }
0x356: {  	v32 =	vor.u32 v25, v32;
	v28 =	vand.u32 $0x6000, v27;
	v29 =	vand.u32 $0x300, v26  }
0x357: {  	v31 =	vor.u32 v31, v32;
	v35 =	vor.u32 v29, v28  }
0x358: {  	vm0 =	veq.s32 v24, v0;
	v42 =	vor.u32 v1, v35  }
0x359: {  	v24 =	vnsel vm0, $0x0, v33  }
0x35a: {  	v24 =	vadd.f32 v24, v34;
	_ =	sdelay $0x1  }
0x35b: {  	[tilespmem:v31+s29+$0x0] =	vst.idx.add.f32.msk $0xffff, v24  }
0x35c: {  	v24 =	vld.idx.msk [tilespmem:v42+s21+$0x0], $0xffff  }
0x35d: {  	v43 =	vor.u32 v4, v35  }
0x35e: {  	s8 =	sadd.s32 $0x80, s8;
	s12 =	sadd.s32 $0x100, s12  }
0x35f: {  	s12 =	sand.u32 $0x800, s12;
	s8 =	sand.u32 $0x380, s8  }
0x360: {  	s8 =	sor.u32 s8, s12  }
0x361: {  	[tilespmem:s8+$0x13000] =	vst v24  }
0x362: {  	v24 =	vld.idx.msk [tilespmem:v43+s21+$0x0], $0xffff  }
0x363: {  	v44 =	vor.u32 v5, v35;
	_ =	sdelay $0x3  }
0x364: {  	[tilespmem:s8+$0x13010] =	vst v24  }
0x365: {  	v24 =	vld.idx.msk [tilespmem:v44+s21+$0x0], $0xffff  }
0x366: {  	v45 =	vor.u32 v6, v35;
	_ =	sdelay $0x3  }
0x367: {  	[tilespmem:s8+$0x13020] =	vst v24  }
0x368: {  	v24 =	vld.idx.msk [tilespmem:v45+s21+$0x0], $0xffff  }
0x369: {  	v46 =	vor.u32 v7, v35;
	_ =	sdelay $0x3  }
0x36a: {  	[tilespmem:s8+$0x13030] =	vst v24  }
0x36b: {  	v24 =	vld.idx.msk [tilespmem:v46+s21+$0x0], $0xffff  }
0x36c: {  	v47 =	vor.u32 v8, v35;
	_ =	sdelay $0x3  }
0x36d: {  	[tilespmem:s8+$0x13040] =	vst v24  }
0x36e: {  	v24 =	vld.idx.msk [tilespmem:v47+s21+$0x0], $0xffff  }
0x36f: {  	v48 =	vor.u32 v9, v35;
	_ =	sdelay $0x3  }
0x370: {  	[tilespmem:s8+$0x13050] =	vst v24  }
0x371: {  	v24 =	vld.idx.msk [tilespmem:v48+s21+$0x0], $0xffff  }
0x372: {  	v49 =	vor.u32 v10, v35;
	_ =	sdelay $0x3  }
0x373: {  	[tilespmem:s8+$0x13060] =	vst v24  }
0x374: {  	v24 =	vld.idx.msk [tilespmem:v49+s21+$0x0], $0xffff  }
0x375: {  	v50 =	vor.u32 v11, v35;
	_ =	sdelay $0x3  }
0x376: {  	[tilespmem:s8+$0x13070] =	vst v24  }
0x377: {  	v24 =	vld.idx.msk [tilespmem:v50+s21+$0x0], $0xffff  }
0x378: {  	v51 =	vor.u32 v12, v35;
	_ =	sdelay $0x3  }
0x379: {  	[tilespmem:s8+$0x13400] =	vst v24  }
0x37a: {  	v24 =	vld.idx.msk [tilespmem:v51+s21+$0x0], $0xffff  }
0x37b: {  	v52 =	vor.u32 v13, v35;
	_ =	sdelay $0x3  }
0x37c: {  	[tilespmem:s8+$0x13410] =	vst v24  }
0x37d: {  	v24 =	vld.idx.msk [tilespmem:v52+s21+$0x0], $0xffff  }
0x37e: {  	v53 =	vor.u32 v14, v35;
	_ =	sdelay $0x3  }
0x37f: {  	[tilespmem:s8+$0x13420] =	vst v24  }
0x380: {  	v27 =	vor.u32 v27, v29;
	v24 =	vld.idx.msk [tilespmem:v53+s21+$0x0], $0xffff  }
0x381: {  	v29 =	vor.u32 v15, v27;
	_ =	sdelay $0x3  }
0x382: {  	[tilespmem:s8+$0x13430] =	vst v24  }
0x383: {  	v24 =	vld.idx.msk [tilespmem:v29+s21+$0x0], $0xffff  }
0x384: {  	v54 =	vor.u32 v16, v27;
	_ =	sdelay $0x3  }
0x385: {  	[tilespmem:s8+$0x13440] =	vst v24  }
0x386: {  	v24 =	vld.idx.msk [tilespmem:v54+s21+$0x0], $0xffff  }
0x387: {  	v55 =	vor.u32 v17, v27;
	_ =	sdelay $0x3  }
0x388: {  	[tilespmem:s8+$0x13450] =	vst v24  }
0x389: {  	v24 =	vld.idx.msk [tilespmem:v55+s21+$0x0], $0xffff  }
0x38a: {  	v27 =	vor.u32 v18, v27;
	_ =	sdelay $0x1  }
0x38b: {  	v56 =	vor.u32 $0x80, v26  }
0x38c: {  	s11 =	sadd.s32 $0x2, s11;
	v57 =	vand.u32 $0x380, v56  }
0x38d: {  	v58 =	vor.u32 s11, v57;
	[tilespmem:s8+$0x13460] =	vst v24  }
0x38e: {  	v24 =	vor.u32 v28, v58;
	v27 =	vld.idx.msk [tilespmem:v27+s21+$0x0], $0xffff  }
0x38f: {  	v24 =	vor.u32 v19, v24  }
0x390: {  	v59 =	vshll.u32 v30, $0x7  }
0x391: {  	v60 =	vand.u32 $0x800, v26;
	v28 =	vand.u32 $0x380, v59  }
0x392: {  	v61 =	vor.u32 v60, v28  }
0x393: {  	v62 =	vor.u32 s9, v61;
	[tilespmem:s8+$0x13470] =	vst v27  }
0x394: {  	v29 =	vor.u32 s11, v56;
	v27 =	vor.u32 v20, v62;
	v24 =	vld.idx.msk [tilespmem:v24+s21+$0x0], $0xffff  }
0x395: {  	v29 =	vor.u32 $0x61, v29  }
0x396: {  	v26 =	vor.u32 v22, v26;
	_ =	sdelay $0x2  }
0x397: {  	[tilespmem:v27+s29+$0x0] =	vst.idx.add.f32.msk $0xffff, v24  }
0x398: {  	v24 =	vld.idx.msk [tilespmem:v29+s22+$0x0], $0xffff  }
0x399: {  	v26 =	vld.idx.msk [tilespmem:v26+s22+$0x0], $0xffff  }
0x39a: {  	v63 =	vor.u32 v25, v60  }
0x39b: {  	v25 =	vor.u32 v28, v63  }
0x39c: {  	vm15 =	veq.s32 v30, v0  }
.Ltmp6:
0x39d: {  	v24 =	vnsel vm15, $0x0, v24;
	(pc) =	sbr.rel @p0 .LBB2_12-.Ltmp6, $4  }
0x39e: {  	v24 =	vadd.f32 v24, v26  }
0x39f: {  	s7 =	sshll.u32 s7, $0x5  }
0x3a0: {  	s7 =	sadd.s32 s7, s10;
	[tilespmem:v25+s29+$0x0] =	vst.idx.add.f32.msk $0xffff, v24  }
0x3a1: {  	[hbm4b:s7+s2] =	stream.linear.scatter [tilespmem:s29], [sflag:$0x6], $0x1000, $0x38;
	[tilespmem:$0x14000] =	vst v63  }
0x3a2: {  	s6 =	sadd.s32 $0x3, s6  }
0x3a3: {  	s7 =	sshll.u32 s6, $0xD  }
0x3a4: {  	s15 =	sshll.u32 s6, $0x9;
	s7 =	sadd.s32 s0, s7  }
0x3a5: {  	[tilespmem:s21], [sflag:$0x2] =	stream.linear.gather [hbm4b:s7+s2], $0x8000, $0x38;
	[tilespmem:$0x14000] =	vst v63  }
.Ltmp7:
0x3a6: {  	s6 =	sshll.u32 s6, $0x10;
	s7 =	sand.u32 $0x1C00, s15;
	(pc) =	sbr.rel .LBB2_6-.Ltmp7, $4  }
0x3a7: {  	s6 =	sor.u32 s7, s6  }
0x3a8: {  	s6 =	sshrl.u32 s6, $0x3  }
0x3a9: {  	s3 =	sadd.s32 $0x1, s3;
	s6 =	sadd.s32 s6, s5  }
0x3aa: {  	[tilespmem:s22], [sflag:$0x4] =	stream.strided.gather [hbm4b:s6+s18], $0x1000, s19, s18, $0x38;
	[tilespmem:$0x14000] =	vst v63  }
.LBB2_13:
0x3ab: {  	_ =	sfence.sel $0x180000  }
0x3ac: {  	[bflag:$0x0] =	sbarrier.arrive $0xFFFF  }
0x3ad: {  	_ =	strace $0x90000047  }
0x3ae: {  	s0 =	stileid.u32;
	[bflag:$0x2] =	sbarrier.arrive $0xFFFF  }
0x3af: {  	p0 =	sne.s32 s0, $0x0;
	s0 =	rddreg [dreg:$0x2]  }
0x3b0: {  	s0 =	sadd.s32 @!p0 $0x100000, s0  }
0x3b1: {  	[sflag:s0] =	ssyncadd.tile.s32 @!p0 $0x1;
	_ =	shalt  }
.Lfunc_end2:
_tile_overlayer_lowered:
.L_overlay_start_2:
0x3b2: {  	(tag) =	ssettag $0x2  }
0x3b3: {  	s0 =	rddreg [dreg:$0x0];
	s2 =	stileid.u32  }
0x3b4: {  	s1 =	rddreg [dreg:$0x1];
	p0 =	sne.s32 s2, $0x0  }
0x3b5: {  	s3 =	rddreg [dreg:$0x2];
	[bflag:$0x3] =	sbarrier.arrive $0xFFFF;
	s2 =	simm.s32 @!p0 $0x1C07  }
0x3b6: {  	[timem:s3], [sflag:s2] =	dma.local @!p0 [hbm:s0], s1  }
0x3b7: {  	s0 =	simm.s32 @!p0 $0x7  }
0x3b8: {  	_ =	swait.ge @!p0 [sflag:s0], s1  }
0x3b9: {  	s1 =	ssub.s32 @!p0 $0x0, s1;
	[sflag:s0] =	ssyncset.done @!p0 $0x0  }
0x3ba: {  	[sflag:s0] =	ssyncadd.s32 @!p0 s1  }
0x3bb: {  	[bflag:$0x3] =	sbarrier.arrive $0xFFFF  }
0x3bc: {  	_ =	shalt  }

</sc_bundles>
